<compile_context>
chip_gen: v7x
topology: tpu7x:2x2x1
jax: 0.10.2.dev20260603
libtpu: 0.0.44.dev20260713+nightly
codegen_flags: <defaults>
</compile_context>

<pallas_src>
import functools

import jax
import jax.numpy as jnp
from jax import lax
from jax.experimental import pallas as pl
from jax.experimental.pallas import tpu as pltpu
from jax.experimental.pallas import tpu_sc as plsc

N = 10000
E = 160000
C = 256
CH = 128
B = 64
NS = 16
EPT = E // NS
CHUNK = 80
NCHUNK = EPT // CHUNK
SRCPH = 64
N_P = N
ROWS_PT = 624
ROWS_TAIL = N_P - ROWS_PT * NS
RB = 2000
NRB = N // RB


def _ln(x, g, b, eps=1e-5):
    mu = jnp.mean(x, axis=-1, keepdims=True)
    var = jnp.mean((x - mu) ** 2, axis=-1, keepdims=True)
    return (x - mu) / jnp.sqrt(var + eps) * g + b


def _gelu(x):
    return x * 0.5 * (1.0 + lax.erf(x * 0.7071067811865476))




def _k1_body(x_ref, png_ref, pnb_ref, wl_ref, tab_ref):
    h = _ln(x_ref[...], png_ref[...], pnb_ref[...])
    hl = jnp.dot(h, wl_ref[...], preferred_element_type=jnp.float32)
    tab_ref[0] = hl[:, :CH]
    tab_ref[1] = hl[:, CH:]


def _k1(x, pn_g, pn_b, W_l):
    return pl.pallas_call(
        _k1_body,
        grid=(NRB,),
        in_specs=[
            pl.BlockSpec((RB, C), lambda i: (i, 0)),
            pl.BlockSpec((1, C), lambda i: (0, 0)),
            pl.BlockSpec((1, C), lambda i: (0, 0)),
            pl.BlockSpec((C, C), lambda i: (0, 0)),
        ],
        out_specs=[
            pl.BlockSpec((2, RB, CH), lambda i: (0, i, 0)),
        ],
        out_shape=[
            jax.ShapeDtypeStruct((2, N, CH), jnp.float32),
        ],
    )(x, pn_g, pn_b, W_l)




def _k2_body(tab_ref, src_ref, dst_ref, zdeg_ref,
             agg_ref, deg_ref,
             srcbuf, dstbuf, rows, ones_v, sem, ssem, dsem,
             acc, degacc):
    c = lax.axis_index("c")
    s = lax.axis_index("s")

    def zrow(r, carry):
        for b in range(2):
            for k in range(CH // 16):
                rows[b, r, pl.ds(k * 16, 16)] = jnp.zeros((16,), jnp.float32)
        return carry

    lax.fori_loop(0, CHUNK, zrow, 0)
    zb = rows.at[0]
    for q in range(ROWS_PT // CHUNK):
        pltpu.sync_copy(zb, acc.at[pl.ds(s * ROWS_PT + q * CHUNK, CHUNK)])
    ZREM = ROWS_PT - (ROWS_PT // CHUNK) * CHUNK
    if ZREM:
        pltpu.sync_copy(zb.at[pl.ds(0, ZREM)],
                        acc.at[pl.ds(s * ROWS_PT + ROWS_PT - ZREM, ZREM)])

    @pl.when(s == 0)
    def _():
        pltpu.sync_copy(zb.at[pl.ds(0, ROWS_TAIL)],
                        acc.at[pl.ds(ROWS_PT * NS, ROWS_TAIL)])

    @pl.when(s == 0)
    def _():
        pltpu.sync_copy(zdeg_ref, degacc)

    for k in range(CHUNK // 16):
        ones_v[pl.ds(k * 16, 16)] = jnp.ones((16,), jnp.float32)

    pltpu.sync_copy(dst_ref.at[s], dstbuf)

    bufs = (rows.at[0], rows.at[1])
    sems = (sem.at[0], sem.at[1])
    ssems = (ssem.at[0], ssem.at[1])

    tabc = tab_ref.at[c]

    def run_phase(base, count, deg_core):
        pltpu.sync_copy(src_ref.at[s, pl.ds(base, count)],
                        srcbuf.at[pl.ds(0, count)])
        pltpu.async_copy(tabc.at[srcbuf.at[0]], bufs[0], sems[0])

        def halfstep(j, p):
            @pl.when(j < count - 1)
            def _():
                @pl.when(j >= 1)
                def _():
                    pltpu.make_async_copy(bufs[1 - p],
                                          acc.at[pl.ds(0, CHUNK)],
                                          ssems[1 - p]).wait()
                pltpu.async_copy(tabc.at[srcbuf.at[j + 1]], bufs[1 - p],
                                 sems[1 - p])
            pltpu.make_async_copy(tabc.at[pl.ds(0, CHUNK)], bufs[p],
                                  sems[p]).wait()
            pltpu.async_copy(bufs[p], acc.at[dstbuf.at[base + j]], ssems[p],
                             add=True)

            @pl.when(c == deg_core)
            def _():
                @pl.when(j >= 1)
                def _():
                    pltpu.make_async_copy(ones_v, degacc.at[pl.ds(0, CHUNK)],
                                          dsem).wait()
                pltpu.async_copy(ones_v, degacc.at[dstbuf.at[base + j]],
                                 dsem, add=True)

        def step(j, carry):
            @pl.when(lax.rem(j, 2) == 0)
            def _():
                halfstep(j, 0)

            @pl.when(lax.rem(j, 2) == 1)
            def _():
                halfstep(j, 1)

            return carry

        lax.fori_loop(0, count, step, 0)
        pltpu.make_async_copy(bufs[0], acc.at[pl.ds(0, CHUNK)],
                              ssems[0]).wait()
        pltpu.make_async_copy(bufs[1], acc.at[pl.ds(0, CHUNK)],
                              ssems[1]).wait()

        @pl.when(c == deg_core)
        def _():
            pltpu.make_async_copy(ones_v, degacc.at[pl.ds(0, CHUNK)],
                                  dsem).wait()

    plsc.subcore_barrier()
    run_phase(0, SRCPH, 0)
    run_phase(SRCPH, NCHUNK - SRCPH, 1)
    plsc.subcore_barrier()
    pltpu.sync_copy(acc.at[pl.ds(s * ROWS_PT, ROWS_PT)],
                    agg_ref.at[c, pl.ds(s * ROWS_PT, ROWS_PT)])

    @pl.when(s == 0)
    def _():
        pltpu.sync_copy(acc.at[pl.ds(ROWS_PT * NS, N - ROWS_PT * NS)],
                        agg_ref.at[c, pl.ds(ROWS_PT * NS, N - ROWS_PT * NS)])

    @pl.when(s == 0)
    def _():
        pltpu.sync_copy(degacc, deg_ref.at[c, 0])


def _k2(tab2, src2r, dstr, zdeg):
    mesh = plsc.VectorSubcoreMesh(core_axis_name="c", subcore_axis_name="s")
    f = pl.kernel(
        _k2_body,
        out_type=[
            jax.ShapeDtypeStruct((2, N, CH), jnp.float32),
            jax.ShapeDtypeStruct((2, 1, N_P), jnp.float32),
        ],
        mesh=mesh,
        scratch_types=[
            pltpu.VMEM((SRCPH, CHUNK), jnp.int32),
            pltpu.VMEM((NCHUNK, CHUNK), jnp.int32),
            pltpu.VMEM((2, CHUNK, CH), jnp.float32),
            pltpu.VMEM((CHUNK,), jnp.float32),
            pltpu.SemaphoreType.DMA((2,)),
            pltpu.SemaphoreType.DMA((2,)),
            pltpu.SemaphoreType.DMA,
            pltpu.VMEM_SHARED((N_P, CH), jnp.float32),
            pltpu.VMEM_SHARED((N_P,), jnp.float32),
        ],
    )
    return f(tab2, src2r, dstr, zdeg)




def _onehot(bf):
    return (bf == lax.broadcasted_iota(jnp.int32, (1, B), 1)
            .astype(jnp.float32)).astype(jnp.float32)


def _k3_body(x_ref, agg_ref, dega_ref, degb_ref, bf_ref, bfull_ref,
             png_ref, pnb_ref, wr_ref, bl_ref, lng_ref, lnb_ref,
             gw_ref, gb_ref, txt_ref, ft_ref, mw_ref, mb_ref, fw_ref,
             fb_ref, gwt_ref, mg_ref, mbb_ref, f1w_ref, f1b_ref,
             attn_ref, logits_ref, ge_ref,
             e_s, den_s, s_s):
    i = pl.program_id(0)

    @pl.when(i < NRB)
    def _():
        h = _ln(x_ref[...], png_ref[...], pnb_ref[...])
        hrb = jnp.dot(h, wr_ref[...], preferred_element_type=jnp.float32) \
            + bl_ref[...]
        agg = jnp.concatenate([agg_ref[0], agg_ref[1]], axis=1)
        deg = jnp.clip(dega_ref[...] + degb_ref[...], 1.0, None)
        h2 = _gelu(_ln(agg / deg + hrb, lng_ref[...], lnb_ref[...]))
        g = jnp.dot(h2, gw_ref[...], preferred_element_type=jnp.float32) \
            + gb_ref[...]
        e = jnp.exp(g)
        e_s[i] = e
        me = _onehot(bf_ref[...]) * e
        dpart = lax.dot_general(me, jnp.ones((RB, 1), jnp.float32),
                                (((0,), (0,)), ((), ())),
                                preferred_element_type=jnp.float32)
        spart = lax.dot_general(me, h2, (((0,), (0,)), ((), ())),
                                preferred_element_type=jnp.float32)

        @pl.when(i == 0)
        def _():
            den_s[...] = jnp.zeros((B, 1), jnp.float32)
            s_s[...] = jnp.zeros((B, C), jnp.float32)

        den_s[...] += dpart
        s_s[...] += spart

    @pl.when(i == NRB)
    def _():
        den = den_s[...]
        for q in range(NRB):
            mq = _onehot(bfull_ref[pl.ds(q * RB, RB), :])
            dq = jnp.dot(mq, den, preferred_element_type=jnp.float32)
            attn_ref[pl.ds(q * RB, RB), :] = e_s[q] / (dq + 1e-16)
        ge = s_s[...] / (den + 1e-16)
        ge_ref[...] = ge
        wg = gwt_ref[0, 0] * ge
        msg_e = _gelu(jnp.dot(txt_ref[...], mw_ref[...],
                              preferred_element_type=jnp.float32)
                      + mb_ref[...])
        feat_e = _gelu(jnp.dot(ft_ref[...], fw_ref[...],
                               preferred_element_type=jnp.float32)
                       + fb_ref[...])
        emb = jnp.concatenate([wg, msg_e, feat_e], axis=1)
        emb = _ln(emb, mg_ref[...], mbb_ref[...])
        logits_ref[...] = (jnp.dot(emb, f1w_ref[...],
                                   preferred_element_type=jnp.float32)
                           + f1b_ref[...])


def _k3(x, agg, dega, degb, batch_f, pn_g, pn_b, W_r, b_l, ln_g, ln_b,
        gate_W, gate_b, text, feats, msg_W, msg_b, feat_W, feat_b, gw,
        mix_g, mix_b, fc1_W, fc1_b):
    TXT = text.shape[1]
    MAN = feats.shape[1]
    clamp = lambda i: jnp.where(i < NRB, i, NRB - 1)
    cm = lambda i: (0, 0)
    return pl.pallas_call(
        _k3_body,
        grid=(NRB + 1,),
        in_specs=[
            pl.BlockSpec((RB, C), lambda i: (clamp(i), 0)),
            pl.BlockSpec((2, RB, CH), lambda i: (0, clamp(i), 0)),
            pl.BlockSpec((RB, 1), lambda i: (clamp(i), 0)),
            pl.BlockSpec((RB, 1), lambda i: (clamp(i), 0)),
            pl.BlockSpec((RB, 1), lambda i: (clamp(i), 0)),
            pl.BlockSpec((N, 1), cm),
            pl.BlockSpec((1, C), cm),
            pl.BlockSpec((1, C), cm),
            pl.BlockSpec((C, C), cm),
            pl.BlockSpec((1, C), cm),
            pl.BlockSpec((1, C), cm),
            pl.BlockSpec((1, C), cm),
            pl.BlockSpec((C, 1), cm),
            pl.BlockSpec((1, 1), cm),
            pl.BlockSpec((B, TXT), cm),
            pl.BlockSpec((B, MAN), cm),
            pl.BlockSpec((TXT, C), cm),
            pl.BlockSpec((1, C), cm),
            pl.BlockSpec((MAN, C), cm),
            pl.BlockSpec((1, C), cm),
            pl.BlockSpec((1, 1), cm),
            pl.BlockSpec((1, 3 * C), cm),
            pl.BlockSpec((1, 3 * C), cm),
            pl.BlockSpec((3 * C, 1), cm),
            pl.BlockSpec((1, 1), cm),
        ],
        out_specs=[
            pl.BlockSpec((N, 1), cm),
            pl.BlockSpec((B, 1), cm),
            pl.BlockSpec((B, C), cm),
        ],
        out_shape=[
            jax.ShapeDtypeStruct((N, 1), jnp.float32),
            jax.ShapeDtypeStruct((B, 1), jnp.float32),
            jax.ShapeDtypeStruct((B, C), jnp.float32),
        ],
        scratch_shapes=[
            pltpu.VMEM((NRB, RB, 1), jnp.float32),
            pltpu.VMEM((B, 1), jnp.float32),
            pltpu.VMEM((B, C), jnp.float32),
        ],
    )(x, agg, dega, degb, batch_f, batch_f, pn_g, pn_b, W_r, b_l, ln_g,
      ln_b, gate_W, gate_b, text, feats, msg_W, msg_b, feat_W, feat_b,
      gw, mix_g, mix_b, fc1_W, fc1_b)




def kernel(x_dict, edge_index, batch, text_embedding, features_embedding,
           pn_g, pn_b, W_l, b_l, W_r, ln_g, ln_b, gate_W, gate_b,
           msg_W, msg_b, feat_W, feat_b, graph_weight, mix_g, mix_b,
           fc1_W, fc1_b):
    src = edge_index[0]
    dst = edge_index[1]
    srcp = src.reshape(NS, NCHUNK, CHUNK)
    dstr = dst.reshape(NS, NCHUNK, CHUNK)
    zdeg = jnp.zeros((N_P,), jnp.float32)
    batch_f = batch.astype(jnp.float32).reshape(N, 1)

    pn_g2 = pn_g.reshape(1, C)
    pn_b2 = pn_b.reshape(1, C)
    b_l2 = b_l.reshape(1, C)
    ln_g2 = ln_g.reshape(1, C)
    ln_b2 = ln_b.reshape(1, C)
    gate_b2 = gate_b.reshape(1, 1)
    msg_b2 = msg_b.reshape(1, C)
    feat_b2 = feat_b.reshape(1, C)
    gw2 = graph_weight.reshape(1, 1)
    mix_g2 = mix_g.reshape(1, 3 * C)
    mix_b2 = mix_b.reshape(1, 3 * C)
    fc1_b2 = fc1_b.reshape(1, 1)

    tab = _k1(x_dict, pn_g2, pn_b2, W_l)[0]
    agg, deg2 = _k2(tab, srcp, dstr, zdeg)
    dega = deg2[0].reshape(N, 1)
    degb = deg2[1].reshape(N, 1)
    attn, logits, graph_emb = _k3(x_dict, agg, dega, degb, batch_f,
                                  pn_g2, pn_b2, W_r, b_l2, ln_g2, ln_b2,
                                  gate_W, gate_b2, text_embedding,
                                  features_embedding, msg_W, msg_b2,
                                  feat_W, feat_b2, gw2, mix_g2, mix_b2,
                                  fc1_W, fc1_b2)
    return (logits, graph_emb, attn)

# --- scband reference (transcript-rebuilt; emitter-appended) ---
"""Pipeline reference for scband-jitspdmodel-74028056314527 (READ-ONLY COPY).

The authoritative reference and input builder live on the scoring server;
editing this copy changes nothing except your own understanding.
"""

import jax, jax.numpy as jnp
import numpy as np

N = 10000
E = 160000
C_IN = 256
C_OUT = 256
B = 64
MAN = 14
TXT = 768


def layer_norm(x, g, b, eps=1e-5):
    mu = jnp.mean(x, axis=-1, keepdims=True)
    var = jnp.mean((x - mu) ** 2, axis=-1, keepdims=True)
    return (x - mu) / jnp.sqrt(var + eps) * g + b


def gelu(x):
    return jax.nn.gelu(x, approximate=False)


def setup_inputs(seed: int = 0) -> dict:
    key = jax.random.key(seed)
    ks = jax.random.split(key, 24)
    inp = {}
    inp['x_dict'] = jax.random.normal(ks[0], (N, C_IN), jnp.float32)
    inp['edge_index'] = jax.random.randint(ks[1], (2, E), 0, N, jnp.int32)
    inp['batch'] = jnp.sort(jax.random.randint(ks[2], (N,), 0, B, jnp.int32))
    inp['text_embedding'] = jax.random.normal(ks[3], (B, TXT), jnp.float32)
    inp['features_embedding'] = jax.random.normal(ks[4], (B, MAN), jnp.float32)
    # learned parameters
    s_in = 1.0 / np.sqrt(C_IN)
    inp['pn_g'] = jnp.ones((C_IN,), jnp.float32)
    inp['pn_b'] = jnp.zeros((C_IN,), jnp.float32)
    inp['W_l'] = jax.random.normal(ks[5], (C_IN, C_OUT), jnp.float32) * s_in
    inp['b_l'] = jnp.zeros((C_OUT,), jnp.float32)
    inp['W_r'] = jax.random.normal(ks[6], (C_IN, C_OUT), jnp.float32) * s_in
    inp['ln_g'] = jnp.ones((C_OUT,), jnp.float32)
    inp['ln_b'] = jnp.zeros((C_OUT,), jnp.float32)
    inp['gate_W'] = jax.random.normal(ks[7], (C_OUT, 1), jnp.float32) * (1.0 / np.sqrt(C_OUT))
    inp['gate_b'] = jnp.zeros((1,), jnp.float32)
    inp['msg_W'] = jax.random.normal(ks[8], (TXT, C_OUT), jnp.float32) * (1.0 / np.sqrt(TXT))
    inp['msg_b'] = jnp.zeros((C_OUT,), jnp.float32)
    inp['feat_W'] = jax.random.normal(ks[9], (MAN, C_OUT), jnp.float32) * (1.0 / np.sqrt(MAN))
    inp['feat_b'] = jnp.zeros((C_OUT,), jnp.float32)
    inp['graph_weight'] = jnp.array(1.0, jnp.float32)
    inp['mix_g'] = jnp.ones((3 * C_OUT,), jnp.float32)
    inp['mix_b'] = jnp.zeros((3 * C_OUT,), jnp.float32)
    inp['fc1_W'] = jax.random.normal(ks[10], (3 * C_OUT, 1), jnp.float32) * (1.0 / np.sqrt(3 * C_OUT))
    inp['fc1_b'] = jnp.zeros((1,), jnp.float32)
    return inp


def reference(x_dict, edge_index, batch, text_embedding, features_embedding,
              pn_g, pn_b, W_l, b_l, W_r, ln_g, ln_b, gate_W, gate_b,
              msg_W, msg_b, feat_W, feat_b, graph_weight, mix_g, mix_b, fc1_W, fc1_b):
    # project_norm
    h = layer_norm(x_dict, pn_g, pn_b)
    # GraphSAGE (num_layers=1): mean-aggregate neighbors, lin_l(agg) + lin_r(h)
    src = edge_index[0]
    dst = edge_index[1]
    msgs = jnp.take(h, src, axis=0)
    agg_sum = jax.ops.segment_sum(msgs, dst, num_segments=N)
    deg = jax.ops.segment_sum(jnp.ones((E,), jnp.float32), dst, num_segments=N)
    agg = agg_sum / jnp.clip(deg, 1.0, None)[:, None]
    h2 = agg @ W_l + b_l + h @ W_r
    # HomogeneousGraphConvolution: layernorm + gelu
    h2 = gelu(layer_norm(h2, ln_g, ln_b))
    # AttentionalAggregation: softmax(gate) within each graph, weighted sum
    gate = (h2 @ gate_W + gate_b)[:, 0]
    gmax = jax.ops.segment_max(gate, batch, num_segments=B)
    gexp = jnp.exp(gate - gmax[batch])
    denom = jax.ops.segment_sum(gexp, batch, num_segments=B)
    attn = gexp / (denom[batch] + 1e-16)
    graph_emb = jax.ops.segment_sum(h2 * attn[:, None], batch, num_segments=B)
    attn_weights = attn[:, None]
    # dropout is identity at inference
    wg = graph_weight * graph_emb
    msg_e = gelu(text_embedding @ msg_W + msg_b)
    feat_e = gelu(features_embedding @ feat_W + feat_b)
    emb = jnp.concatenate([wg, msg_e, feat_e], axis=1)
    emb = layer_norm(emb, mix_g, mix_b)
    logits = emb @ fc1_W + fc1_b
    return (logits, graph_emb, attn_weights)

if __name__ == "__main__":
    import jax
    _d = setup_inputs()
    print(jax.jit(kernel)(*tuple(_d.values())))

</pallas_src>

<mosaic_0001>
#map = affine_map<(d0, d1) -> (0, 0, 0)>
#map1 = affine_map<(d0, d1) -> (0)>
module attributes {stable_mosaic.version = 14 : i64} {
  func.func @_k2_body(%arg0: i32, %arg1: i32, %arg2: memref<2x10000x128xf32, #tpu.memory_space<hbm>>, %arg3: memref<16x125x80xi32, #tpu.memory_space<hbm>>, %arg4: memref<16x125x80xi32, #tpu.memory_space<hbm>>, %arg5: memref<10000xf32, #tpu.memory_space<hbm>>, %arg6: memref<2x10000x128xf32, #tpu.memory_space<hbm>>, %arg7: memref<2x1x10000xf32, #tpu.memory_space<hbm>>, %arg8: memref<64x80xi32, #tpu.memory_space<vmem>>, %arg9: memref<125x80xi32, #tpu.memory_space<vmem>>, %arg10: memref<2x80x128xf32, #tpu.memory_space<vmem>>, %arg11: memref<80xf32, #tpu.memory_space<vmem>>, %arg12: memref<2x!tpu.dma_semaphore, #tpu.memory_space<semaphore_mem>>, %arg13: memref<2x!tpu.dma_semaphore, #tpu.memory_space<semaphore_mem>>, %arg14: memref<!tpu.dma_semaphore, #tpu.memory_space<semaphore_mem>>, %arg15: memref<10000x128xf32, #tpu.memory_space<vmem_shared>>, %arg16: memref<10000xf32, #tpu.memory_space<vmem_shared>>) attributes {dimension_semantics = [#tpu.dimension_semantics<core_parallel>, #tpu.dimension_semantics<subcore_parallel>], iteration_bounds = array<i64: 2, 16>, scalar_prefetch = 0 : i64, scratch_operands = 9 : i64, tpu.core_type = #tpu.core_type<sc_vector_subcore>, window_params = [{transform_indices = #map}, {transform_indices = #map}, {transform_indices = #map}, {transform_indices = #map1}, {transform_indices = #map}, {transform_indices = #map}]} {
    %scan3A = arith.constant 0 : i32
    %scan3A_0 = arith.constant 0 : i32
    %scan3A_1 = arith.constant 80 : i32
    %scan3A_2 = arith.addi %scan3A_0, %scan3A_1 : i32
    %scan3A_3 = arith.constant 1 : i32
    scf.for %scan3A_236 = %scan3A_0 to %scan3A_2 step %scan3A_3  : i32 {
      %broadcast_in_dim3A_237 = arith.constant 0.000000e+00 : f32
      %broadcast_in_dim3A_238 = vector.broadcast %broadcast_in_dim3A_237 : f32 to vector<16xf32>
      %swap3A_239 = arith.constant 0 : i32
      %swap3A_240 = arith.index_cast %swap3A_239 : i32 to index
      %swap3A_241 = arith.index_cast %scan3A_236 : i32 to index
      %swap3A_242 = arith.constant 0 : index
      %swap3A_243 = tpu.vector_load %arg10[%swap3A_240, %swap3A_241, %swap3A_242] {strides = array<i32>} : memref<2x80x128xf32, #tpu.memory_space<vmem>>, vector<1x1x16xf32>,
      %swap3A_244 = vector.shape_cast %swap3A_243 : vector<1x1x16xf32> to vector<16xf32>
      %swap3A_245 = vector.shape_cast %broadcast_in_dim3A_238 : vector<16xf32> to vector<1x1x16xf32>
      tpu.vector_store %arg10[%swap3A_240, %swap3A_241, %swap3A_242], %swap3A_245 {strides = array<i32>} : memref<2x80x128xf32, #tpu.memory_space<vmem>>, vector<1x1x16xf32>,
      %broadcast_in_dim3A_246 = arith.constant 0.000000e+00 : f32
      %broadcast_in_dim3A_247 = vector.broadcast %broadcast_in_dim3A_246 : f32 to vector<16xf32>
      %swap3A_248 = arith.constant 0 : i32
      %swap3A_249 = arith.index_cast %swap3A_248 : i32 to index
      %swap3A_250 = arith.index_cast %scan3A_236 : i32 to index
      %swap3A_251 = arith.constant 16 : index
      %swap3A_252 = tpu.vector_load %arg10[%swap3A_249, %swap3A_250, %swap3A_251] {strides = array<i32>} : memref<2x80x128xf32, #tpu.memory_space<vmem>>, vector<1x1x16xf32>,
      %swap3A_253 = vector.shape_cast %swap3A_252 : vector<1x1x16xf32> to vector<16xf32>
      %swap3A_254 = vector.shape_cast %broadcast_in_dim3A_247 : vector<16xf32> to vector<1x1x16xf32>
      tpu.vector_store %arg10[%swap3A_249, %swap3A_250, %swap3A_251], %swap3A_254 {strides = array<i32>} : memref<2x80x128xf32, #tpu.memory_space<vmem>>, vector<1x1x16xf32>,
      %broadcast_in_dim3A_255 = arith.constant 0.000000e+00 : f32
      %broadcast_in_dim3A_256 = vector.broadcast %broadcast_in_dim3A_255 : f32 to vector<16xf32>
      %swap3A_257 = arith.constant 0 : i32
      %swap3A_258 = arith.index_cast %swap3A_257 : i32 to index
      %swap3A_259 = arith.index_cast %scan3A_236 : i32 to index
      %swap3A_260 = arith.constant 32 : index
      %swap3A_261 = tpu.vector_load %arg10[%swap3A_258, %swap3A_259, %swap3A_260] {strides = array<i32>} : memref<2x80x128xf32, #tpu.memory_space<vmem>>, vector<1x1x16xf32>,
      %swap3A_262 = vector.shape_cast %swap3A_261 : vector<1x1x16xf32> to vector<16xf32>
      %swap3A_263 = vector.shape_cast %broadcast_in_dim3A_256 : vector<16xf32> to vector<1x1x16xf32>
      tpu.vector_store %arg10[%swap3A_258, %swap3A_259, %swap3A_260], %swap3A_263 {strides = array<i32>} : memref<2x80x128xf32, #tpu.memory_space<vmem>>, vector<1x1x16xf32>,
      %broadcast_in_dim3A_264 = arith.constant 0.000000e+00 : f32
      %broadcast_in_dim3A_265 = vector.broadcast %broadcast_in_dim3A_264 : f32 to vector<16xf32>
      %swap3A_266 = arith.constant 0 : i32
      %swap3A_267 = arith.index_cast %swap3A_266 : i32 to index
      %swap3A_268 = arith.index_cast %scan3A_236 : i32 to index
      %swap3A_269 = arith.constant 48 : index
      %swap3A_270 = tpu.vector_load %arg10[%swap3A_267, %swap3A_268, %swap3A_269] {strides = array<i32>} : memref<2x80x128xf32, #tpu.memory_space<vmem>>, vector<1x1x16xf32>,
      %swap3A_271 = vector.shape_cast %swap3A_270 : vector<1x1x16xf32> to vector<16xf32>
      %swap3A_272 = vector.shape_cast %broadcast_in_dim3A_265 : vector<16xf32> to vector<1x1x16xf32>
      tpu.vector_store %arg10[%swap3A_267, %swap3A_268, %swap3A_269], %swap3A_272 {strides = array<i32>} : memref<2x80x128xf32, #tpu.memory_space<vmem>>, vector<1x1x16xf32>,
      %broadcast_in_dim3A_273 = arith.constant 0.000000e+00 : f32
      %broadcast_in_dim3A_274 = vector.broadcast %broadcast_in_dim3A_273 : f32 to vector<16xf32>
      %swap3A_275 = arith.constant 0 : i32
      %swap3A_276 = arith.index_cast %swap3A_275 : i32 to index
      %swap3A_277 = arith.index_cast %scan3A_236 : i32 to index
      %swap3A_278 = arith.constant 64 : index
      %swap3A_279 = tpu.vector_load %arg10[%swap3A_276, %swap3A_277, %swap3A_278] {strides = array<i32>} : memref<2x80x128xf32, #tpu.memory_space<vmem>>, vector<1x1x16xf32>,
      %swap3A_280 = vector.shape_cast %swap3A_279 : vector<1x1x16xf32> to vector<16xf32>
      %swap3A_281 = vector.shape_cast %broadcast_in_dim3A_274 : vector<16xf32> to vector<1x1x16xf32>
      tpu.vector_store %arg10[%swap3A_276, %swap3A_277, %swap3A_278], %swap3A_281 {strides = array<i32>} : memref<2x80x128xf32, #tpu.memory_space<vmem>>, vector<1x1x16xf32>,
      %broadcast_in_dim3A_282 = arith.constant 0.000000e+00 : f32
      %broadcast_in_dim3A_283 = vector.broadcast %broadcast_in_dim3A_282 : f32 to vector<16xf32>
      %swap3A_284 = arith.constant 0 : i32
      %swap3A_285 = arith.index_cast %swap3A_284 : i32 to index
      %swap3A_286 = arith.index_cast %scan3A_236 : i32 to index
      %swap3A_287 = arith.constant 80 : index
      %swap3A_288 = tpu.vector_load %arg10[%swap3A_285, %swap3A_286, %swap3A_287] {strides = array<i32>} : memref<2x80x128xf32, #tpu.memory_space<vmem>>, vector<1x1x16xf32>,
      %swap3A_289 = vector.shape_cast %swap3A_288 : vector<1x1x16xf32> to vector<16xf32>
      %swap3A_290 = vector.shape_cast %broadcast_in_dim3A_283 : vector<16xf32> to vector<1x1x16xf32>
      tpu.vector_store %arg10[%swap3A_285, %swap3A_286, %swap3A_287], %swap3A_290 {strides = array<i32>} : memref<2x80x128xf32, #tpu.memory_space<vmem>>, vector<1x1x16xf32>,
      %broadcast_in_dim3A_291 = arith.constant 0.000000e+00 : f32
      %broadcast_in_dim3A_292 = vector.broadcast %broadcast_in_dim3A_291 : f32 to vector<16xf32>
      %swap3A_293 = arith.constant 0 : i32
      %swap3A_294 = arith.index_cast %swap3A_293 : i32 to index
      %swap3A_295 = arith.index_cast %scan3A_236 : i32 to index
      %swap3A_296 = arith.constant 96 : index
      %swap3A_297 = tpu.vector_load %arg10[%swap3A_294, %swap3A_295, %swap3A_296] {strides = array<i32>} : memref<2x80x128xf32, #tpu.memory_space<vmem>>, vector<1x1x16xf32>,
      %swap3A_298 = vector.shape_cast %swap3A_297 : vector<1x1x16xf32> to vector<16xf32>
      %swap3A_299 = vector.shape_cast %broadcast_in_dim3A_292 : vector<16xf32> to vector<1x1x16xf32>
      tpu.vector_store %arg10[%swap3A_294, %swap3A_295, %swap3A_296], %swap3A_299 {strides = array<i32>} : memref<2x80x128xf32, #tpu.memory_space<vmem>>, vector<1x1x16xf32>,
      %broadcast_in_dim3A_300 = arith.constant 0.000000e+00 : f32
      %broadcast_in_dim3A_301 = vector.broadcast %broadcast_in_dim3A_300 : f32 to vector<16xf32>
      %swap3A_302 = arith.constant 0 : i32
      %swap3A_303 = arith.index_cast %swap3A_302 : i32 to index
      %swap3A_304 = arith.index_cast %scan3A_236 : i32 to index
      %swap3A_305 = arith.constant 112 : index
      %swap3A_306 = tpu.vector_load %arg10[%swap3A_303, %swap3A_304, %swap3A_305] {strides = array<i32>} : memref<2x80x128xf32, #tpu.memory_space<vmem>>, vector<1x1x16xf32>,
      %swap3A_307 = vector.shape_cast %swap3A_306 : vector<1x1x16xf32> to vector<16xf32>
      %swap3A_308 = vector.shape_cast %broadcast_in_dim3A_301 : vector<16xf32> to vector<1x1x16xf32>
      tpu.vector_store %arg10[%swap3A_303, %swap3A_304, %swap3A_305], %swap3A_308 {strides = array<i32>} : memref<2x80x128xf32, #tpu.memory_space<vmem>>, vector<1x1x16xf32>,
      %broadcast_in_dim3A_309 = arith.constant 0.000000e+00 : f32
      %broadcast_in_dim3A_310 = vector.broadcast %broadcast_in_dim3A_309 : f32 to vector<16xf32>
      %swap3A_311 = arith.constant 1 : i32
      %swap3A_312 = arith.index_cast %swap3A_311 : i32 to index
      %swap3A_313 = arith.index_cast %scan3A_236 : i32 to index
      %swap3A_314 = arith.constant 0 : index
      %swap3A_315 = tpu.vector_load %arg10[%swap3A_312, %swap3A_313, %swap3A_314] {strides = array<i32>} : memref<2x80x128xf32, #tpu.memory_space<vmem>>, vector<1x1x16xf32>,
      %swap3A_316 = vector.shape_cast %swap3A_315 : vector<1x1x16xf32> to vector<16xf32>
      %swap3A_317 = vector.shape_cast %broadcast_in_dim3A_310 : vector<16xf32> to vector<1x1x16xf32>
      tpu.vector_store %arg10[%swap3A_312, %swap3A_313, %swap3A_314], %swap3A_317 {strides = array<i32>} : memref<2x80x128xf32, #tpu.memory_space<vmem>>, vector<1x1x16xf32>,
      %broadcast_in_dim3A_318 = arith.constant 0.000000e+00 : f32
      %broadcast_in_dim3A_319 = vector.broadcast %broadcast_in_dim3A_318 : f32 to vector<16xf32>
      %swap3A_320 = arith.constant 1 : i32
      %swap3A_321 = arith.index_cast %swap3A_320 : i32 to index
      %swap3A_322 = arith.index_cast %scan3A_236 : i32 to index
      %swap3A_323 = arith.constant 16 : index
      %swap3A_324 = tpu.vector_load %arg10[%swap3A_321, %swap3A_322, %swap3A_323] {strides = array<i32>} : memref<2x80x128xf32, #tpu.memory_space<vmem>>, vector<1x1x16xf32>,
      %swap3A_325 = vector.shape_cast %swap3A_324 : vector<1x1x16xf32> to vector<16xf32>
      %swap3A_326 = vector.shape_cast %broadcast_in_dim3A_319 : vector<16xf32> to vector<1x1x16xf32>
      tpu.vector_store %arg10[%swap3A_321, %swap3A_322, %swap3A_323], %swap3A_326 {strides = array<i32>} : memref<2x80x128xf32, #tpu.memory_space<vmem>>, vector<1x1x16xf32>,
      %broadcast_in_dim3A_327 = arith.constant 0.000000e+00 : f32
      %broadcast_in_dim3A_328 = vector.broadcast %broadcast_in_dim3A_327 : f32 to vector<16xf32>
      %swap3A_329 = arith.constant 1 : i32
      %swap3A_330 = arith.index_cast %swap3A_329 : i32 to index
      %swap3A_331 = arith.index_cast %scan3A_236 : i32 to index
      %swap3A_332 = arith.constant 32 : index
      %swap3A_333 = tpu.vector_load %arg10[%swap3A_330, %swap3A_331, %swap3A_332] {strides = array<i32>} : memref<2x80x128xf32, #tpu.memory_space<vmem>>, vector<1x1x16xf32>,
      %swap3A_334 = vector.shape_cast %swap3A_333 : vector<1x1x16xf32> to vector<16xf32>
      %swap3A_335 = vector.shape_cast %broadcast_in_dim3A_328 : vector<16xf32> to vector<1x1x16xf32>
      tpu.vector_store %arg10[%swap3A_330, %swap3A_331, %swap3A_332], %swap3A_335 {strides = array<i32>} : memref<2x80x128xf32, #tpu.memory_space<vmem>>, vector<1x1x16xf32>,
      %broadcast_in_dim3A_336 = arith.constant 0.000000e+00 : f32
      %broadcast_in_dim3A_337 = vector.broadcast %broadcast_in_dim3A_336 : f32 to vector<16xf32>
      %swap3A_338 = arith.constant 1 : i32
      %swap3A_339 = arith.index_cast %swap3A_338 : i32 to index
      %swap3A_340 = arith.index_cast %scan3A_236 : i32 to index
      %swap3A_341 = arith.constant 48 : index
      %swap3A_342 = tpu.vector_load %arg10[%swap3A_339, %swap3A_340, %swap3A_341] {strides = array<i32>} : memref<2x80x128xf32, #tpu.memory_space<vmem>>, vector<1x1x16xf32>,
      %swap3A_343 = vector.shape_cast %swap3A_342 : vector<1x1x16xf32> to vector<16xf32>
      %swap3A_344 = vector.shape_cast %broadcast_in_dim3A_337 : vector<16xf32> to vector<1x1x16xf32>
      tpu.vector_store %arg10[%swap3A_339, %swap3A_340, %swap3A_341], %swap3A_344 {strides = array<i32>} : memref<2x80x128xf32, #tpu.memory_space<vmem>>, vector<1x1x16xf32>,
      %broadcast_in_dim3A_345 = arith.constant 0.000000e+00 : f32
      %broadcast_in_dim3A_346 = vector.broadcast %broadcast_in_dim3A_345 : f32 to vector<16xf32>
      %swap3A_347 = arith.constant 1 : i32
      %swap3A_348 = arith.index_cast %swap3A_347 : i32 to index
      %swap3A_349 = arith.index_cast %scan3A_236 : i32 to index
      %swap3A_350 = arith.constant 64 : index
      %swap3A_351 = tpu.vector_load %arg10[%swap3A_348, %swap3A_349, %swap3A_350] {strides = array<i32>} : memref<2x80x128xf32, #tpu.memory_space<vmem>>, vector<1x1x16xf32>,
      %swap3A_352 = vector.shape_cast %swap3A_351 : vector<1x1x16xf32> to vector<16xf32>
      %swap3A_353 = vector.shape_cast %broadcast_in_dim3A_346 : vector<16xf32> to vector<1x1x16xf32>
      tpu.vector_store %arg10[%swap3A_348, %swap3A_349, %swap3A_350], %swap3A_353 {strides = array<i32>} : memref<2x80x128xf32, #tpu.memory_space<vmem>>, vector<1x1x16xf32>,
      %broadcast_in_dim3A_354 = arith.constant 0.000000e+00 : f32
      %broadcast_in_dim3A_355 = vector.broadcast %broadcast_in_dim3A_354 : f32 to vector<16xf32>
      %swap3A_356 = arith.constant 1 : i32
      %swap3A_357 = arith.index_cast %swap3A_356 : i32 to index
      %swap3A_358 = arith.index_cast %scan3A_236 : i32 to index
      %swap3A_359 = arith.constant 80 : index
      %swap3A_360 = tpu.vector_load %arg10[%swap3A_357, %swap3A_358, %swap3A_359] {strides = array<i32>} : memref<2x80x128xf32, #tpu.memory_space<vmem>>, vector<1x1x16xf32>,
      %swap3A_361 = vector.shape_cast %swap3A_360 : vector<1x1x16xf32> to vector<16xf32>
      %swap3A_362 = vector.shape_cast %broadcast_in_dim3A_355 : vector<16xf32> to vector<1x1x16xf32>
      tpu.vector_store %arg10[%swap3A_357, %swap3A_358, %swap3A_359], %swap3A_362 {strides = array<i32>} : memref<2x80x128xf32, #tpu.memory_space<vmem>>, vector<1x1x16xf32>,
      %broadcast_in_dim3A_363 = arith.constant 0.000000e+00 : f32
      %broadcast_in_dim3A_364 = vector.broadcast %broadcast_in_dim3A_363 : f32 to vector<16xf32>
      %swap3A_365 = arith.constant 1 : i32
      %swap3A_366 = arith.index_cast %swap3A_365 : i32 to index
      %swap3A_367 = arith.index_cast %scan3A_236 : i32 to index
      %swap3A_368 = arith.constant 96 : index
      %swap3A_369 = tpu.vector_load %arg10[%swap3A_366, %swap3A_367, %swap3A_368] {strides = array<i32>} : memref<2x80x128xf32, #tpu.memory_space<vmem>>, vector<1x1x16xf32>,
      %swap3A_370 = vector.shape_cast %swap3A_369 : vector<1x1x16xf32> to vector<16xf32>
      %swap3A_371 = vector.shape_cast %broadcast_in_dim3A_364 : vector<16xf32> to vector<1x1x16xf32>
      tpu.vector_store %arg10[%swap3A_366, %swap3A_367, %swap3A_368], %swap3A_371 {strides = array<i32>} : memref<2x80x128xf32, #tpu.memory_space<vmem>>, vector<1x1x16xf32>,
      %broadcast_in_dim3A_372 = arith.constant 0.000000e+00 : f32
      %broadcast_in_dim3A_373 = vector.broadcast %broadcast_in_dim3A_372 : f32 to vector<16xf32>
      %swap3A_374 = arith.constant 1 : i32
      %swap3A_375 = arith.index_cast %swap3A_374 : i32 to index
      %swap3A_376 = arith.index_cast %scan3A_236 : i32 to index
      %swap3A_377 = arith.constant 112 : index
      %swap3A_378 = tpu.vector_load %arg10[%swap3A_375, %swap3A_376, %swap3A_377] {strides = array<i32>} : memref<2x80x128xf32, #tpu.memory_space<vmem>>, vector<1x1x16xf32>,
      %swap3A_379 = vector.shape_cast %swap3A_378 : vector<1x1x16xf32> to vector<16xf32>
      %swap3A_380 = vector.shape_cast %broadcast_in_dim3A_373 : vector<16xf32> to vector<1x1x16xf32>
      tpu.vector_store %arg10[%swap3A_375, %swap3A_376, %swap3A_377], %swap3A_380 {strides = array<i32>} : memref<2x80x128xf32, #tpu.memory_space<vmem>>, vector<1x1x16xf32>,
    }
    %scan3A_4 = arith.constant 80 : i32
    %mul3A = arith.constant 624 : i32
    %mul3A_5 = arith.muli %arg1, %mul3A : i32
    %add3A = arith.constant 0 : i32
    %add3A_6 = arith.addi %mul3A_5, %add3A : i32
    %run_scoped3A = arith.constant 0 : i32
    "tpu.region"() ({
      %run_scoped3A_236 = tpu.sem_alloc : memref<!tpu.dma_semaphore, #tpu.memory_space<semaphore_mem>>
      %dma_start3A_237 = arith.constant 0 : i32
      %dma_start3A_238 = arith.constant 0 : i32
      %dma_start3A_239 = tpu.memref_slice %arg10[%run_scoped3A, %dma_start3A_237, %dma_start3A_238] : memref<2x80x128xf32, #tpu.memory_space<vmem>> -> memref<1x80x128xf32, #tpu.memory_space<vmem>>
      %dma_start3A_240 = tpu.memref_squeeze %dma_start3A_239 : memref<1x80x128xf32, #tpu.memory_space<vmem>> -> memref<80x128xf32, #tpu.memory_space<vmem>>
      %dma_start3A_241 = arith.constant 0 : i32
      %dma_start3A_242 = tpu.memref_slice %arg15[%add3A_6, %dma_start3A_241] : memref<10000x128xf32, #tpu.memory_space<vmem_shared>> -> memref<80x128xf32, #tpu.memory_space<vmem_shared>>
      %dma_start3A_243 = arith.constant 0 : i32
      %dma_start3A_244 = tpu.memref_slice %arg15[%add3A_6, %dma_start3A_243] : memref<10000x128xf32, #tpu.memory_space<vmem_shared>> -> memref<80x128xf32, #tpu.memory_space<vmem_shared>>
      %dma_start3A_245 = arith.constant 0 : i32
      %dma_start3A_246 = arith.constant 0 : i32
      %dma_start3A_247 = tpu.memref_slice %arg10[%run_scoped3A, %dma_start3A_245, %dma_start3A_246] : memref<2x80x128xf32, #tpu.memory_space<vmem>> -> memref<1x80x128xf32, #tpu.memory_space<vmem>>
      %dma_start3A_248 = tpu.memref_squeeze %dma_start3A_247 : memref<1x80x128xf32, #tpu.memory_space<vmem>> -> memref<80x128xf32, #tpu.memory_space<vmem>>
      tpu.enqueue_dma source(%dma_start3A_248 : memref<80x128xf32, #tpu.memory_space<vmem>>) target(%dma_start3A_244 : memref<80x128xf32, #tpu.memory_space<vmem_shared>>) target_semaphore(%run_scoped3A_236 : memref<!tpu.dma_semaphore, #tpu.memory_space<semaphore_mem>>)
      %dma_wait3A_249 = arith.constant 0 : i32
      %dma_wait3A_250 = arith.constant 0 : i32
      %dma_wait3A_251 = tpu.memref_slice %arg10[%run_scoped3A, %dma_wait3A_249, %dma_wait3A_250] : memref<2x80x128xf32, #tpu.memory_space<vmem>> -> memref<1x80x128xf32, #tpu.memory_space<vmem>>
      %dma_wait3A_252 = tpu.memref_squeeze %dma_wait3A_251 : memref<1x80x128xf32, #tpu.memory_space<vmem>> -> memref<80x128xf32, #tpu.memory_space<vmem>>
      %dma_wait3A_253 = arith.constant 0 : i32
      %dma_wait3A_254 = tpu.memref_slice %arg15[%add3A_6, %dma_wait3A_253] : memref<10000x128xf32, #tpu.memory_space<vmem_shared>> -> memref<80x128xf32, #tpu.memory_space<vmem_shared>>
      %dma_wait3A_255 = arith.constant 0 : i32
      %dma_wait3A_256 = tpu.memref_slice %arg15[%add3A_6, %dma_wait3A_255] : memref<10000x128xf32, #tpu.memory_space<vmem_shared>> -> memref<80x128xf32, #tpu.memory_space<vmem_shared>>
      %dma_wait3A_257 = arith.constant 0 : i32
      %dma_wait3A_258 = arith.constant 0 : i32
      %dma_wait3A_259 = tpu.memref_slice %arg10[%run_scoped3A, %dma_wait3A_257, %dma_wait3A_258] : memref<2x80x128xf32, #tpu.memory_space<vmem>> -> memref<1x80x128xf32, #tpu.memory_space<vmem>>
      %dma_wait3A_260 = tpu.memref_squeeze %dma_wait3A_259 : memref<1x80x128xf32, #tpu.memory_space<vmem>> -> memref<80x128xf32, #tpu.memory_space<vmem>>
      tpu.wait_dma2 semaphore(%run_scoped3A_236 : memref<!tpu.dma_semaphore, #tpu.memory_space<semaphore_mem>>) src(%dma_wait3A_260 : memref<80x128xf32, #tpu.memory_space<vmem>>) dst(%dma_wait3A_256 : memref<80x128xf32, #tpu.memory_space<vmem_shared>>)
      tpu.yield
    }) : () -> ()
    %mul3A_7 = arith.constant 624 : i32
    %mul3A_8 = arith.muli %arg1, %mul3A_7 : i32
    %add3A_9 = arith.constant 80 : i32
    %add3A_10 = arith.addi %mul3A_8, %add3A_9 : i32
    %run_scoped3A_11 = arith.constant 0 : i32
    "tpu.region"() ({
      %run_scoped3A_236 = tpu.sem_alloc : memref<!tpu.dma_semaphore, #tpu.memory_space<semaphore_mem>>
      %dma_start3A_237 = arith.constant 0 : i32
      %dma_start3A_238 = arith.constant 0 : i32
      %dma_start3A_239 = tpu.memref_slice %arg10[%run_scoped3A_11, %dma_start3A_237, %dma_start3A_238] : memref<2x80x128xf32, #tpu.memory_space<vmem>> -> memref<1x80x128xf32, #tpu.memory_space<vmem>>
      %dma_start3A_240 = tpu.memref_squeeze %dma_start3A_239 : memref<1x80x128xf32, #tpu.memory_space<vmem>> -> memref<80x128xf32, #tpu.memory_space<vmem>>
      %dma_start3A_241 = arith.constant 0 : i32
      %dma_start3A_242 = tpu.memref_slice %arg15[%add3A_10, %dma_start3A_241] : memref<10000x128xf32, #tpu.memory_space<vmem_shared>> -> memref<80x128xf32, #tpu.memory_space<vmem_shared>>
      %dma_start3A_243 = arith.constant 0 : i32
      %dma_start3A_244 = tpu.memref_slice %arg15[%add3A_10, %dma_start3A_243] : memref<10000x128xf32, #tpu.memory_space<vmem_shared>> -> memref<80x128xf32, #tpu.memory_space<vmem_shared>>
      %dma_start3A_245 = arith.constant 0 : i32
      %dma_start3A_246 = arith.constant 0 : i32
      %dma_start3A_247 = tpu.memref_slice %arg10[%run_scoped3A_11, %dma_start3A_245, %dma_start3A_246] : memref<2x80x128xf32, #tpu.memory_space<vmem>> -> memref<1x80x128xf32, #tpu.memory_space<vmem>>
      %dma_start3A_248 = tpu.memref_squeeze %dma_start3A_247 : memref<1x80x128xf32, #tpu.memory_space<vmem>> -> memref<80x128xf32, #tpu.memory_space<vmem>>
      tpu.enqueue_dma source(%dma_start3A_248 : memref<80x128xf32, #tpu.memory_space<vmem>>) target(%dma_start3A_244 : memref<80x128xf32, #tpu.memory_space<vmem_shared>>) target_semaphore(%run_scoped3A_236 : memref<!tpu.dma_semaphore, #tpu.memory_space<semaphore_mem>>)
      %dma_wait3A_249 = arith.constant 0 : i32
      %dma_wait3A_250 = arith.constant 0 : i32
      %dma_wait3A_251 = tpu.memref_slice %arg10[%run_scoped3A_11, %dma_wait3A_249, %dma_wait3A_250] : memref<2x80x128xf32, #tpu.memory_space<vmem>> -> memref<1x80x128xf32, #tpu.memory_space<vmem>>
      %dma_wait3A_252 = tpu.memref_squeeze %dma_wait3A_251 : memref<1x80x128xf32, #tpu.memory_space<vmem>> -> memref<80x128xf32, #tpu.memory_space<vmem>>
      %dma_wait3A_253 = arith.constant 0 : i32
      %dma_wait3A_254 = tpu.memref_slice %arg15[%add3A_10, %dma_wait3A_253] : memref<10000x128xf32, #tpu.memory_space<vmem_shared>> -> memref<80x128xf32, #tpu.memory_space<vmem_shared>>
      %dma_wait3A_255 = arith.constant 0 : i32
      %dma_wait3A_256 = tpu.memref_slice %arg15[%add3A_10, %dma_wait3A_255] : memref<10000x128xf32, #tpu.memory_space<vmem_shared>> -> memref<80x128xf32, #tpu.memory_space<vmem_shared>>
      %dma_wait3A_257 = arith.constant 0 : i32
      %dma_wait3A_258 = arith.constant 0 : i32
      %dma_wait3A_259 = tpu.memref_slice %arg10[%run_scoped3A_11, %dma_wait3A_257, %dma_wait3A_258] : memref<2x80x128xf32, #tpu.memory_space<vmem>> -> memref<1x80x128xf32, #tpu.memory_space<vmem>>
      %dma_wait3A_260 = tpu.memref_squeeze %dma_wait3A_259 : memref<1x80x128xf32, #tpu.memory_space<vmem>> -> memref<80x128xf32, #tpu.memory_space<vmem>>
      tpu.wait_dma2 semaphore(%run_scoped3A_236 : memref<!tpu.dma_semaphore, #tpu.memory_space<semaphore_mem>>) src(%dma_wait3A_260 : memref<80x128xf32, #tpu.memory_space<vmem>>) dst(%dma_wait3A_256 : memref<80x128xf32, #tpu.memory_space<vmem_shared>>)
      tpu.yield
    }) : () -> ()
    %mul3A_12 = arith.constant 624 : i32
    %mul3A_13 = arith.muli %arg1, %mul3A_12 : i32
    %add3A_14 = arith.constant 160 : i32
    %add3A_15 = arith.addi %mul3A_13, %add3A_14 : i32
    %run_scoped3A_16 = arith.constant 0 : i32
    "tpu.region"() ({
      %run_scoped3A_236 = tpu.sem_alloc : memref<!tpu.dma_semaphore, #tpu.memory_space<semaphore_mem>>
      %dma_start3A_237 = arith.constant 0 : i32
      %dma_start3A_238 = arith.constant 0 : i32
      %dma_start3A_239 = tpu.memref_slice %arg10[%run_scoped3A_16, %dma_start3A_237, %dma_start3A_238] : memref<2x80x128xf32, #tpu.memory_space<vmem>> -> memref<1x80x128xf32, #tpu.memory_space<vmem>>
      %dma_start3A_240 = tpu.memref_squeeze %dma_start3A_239 : memref<1x80x128xf32, #tpu.memory_space<vmem>> -> memref<80x128xf32, #tpu.memory_space<vmem>>
      %dma_start3A_241 = arith.constant 0 : i32
      %dma_start3A_242 = tpu.memref_slice %arg15[%add3A_15, %dma_start3A_241] : memref<10000x128xf32, #tpu.memory_space<vmem_shared>> -> memref<80x128xf32, #tpu.memory_space<vmem_shared>>
      %dma_start3A_243 = arith.constant 0 : i32
      %dma_start3A_244 = tpu.memref_slice %arg15[%add3A_15, %dma_start3A_243] : memref<10000x128xf32, #tpu.memory_space<vmem_shared>> -> memref<80x128xf32, #tpu.memory_space<vmem_shared>>
      %dma_start3A_245 = arith.constant 0 : i32
      %dma_start3A_246 = arith.constant 0 : i32
      %dma_start3A_247 = tpu.memref_slice %arg10[%run_scoped3A_16, %dma_start3A_245, %dma_start3A_246] : memref<2x80x128xf32, #tpu.memory_space<vmem>> -> memref<1x80x128xf32, #tpu.memory_space<vmem>>
      %dma_start3A_248 = tpu.memref_squeeze %dma_start3A_247 : memref<1x80x128xf32, #tpu.memory_space<vmem>> -> memref<80x128xf32, #tpu.memory_space<vmem>>
      tpu.enqueue_dma source(%dma_start3A_248 : memref<80x128xf32, #tpu.memory_space<vmem>>) target(%dma_start3A_244 : memref<80x128xf32, #tpu.memory_space<vmem_shared>>) target_semaphore(%run_scoped3A_236 : memref<!tpu.dma_semaphore, #tpu.memory_space<semaphore_mem>>)
      %dma_wait3A_249 = arith.constant 0 : i32
      %dma_wait3A_250 = arith.constant 0 : i32
      %dma_wait3A_251 = tpu.memref_slice %arg10[%run_scoped3A_16, %dma_wait3A_249, %dma_wait3A_250] : memref<2x80x128xf32, #tpu.memory_space<vmem>> -> memref<1x80x128xf32, #tpu.memory_space<vmem>>
      %dma_wait3A_252 = tpu.memref_squeeze %dma_wait3A_251 : memref<1x80x128xf32, #tpu.memory_space<vmem>> -> memref<80x128xf32, #tpu.memory_space<vmem>>
      %dma_wait3A_253 = arith.constant 0 : i32
      %dma_wait3A_254 = tpu.memref_slice %arg15[%add3A_15, %dma_wait3A_253] : memref<10000x128xf32, #tpu.memory_space<vmem_shared>> -> memref<80x128xf32, #tpu.memory_space<vmem_shared>>
      %dma_wait3A_255 = arith.constant 0 : i32
      %dma_wait3A_256 = tpu.memref_slice %arg15[%add3A_15, %dma_wait3A_255] : memref<10000x128xf32, #tpu.memory_space<vmem_shared>> -> memref<80x128xf32, #tpu.memory_space<vmem_shared>>
      %dma_wait3A_257 = arith.constant 0 : i32
      %dma_wait3A_258 = arith.constant 0 : i32
      %dma_wait3A_259 = tpu.memref_slice %arg10[%run_scoped3A_16, %dma_wait3A_257, %dma_wait3A_258] : memref<2x80x128xf32, #tpu.memory_space<vmem>> -> memref<1x80x128xf32, #tpu.memory_space<vmem>>
      %dma_wait3A_260 = tpu.memref_squeeze %dma_wait3A_259 : memref<1x80x128xf32, #tpu.memory_space<vmem>> -> memref<80x128xf32, #tpu.memory_space<vmem>>
      tpu.wait_dma2 semaphore(%run_scoped3A_236 : memref<!tpu.dma_semaphore, #tpu.memory_space<semaphore_mem>>) src(%dma_wait3A_260 : memref<80x128xf32, #tpu.memory_space<vmem>>) dst(%dma_wait3A_256 : memref<80x128xf32, #tpu.memory_space<vmem_shared>>)
      tpu.yield
    }) : () -> ()
    %mul3A_17 = arith.constant 624 : i32
    %mul3A_18 = arith.muli %arg1, %mul3A_17 : i32
    %add3A_19 = arith.constant 240 : i32
    %add3A_20 = arith.addi %mul3A_18, %add3A_19 : i32
    %run_scoped3A_21 = arith.constant 0 : i32
    "tpu.region"() ({
      %run_scoped3A_236 = tpu.sem_alloc : memref<!tpu.dma_semaphore, #tpu.memory_space<semaphore_mem>>
      %dma_start3A_237 = arith.constant 0 : i32
      %dma_start3A_238 = arith.constant 0 : i32
      %dma_start3A_239 = tpu.memref_slice %arg10[%run_scoped3A_21, %dma_start3A_237, %dma_start3A_238] : memref<2x80x128xf32, #tpu.memory_space<vmem>> -> memref<1x80x128xf32, #tpu.memory_space<vmem>>
      %dma_start3A_240 = tpu.memref_squeeze %dma_start3A_239 : memref<1x80x128xf32, #tpu.memory_space<vmem>> -> memref<80x128xf32, #tpu.memory_space<vmem>>
      %dma_start3A_241 = arith.constant 0 : i32
      %dma_start3A_242 = tpu.memref_slice %arg15[%add3A_20, %dma_start3A_241] : memref<10000x128xf32, #tpu.memory_space<vmem_shared>> -> memref<80x128xf32, #tpu.memory_space<vmem_shared>>
      %dma_start3A_243 = arith.constant 0 : i32
      %dma_start3A_244 = tpu.memref_slice %arg15[%add3A_20, %dma_start3A_243] : memref<10000x128xf32, #tpu.memory_space<vmem_shared>> -> memref<80x128xf32, #tpu.memory_space<vmem_shared>>
      %dma_start3A_245 = arith.constant 0 : i32
      %dma_start3A_246 = arith.constant 0 : i32
      %dma_start3A_247 = tpu.memref_slice %arg10[%run_scoped3A_21, %dma_start3A_245, %dma_start3A_246] : memref<2x80x128xf32, #tpu.memory_space<vmem>> -> memref<1x80x128xf32, #tpu.memory_space<vmem>>
      %dma_start3A_248 = tpu.memref_squeeze %dma_start3A_247 : memref<1x80x128xf32, #tpu.memory_space<vmem>> -> memref<80x128xf32, #tpu.memory_space<vmem>>
      tpu.enqueue_dma source(%dma_start3A_248 : memref<80x128xf32, #tpu.memory_space<vmem>>) target(%dma_start3A_244 : memref<80x128xf32, #tpu.memory_space<vmem_shared>>) target_semaphore(%run_scoped3A_236 : memref<!tpu.dma_semaphore, #tpu.memory_space<semaphore_mem>>)
      %dma_wait3A_249 = arith.constant 0 : i32
      %dma_wait3A_250 = arith.constant 0 : i32
      %dma_wait3A_251 = tpu.memref_slice %arg10[%run_scoped3A_21, %dma_wait3A_249, %dma_wait3A_250] : memref<2x80x128xf32, #tpu.memory_space<vmem>> -> memref<1x80x128xf32, #tpu.memory_space<vmem>>
      %dma_wait3A_252 = tpu.memref_squeeze %dma_wait3A_251 : memref<1x80x128xf32, #tpu.memory_space<vmem>> -> memref<80x128xf32, #tpu.memory_space<vmem>>
      %dma_wait3A_253 = arith.constant 0 : i32
      %dma_wait3A_254 = tpu.memref_slice %arg15[%add3A_20, %dma_wait3A_253] : memref<10000x128xf32, #tpu.memory_space<vmem_shared>> -> memref<80x128xf32, #tpu.memory_space<vmem_shared>>
      %dma_wait3A_255 = arith.constant 0 : i32
      %dma_wait3A_256 = tpu.memref_slice %arg15[%add3A_20, %dma_wait3A_255] : memref<10000x128xf32, #tpu.memory_space<vmem_shared>> -> memref<80x128xf32, #tpu.memory_space<vmem_shared>>
      %dma_wait3A_257 = arith.constant 0 : i32
      %dma_wait3A_258 = arith.constant 0 : i32
      %dma_wait3A_259 = tpu.memref_slice %arg10[%run_scoped3A_21, %dma_wait3A_257, %dma_wait3A_258] : memref<2x80x128xf32, #tpu.memory_space<vmem>> -> memref<1x80x128xf32, #tpu.memory_space<vmem>>
      %dma_wait3A_260 = tpu.memref_squeeze %dma_wait3A_259 : memref<1x80x128xf32, #tpu.memory_space<vmem>> -> memref<80x128xf32, #tpu.memory_space<vmem>>
      tpu.wait_dma2 semaphore(%run_scoped3A_236 : memref<!tpu.dma_semaphore, #tpu.memory_space<semaphore_mem>>) src(%dma_wait3A_260 : memref<80x128xf32, #tpu.memory_space<vmem>>) dst(%dma_wait3A_256 : memref<80x128xf32, #tpu.memory_space<vmem_shared>>)
      tpu.yield
    }) : () -> ()
    %mul3A_22 = arith.constant 624 : i32
    %mul3A_23 = arith.muli %arg1, %mul3A_22 : i32
    %add3A_24 = arith.constant 320 : i32
    %add3A_25 = arith.addi %mul3A_23, %add3A_24 : i32
    %run_scoped3A_26 = arith.constant 0 : i32
    "tpu.region"() ({
      %run_scoped3A_236 = tpu.sem_alloc : memref<!tpu.dma_semaphore, #tpu.memory_space<semaphore_mem>>
      %dma_start3A_237 = arith.constant 0 : i32
      %dma_start3A_238 = arith.constant 0 : i32
      %dma_start3A_239 = tpu.memref_slice %arg10[%run_scoped3A_26, %dma_start3A_237, %dma_start3A_238] : memref<2x80x128xf32, #tpu.memory_space<vmem>> -> memref<1x80x128xf32, #tpu.memory_space<vmem>>
      %dma_start3A_240 = tpu.memref_squeeze %dma_start3A_239 : memref<1x80x128xf32, #tpu.memory_space<vmem>> -> memref<80x128xf32, #tpu.memory_space<vmem>>
      %dma_start3A_241 = arith.constant 0 : i32
      %dma_start3A_242 = tpu.memref_slice %arg15[%add3A_25, %dma_start3A_241] : memref<10000x128xf32, #tpu.memory_space<vmem_shared>> -> memref<80x128xf32, #tpu.memory_space<vmem_shared>>
      %dma_start3A_243 = arith.constant 0 : i32
      %dma_start3A_244 = tpu.memref_slice %arg15[%add3A_25, %dma_start3A_243] : memref<10000x128xf32, #tpu.memory_space<vmem_shared>> -> memref<80x128xf32, #tpu.memory_space<vmem_shared>>
      %dma_start3A_245 = arith.constant 0 : i32
      %dma_start3A_246 = arith.constant 0 : i32
      %dma_start3A_247 = tpu.memref_slice %arg10[%run_scoped3A_26, %dma_start3A_245, %dma_start3A_246] : memref<2x80x128xf32, #tpu.memory_space<vmem>> -> memref<1x80x128xf32, #tpu.memory_space<vmem>>
      %dma_start3A_248 = tpu.memref_squeeze %dma_start3A_247 : memref<1x80x128xf32, #tpu.memory_space<vmem>> -> memref<80x128xf32, #tpu.memory_space<vmem>>
      tpu.enqueue_dma source(%dma_start3A_248 : memref<80x128xf32, #tpu.memory_space<vmem>>) target(%dma_start3A_244 : memref<80x128xf32, #tpu.memory_space<vmem_shared>>) target_semaphore(%run_scoped3A_236 : memref<!tpu.dma_semaphore, #tpu.memory_space<semaphore_mem>>)
      %dma_wait3A_249 = arith.constant 0 : i32
      %dma_wait3A_250 = arith.constant 0 : i32
      %dma_wait3A_251 = tpu.memref_slice %arg10[%run_scoped3A_26, %dma_wait3A_249, %dma_wait3A_250] : memref<2x80x128xf32, #tpu.memory_space<vmem>> -> memref<1x80x128xf32, #tpu.memory_space<vmem>>
      %dma_wait3A_252 = tpu.memref_squeeze %dma_wait3A_251 : memref<1x80x128xf32, #tpu.memory_space<vmem>> -> memref<80x128xf32, #tpu.memory_space<vmem>>
      %dma_wait3A_253 = arith.constant 0 : i32
      %dma_wait3A_254 = tpu.memref_slice %arg15[%add3A_25, %dma_wait3A_253] : memref<10000x128xf32, #tpu.memory_space<vmem_shared>> -> memref<80x128xf32, #tpu.memory_space<vmem_shared>>
      %dma_wait3A_255 = arith.constant 0 : i32
      %dma_wait3A_256 = tpu.memref_slice %arg15[%add3A_25, %dma_wait3A_255] : memref<10000x128xf32, #tpu.memory_space<vmem_shared>> -> memref<80x128xf32, #tpu.memory_space<vmem_shared>>
      %dma_wait3A_257 = arith.constant 0 : i32
      %dma_wait3A_258 = arith.constant 0 : i32
      %dma_wait3A_259 = tpu.memref_slice %arg10[%run_scoped3A_26, %dma_wait3A_257, %dma_wait3A_258] : memref<2x80x128xf32, #tpu.memory_space<vmem>> -> memref<1x80x128xf32, #tpu.memory_space<vmem>>
      %dma_wait3A_260 = tpu.memref_squeeze %dma_wait3A_259 : memref<1x80x128xf32, #tpu.memory_space<vmem>> -> memref<80x128xf32, #tpu.memory_space<vmem>>
      tpu.wait_dma2 semaphore(%run_scoped3A_236 : memref<!tpu.dma_semaphore, #tpu.memory_space<semaphore_mem>>) src(%dma_wait3A_260 : memref<80x128xf32, #tpu.memory_space<vmem>>) dst(%dma_wait3A_256 : memref<80x128xf32, #tpu.memory_space<vmem_shared>>)
      tpu.yield
    }) : () -> ()
    %mul3A_27 = arith.constant 624 : i32
    %mul3A_28 = arith.muli %arg1, %mul3A_27 : i32
    %add3A_29 = arith.constant 400 : i32
    %add3A_30 = arith.addi %mul3A_28, %add3A_29 : i32
    %run_scoped3A_31 = arith.constant 0 : i32
    "tpu.region"() ({
      %run_scoped3A_236 = tpu.sem_alloc : memref<!tpu.dma_semaphore, #tpu.memory_space<semaphore_mem>>
      %dma_start3A_237 = arith.constant 0 : i32
      %dma_start3A_238 = arith.constant 0 : i32
      %dma_start3A_239 = tpu.memref_slice %arg10[%run_scoped3A_31, %dma_start3A_237, %dma_start3A_238] : memref<2x80x128xf32, #tpu.memory_space<vmem>> -> memref<1x80x128xf32, #tpu.memory_space<vmem>>
      %dma_start3A_240 = tpu.memref_squeeze %dma_start3A_239 : memref<1x80x128xf32, #tpu.memory_space<vmem>> -> memref<80x128xf32, #tpu.memory_space<vmem>>
      %dma_start3A_241 = arith.constant 0 : i32
      %dma_start3A_242 = tpu.memref_slice %arg15[%add3A_30, %dma_start3A_241] : memref<10000x128xf32, #tpu.memory_space<vmem_shared>> -> memref<80x128xf32, #tpu.memory_space<vmem_shared>>
      %dma_start3A_243 = arith.constant 0 : i32
      %dma_start3A_244 = tpu.memref_slice %arg15[%add3A_30, %dma_start3A_243] : memref<10000x128xf32, #tpu.memory_space<vmem_shared>> -> memref<80x128xf32, #tpu.memory_space<vmem_shared>>
      %dma_start3A_245 = arith.constant 0 : i32
      %dma_start3A_246 = arith.constant 0 : i32
      %dma_start3A_247 = tpu.memref_slice %arg10[%run_scoped3A_31, %dma_start3A_245, %dma_start3A_246] : memref<2x80x128xf32, #tpu.memory_space<vmem>> -> memref<1x80x128xf32, #tpu.memory_space<vmem>>
      %dma_start3A_248 = tpu.memref_squeeze %dma_start3A_247 : memref<1x80x128xf32, #tpu.memory_space<vmem>> -> memref<80x128xf32, #tpu.memory_space<vmem>>
      tpu.enqueue_dma source(%dma_start3A_248 : memref<80x128xf32, #tpu.memory_space<vmem>>) target(%dma_start3A_244 : memref<80x128xf32, #tpu.memory_space<vmem_shared>>) target_semaphore(%run_scoped3A_236 : memref<!tpu.dma_semaphore, #tpu.memory_space<semaphore_mem>>)
      %dma_wait3A_249 = arith.constant 0 : i32
      %dma_wait3A_250 = arith.constant 0 : i32
      %dma_wait3A_251 = tpu.memref_slice %arg10[%run_scoped3A_31, %dma_wait3A_249, %dma_wait3A_250] : memref<2x80x128xf32, #tpu.memory_space<vmem>> -> memref<1x80x128xf32, #tpu.memory_space<vmem>>
      %dma_wait3A_252 = tpu.memref_squeeze %dma_wait3A_251 : memref<1x80x128xf32, #tpu.memory_space<vmem>> -> memref<80x128xf32, #tpu.memory_space<vmem>>
      %dma_wait3A_253 = arith.constant 0 : i32
      %dma_wait3A_254 = tpu.memref_slice %arg15[%add3A_30, %dma_wait3A_253] : memref<10000x128xf32, #tpu.memory_space<vmem_shared>> -> memref<80x128xf32, #tpu.memory_space<vmem_shared>>
      %dma_wait3A_255 = arith.constant 0 : i32
      %dma_wait3A_256 = tpu.memref_slice %arg15[%add3A_30, %dma_wait3A_255] : memref<10000x128xf32, #tpu.memory_space<vmem_shared>> -> memref<80x128xf32, #tpu.memory_space<vmem_shared>>
      %dma_wait3A_257 = arith.constant 0 : i32
      %dma_wait3A_258 = arith.constant 0 : i32
      %dma_wait3A_259 = tpu.memref_slice %arg10[%run_scoped3A_31, %dma_wait3A_257, %dma_wait3A_258] : memref<2x80x128xf32, #tpu.memory_space<vmem>> -> memref<1x80x128xf32, #tpu.memory_space<vmem>>
      %dma_wait3A_260 = tpu.memref_squeeze %dma_wait3A_259 : memref<1x80x128xf32, #tpu.memory_space<vmem>> -> memref<80x128xf32, #tpu.memory_space<vmem>>
      tpu.wait_dma2 semaphore(%run_scoped3A_236 : memref<!tpu.dma_semaphore, #tpu.memory_space<semaphore_mem>>) src(%dma_wait3A_260 : memref<80x128xf32, #tpu.memory_space<vmem>>) dst(%dma_wait3A_256 : memref<80x128xf32, #tpu.memory_space<vmem_shared>>)
      tpu.yield
    }) : () -> ()
    %mul3A_32 = arith.constant 624 : i32
    %mul3A_33 = arith.muli %arg1, %mul3A_32 : i32
    %add3A_34 = arith.constant 480 : i32
    %add3A_35 = arith.addi %mul3A_33, %add3A_34 : i32
    %run_scoped3A_36 = arith.constant 0 : i32
    "tpu.region"() ({
      %run_scoped3A_236 = tpu.sem_alloc : memref<!tpu.dma_semaphore, #tpu.memory_space<semaphore_mem>>
      %dma_start3A_237 = arith.constant 0 : i32
      %dma_start3A_238 = arith.constant 0 : i32
      %dma_start3A_239 = tpu.memref_slice %arg10[%run_scoped3A_36, %dma_start3A_237, %dma_start3A_238] : memref<2x80x128xf32, #tpu.memory_space<vmem>> -> memref<1x80x128xf32, #tpu.memory_space<vmem>>
      %dma_start3A_240 = tpu.memref_squeeze %dma_start3A_239 : memref<1x80x128xf32, #tpu.memory_space<vmem>> -> memref<80x128xf32, #tpu.memory_space<vmem>>
      %dma_start3A_241 = arith.constant 0 : i32
      %dma_start3A_242 = tpu.memref_slice %arg15[%add3A_35, %dma_start3A_241] : memref<10000x128xf32, #tpu.memory_space<vmem_shared>> -> memref<80x128xf32, #tpu.memory_space<vmem_shared>>
      %dma_start3A_243 = arith.constant 0 : i32
      %dma_start3A_244 = tpu.memref_slice %arg15[%add3A_35, %dma_start3A_243] : memref<10000x128xf32, #tpu.memory_space<vmem_shared>> -> memref<80x128xf32, #tpu.memory_space<vmem_shared>>
      %dma_start3A_245 = arith.constant 0 : i32
      %dma_start3A_246 = arith.constant 0 : i32
      %dma_start3A_247 = tpu.memref_slice %arg10[%run_scoped3A_36, %dma_start3A_245, %dma_start3A_246] : memref<2x80x128xf32, #tpu.memory_space<vmem>> -> memref<1x80x128xf32, #tpu.memory_space<vmem>>
      %dma_start3A_248 = tpu.memref_squeeze %dma_start3A_247 : memref<1x80x128xf32, #tpu.memory_space<vmem>> -> memref<80x128xf32, #tpu.memory_space<vmem>>
      tpu.enqueue_dma source(%dma_start3A_248 : memref<80x128xf32, #tpu.memory_space<vmem>>) target(%dma_start3A_244 : memref<80x128xf32, #tpu.memory_space<vmem_shared>>) target_semaphore(%run_scoped3A_236 : memref<!tpu.dma_semaphore, #tpu.memory_space<semaphore_mem>>)
      %dma_wait3A_249 = arith.constant 0 : i32
      %dma_wait3A_250 = arith.constant 0 : i32
      %dma_wait3A_251 = tpu.memref_slice %arg10[%run_scoped3A_36, %dma_wait3A_249, %dma_wait3A_250] : memref<2x80x128xf32, #tpu.memory_space<vmem>> -> memref<1x80x128xf32, #tpu.memory_space<vmem>>
      %dma_wait3A_252 = tpu.memref_squeeze %dma_wait3A_251 : memref<1x80x128xf32, #tpu.memory_space<vmem>> -> memref<80x128xf32, #tpu.memory_space<vmem>>
      %dma_wait3A_253 = arith.constant 0 : i32
      %dma_wait3A_254 = tpu.memref_slice %arg15[%add3A_35, %dma_wait3A_253] : memref<10000x128xf32, #tpu.memory_space<vmem_shared>> -> memref<80x128xf32, #tpu.memory_space<vmem_shared>>
      %dma_wait3A_255 = arith.constant 0 : i32
      %dma_wait3A_256 = tpu.memref_slice %arg15[%add3A_35, %dma_wait3A_255] : memref<10000x128xf32, #tpu.memory_space<vmem_shared>> -> memref<80x128xf32, #tpu.memory_space<vmem_shared>>
      %dma_wait3A_257 = arith.constant 0 : i32
      %dma_wait3A_258 = arith.constant 0 : i32
      %dma_wait3A_259 = tpu.memref_slice %arg10[%run_scoped3A_36, %dma_wait3A_257, %dma_wait3A_258] : memref<2x80x128xf32, #tpu.memory_space<vmem>> -> memref<1x80x128xf32, #tpu.memory_space<vmem>>
      %dma_wait3A_260 = tpu.memref_squeeze %dma_wait3A_259 : memref<1x80x128xf32, #tpu.memory_space<vmem>> -> memref<80x128xf32, #tpu.memory_space<vmem>>
      tpu.wait_dma2 semaphore(%run_scoped3A_236 : memref<!tpu.dma_semaphore, #tpu.memory_space<semaphore_mem>>) src(%dma_wait3A_260 : memref<80x128xf32, #tpu.memory_space<vmem>>) dst(%dma_wait3A_256 : memref<80x128xf32, #tpu.memory_space<vmem_shared>>)
      tpu.yield
    }) : () -> ()
    %mul3A_37 = arith.constant 624 : i32
    %mul3A_38 = arith.muli %arg1, %mul3A_37 : i32
    %add3A_39 = arith.constant 624 : i32
    %add3A_40 = arith.addi %mul3A_38, %add3A_39 : i32
    %sub3A = arith.constant 64 : i32
    %sub3A_41 = arith.subi %add3A_40, %sub3A : i32
    %run_scoped3A_42 = arith.constant 0 : i32
    "tpu.region"() ({
      %run_scoped3A_236 = tpu.sem_alloc : memref<!tpu.dma_semaphore, #tpu.memory_space<semaphore_mem>>
      %dma_start3A_237 = arith.constant 0 : i32
      %dma_start3A_238 = arith.constant 0 : i32
      %dma_start3A_239 = tpu.memref_slice %arg10[%run_scoped3A_42, %dma_start3A_237, %dma_start3A_238] : memref<2x80x128xf32, #tpu.memory_space<vmem>> -> memref<1x80x128xf32, #tpu.memory_space<vmem>>
      %dma_start3A_240 = tpu.memref_squeeze %dma_start3A_239 : memref<1x80x128xf32, #tpu.memory_space<vmem>> -> memref<80x128xf32, #tpu.memory_space<vmem>>
      %dma_start3A_241 = arith.constant 0 : i32
      %dma_start3A_242 = arith.constant 0 : i32
      %dma_start3A_243 = tpu.memref_slice %dma_start3A_240[%dma_start3A_241, %dma_start3A_242] : memref<80x128xf32, #tpu.memory_space<vmem>> -> memref<64x128xf32, #tpu.memory_space<vmem>>
      %dma_start3A_244 = arith.constant 0 : i32
      %dma_start3A_245 = tpu.memref_slice %arg15[%sub3A_41, %dma_start3A_244] : memref<10000x128xf32, #tpu.memory_space<vmem_shared>> -> memref<64x128xf32, #tpu.memory_space<vmem_shared>>
      %dma_start3A_246 = arith.constant 0 : i32
      %dma_start3A_247 = tpu.memref_slice %arg15[%sub3A_41, %dma_start3A_246] : memref<10000x128xf32, #tpu.memory_space<vmem_shared>> -> memref<64x128xf32, #tpu.memory_space<vmem_shared>>
      %dma_start3A_248 = arith.constant 0 : i32
      %dma_start3A_249 = arith.constant 0 : i32
      %dma_start3A_250 = tpu.memref_slice %arg10[%run_scoped3A_42, %dma_start3A_248, %dma_start3A_249] : memref<2x80x128xf32, #tpu.memory_space<vmem>> -> memref<1x80x128xf32, #tpu.memory_space<vmem>>
      %dma_start3A_251 = tpu.memref_squeeze %dma_start3A_250 : memref<1x80x128xf32, #tpu.memory_space<vmem>> -> memref<80x128xf32, #tpu.memory_space<vmem>>
      %dma_start3A_252 = arith.constant 0 : i32
      %dma_start3A_253 = arith.constant 0 : i32
      %dma_start3A_254 = tpu.memref_slice %dma_start3A_251[%dma_start3A_252, %dma_start3A_253] : memref<80x128xf32, #tpu.memory_space<vmem>> -> memref<64x128xf32, #tpu.memory_space<vmem>>
      tpu.enqueue_dma source(%dma_start3A_254 : memref<64x128xf32, #tpu.memory_space<vmem>>) target(%dma_start3A_247 : memref<64x128xf32, #tpu.memory_space<vmem_shared>>) target_semaphore(%run_scoped3A_236 : memref<!tpu.dma_semaphore, #tpu.memory_space<semaphore_mem>>)
      %dma_wait3A_255 = arith.constant 0 : i32
      %dma_wait3A_256 = arith.constant 0 : i32
      %dma_wait3A_257 = tpu.memref_slice %arg10[%run_scoped3A_42, %dma_wait3A_255, %dma_wait3A_256] : memref<2x80x128xf32, #tpu.memory_space<vmem>> -> memref<1x80x128xf32, #tpu.memory_space<vmem>>
      %dma_wait3A_258 = tpu.memref_squeeze %dma_wait3A_257 : memref<1x80x128xf32, #tpu.memory_space<vmem>> -> memref<80x128xf32, #tpu.memory_space<vmem>>
      %dma_wait3A_259 = arith.constant 0 : i32
      %dma_wait3A_260 = arith.constant 0 : i32
      %dma_wait3A_261 = tpu.memref_slice %dma_wait3A_258[%dma_wait3A_259, %dma_wait3A_260] : memref<80x128xf32, #tpu.memory_space<vmem>> -> memref<64x128xf32, #tpu.memory_space<vmem>>
      %dma_wait3A_262 = arith.constant 0 : i32
      %dma_wait3A_263 = tpu.memref_slice %arg15[%sub3A_41, %dma_wait3A_262] : memref<10000x128xf32, #tpu.memory_space<vmem_shared>> -> memref<64x128xf32, #tpu.memory_space<vmem_shared>>
      %dma_wait3A_264 = arith.constant 0 : i32
      %dma_wait3A_265 = tpu.memref_slice %arg15[%sub3A_41, %dma_wait3A_264] : memref<10000x128xf32, #tpu.memory_space<vmem_shared>> -> memref<64x128xf32, #tpu.memory_space<vmem_shared>>
      %dma_wait3A_266 = arith.constant 0 : i32
      %dma_wait3A_267 = arith.constant 0 : i32
      %dma_wait3A_268 = tpu.memref_slice %arg10[%run_scoped3A_42, %dma_wait3A_266, %dma_wait3A_267] : memref<2x80x128xf32, #tpu.memory_space<vmem>> -> memref<1x80x128xf32, #tpu.memory_space<vmem>>
      %dma_wait3A_269 = tpu.memref_squeeze %dma_wait3A_268 : memref<1x80x128xf32, #tpu.memory_space<vmem>> -> memref<80x128xf32, #tpu.memory_space<vmem>>
      %dma_wait3A_270 = arith.constant 0 : i32
      %dma_wait3A_271 = arith.constant 0 : i32
      %dma_wait3A_272 = tpu.memref_slice %dma_wait3A_269[%dma_wait3A_270, %dma_wait3A_271] : memref<80x128xf32, #tpu.memory_space<vmem>> -> memref<64x128xf32, #tpu.memory_space<vmem>>
      tpu.wait_dma2 semaphore(%run_scoped3A_236 : memref<!tpu.dma_semaphore, #tpu.memory_space<semaphore_mem>>) src(%dma_wait3A_272 : memref<64x128xf32, #tpu.memory_space<vmem>>) dst(%dma_wait3A_265 : memref<64x128xf32, #tpu.memory_space<vmem_shared>>)
      tpu.yield
    }) : () -> ()
    %eq3A = arith.constant 0 : i32
    %eq3A_43 = arith.cmpi eq, %arg1, %eq3A : i32
    %convert_element_type3A = arith.extui %eq3A_43 : i1 to i32
    %cond3A = arith.constant 0 : i32
    %cond3A_44 = arith.constant 0 : i32
    %cond3A_45 = arith.cmpi ne, %convert_element_type3A, %cond3A_44 : i32
    scf.if %cond3A_45 {
      "tpu.region"() ({
        %run_scoped3A_236 = tpu.sem_alloc : memref<!tpu.dma_semaphore, #tpu.memory_space<semaphore_mem>>
        %dma_start3A_237 = arith.constant 0 : i32
        %dma_start3A_238 = arith.constant 0 : i32
        %dma_start3A_239 = tpu.memref_slice %arg10[%cond3A, %dma_start3A_237, %dma_start3A_238] : memref<2x80x128xf32, #tpu.memory_space<vmem>> -> memref<1x80x128xf32, #tpu.memory_space<vmem>>
        %dma_start3A_240 = tpu.memref_squeeze %dma_start3A_239 : memref<1x80x128xf32, #tpu.memory_space<vmem>> -> memref<80x128xf32, #tpu.memory_space<vmem>>
        %dma_start3A_241 = arith.constant 0 : i32
        %dma_start3A_242 = arith.constant 0 : i32
        %dma_start3A_243 = tpu.memref_slice %dma_start3A_240[%dma_start3A_241, %dma_start3A_242] : memref<80x128xf32, #tpu.memory_space<vmem>> -> memref<16x128xf32, #tpu.memory_space<vmem>>
        %dma_start3A_244 = arith.constant 9984 : i32
        %dma_start3A_245 = arith.constant 0 : i32
        %dma_start3A_246 = tpu.memref_slice %arg15[%dma_start3A_244, %dma_start3A_245] : memref<10000x128xf32, #tpu.memory_space<vmem_shared>> -> memref<16x128xf32, #tpu.memory_space<vmem_shared>>
        %dma_start3A_247 = arith.constant 9984 : i32
        %dma_start3A_248 = arith.constant 0 : i32
        %dma_start3A_249 = tpu.memref_slice %arg15[%dma_start3A_247, %dma_start3A_248] : memref<10000x128xf32, #tpu.memory_space<vmem_shared>> -> memref<16x128xf32, #tpu.memory_space<vmem_shared>>
        %dma_start3A_250 = arith.constant 0 : i32
        %dma_start3A_251 = arith.constant 0 : i32
        %dma_start3A_252 = tpu.memref_slice %arg10[%cond3A, %dma_start3A_250, %dma_start3A_251] : memref<2x80x128xf32, #tpu.memory_space<vmem>> -> memref<1x80x128xf32, #tpu.memory_space<vmem>>
        %dma_start3A_253 = tpu.memref_squeeze %dma_start3A_252 : memref<1x80x128xf32, #tpu.memory_space<vmem>> -> memref<80x128xf32, #tpu.memory_space<vmem>>
        %dma_start3A_254 = arith.constant 0 : i32
        %dma_start3A_255 = arith.constant 0 : i32
        %dma_start3A_256 = tpu.memref_slice %dma_start3A_253[%dma_start3A_254, %dma_start3A_255] : memref<80x128xf32, #tpu.memory_space<vmem>> -> memref<16x128xf32, #tpu.memory_space<vmem>>
        tpu.enqueue_dma source(%dma_start3A_256 : memref<16x128xf32, #tpu.memory_space<vmem>>) target(%dma_start3A_249 : memref<16x128xf32, #tpu.memory_space<vmem_shared>>) target_semaphore(%run_scoped3A_236 : memref<!tpu.dma_semaphore, #tpu.memory_space<semaphore_mem>>)
        %dma_wait3A_257 = arith.constant 0 : i32
        %dma_wait3A_258 = arith.constant 0 : i32
        %dma_wait3A_259 = tpu.memref_slice %arg10[%cond3A, %dma_wait3A_257, %dma_wait3A_258] : memref<2x80x128xf32, #tpu.memory_space<vmem>> -> memref<1x80x128xf32, #tpu.memory_space<vmem>>
        %dma_wait3A_260 = tpu.memref_squeeze %dma_wait3A_259 : memref<1x80x128xf32, #tpu.memory_space<vmem>> -> memref<80x128xf32, #tpu.memory_space<vmem>>
        %dma_wait3A_261 = arith.constant 0 : i32
        %dma_wait3A_262 = arith.constant 0 : i32
        %dma_wait3A_263 = tpu.memref_slice %dma_wait3A_260[%dma_wait3A_261, %dma_wait3A_262] : memref<80x128xf32, #tpu.memory_space<vmem>> -> memref<16x128xf32, #tpu.memory_space<vmem>>
        %dma_wait3A_264 = arith.constant 9984 : i32
        %dma_wait3A_265 = arith.constant 0 : i32
        %dma_wait3A_266 = tpu.memref_slice %arg15[%dma_wait3A_264, %dma_wait3A_265] : memref<10000x128xf32, #tpu.memory_space<vmem_shared>> -> memref<16x128xf32, #tpu.memory_space<vmem_shared>>
        %dma_wait3A_267 = arith.constant 9984 : i32
        %dma_wait3A_268 = arith.constant 0 : i32
        %dma_wait3A_269 = tpu.memref_slice %arg15[%dma_wait3A_267, %dma_wait3A_268] : memref<10000x128xf32, #tpu.memory_space<vmem_shared>> -> memref<16x128xf32, #tpu.memory_space<vmem_shared>>
        %dma_wait3A_270 = arith.constant 0 : i32
        %dma_wait3A_271 = arith.constant 0 : i32
        %dma_wait3A_272 = tpu.memref_slice %arg10[%cond3A, %dma_wait3A_270, %dma_wait3A_271] : memref<2x80x128xf32, #tpu.memory_space<vmem>> -> memref<1x80x128xf32, #tpu.memory_space<vmem>>
        %dma_wait3A_273 = tpu.memref_squeeze %dma_wait3A_272 : memref<1x80x128xf32, #tpu.memory_space<vmem>> -> memref<80x128xf32, #tpu.memory_space<vmem>>
        %dma_wait3A_274 = arith.constant 0 : i32
        %dma_wait3A_275 = arith.constant 0 : i32
        %dma_wait3A_276 = tpu.memref_slice %dma_wait3A_273[%dma_wait3A_274, %dma_wait3A_275] : memref<80x128xf32, #tpu.memory_space<vmem>> -> memref<16x128xf32, #tpu.memory_space<vmem>>
        tpu.wait_dma2 semaphore(%run_scoped3A_236 : memref<!tpu.dma_semaphore, #tpu.memory_space<semaphore_mem>>) src(%dma_wait3A_276 : memref<16x128xf32, #tpu.memory_space<vmem>>) dst(%dma_wait3A_269 : memref<16x128xf32, #tpu.memory_space<vmem_shared>>)
        tpu.yield
      }) : () -> ()
    } else {
    }
    %eq3A_46 = arith.constant 0 : i32
    %eq3A_47 = arith.cmpi eq, %arg1, %eq3A_46 : i32
    %convert_element_type3A_48 = arith.extui %eq3A_47 : i1 to i32
    %cond3A_49 = arith.constant 0 : i32
    %cond3A_50 = arith.cmpi ne, %convert_element_type3A_48, %cond3A_49 : i32
    scf.if %cond3A_50 {
      "tpu.region"() ({
        %run_scoped3A_236 = tpu.sem_alloc : memref<!tpu.dma_semaphore, #tpu.memory_space<semaphore_mem>>
        tpu.enqueue_dma source(%arg5 : memref<10000xf32, #tpu.memory_space<hbm>>) target(%arg16 : memref<10000xf32, #tpu.memory_space<vmem_shared>>) target_semaphore(%run_scoped3A_236 : memref<!tpu.dma_semaphore, #tpu.memory_space<semaphore_mem>>)
        tpu.wait_dma2 semaphore(%run_scoped3A_236 : memref<!tpu.dma_semaphore, #tpu.memory_space<semaphore_mem>>) src(%arg5 : memref<10000xf32, #tpu.memory_space<hbm>>) dst(%arg16 : memref<10000xf32, #tpu.memory_space<vmem_shared>>)
        tpu.yield
      }) : () -> ()
    } else {
    }
    %broadcast_in_dim3A = arith.constant 1.000000e+00 : f32
    %broadcast_in_dim3A_51 = vector.broadcast %broadcast_in_dim3A : f32 to vector<16xf32>
    %swap3A = arith.constant 0 : index
    %swap3A_52 = tpu.vector_load %arg11[%swap3A] {strides = array<i32>} : memref<80xf32, #tpu.memory_space<vmem>>, vector<16xf32>,
    %swap3A_53 = vector.shape_cast %swap3A_52 : vector<16xf32> to vector<16xf32>
    %swap3A_54 = vector.shape_cast %broadcast_in_dim3A_51 : vector<16xf32> to vector<16xf32>
    tpu.vector_store %arg11[%swap3A], %swap3A_54 {strides = array<i32>} : memref<80xf32, #tpu.memory_space<vmem>>, vector<16xf32>,
    %broadcast_in_dim3A_55 = arith.constant 1.000000e+00 : f32
    %broadcast_in_dim3A_56 = vector.broadcast %broadcast_in_dim3A_55 : f32 to vector<16xf32>
    %swap3A_57 = arith.constant 16 : index
    %swap3A_58 = tpu.vector_load %arg11[%swap3A_57] {strides = array<i32>} : memref<80xf32, #tpu.memory_space<vmem>>, vector<16xf32>,
    %swap3A_59 = vector.shape_cast %swap3A_58 : vector<16xf32> to vector<16xf32>
    %swap3A_60 = vector.shape_cast %broadcast_in_dim3A_56 : vector<16xf32> to vector<16xf32>
    tpu.vector_store %arg11[%swap3A_57], %swap3A_60 {strides = array<i32>} : memref<80xf32, #tpu.memory_space<vmem>>, vector<16xf32>,
    %broadcast_in_dim3A_61 = arith.constant 1.000000e+00 : f32
    %broadcast_in_dim3A_62 = vector.broadcast %broadcast_in_dim3A_61 : f32 to vector<16xf32>
    %swap3A_63 = arith.constant 32 : index
    %swap3A_64 = tpu.vector_load %arg11[%swap3A_63] {strides = array<i32>} : memref<80xf32, #tpu.memory_space<vmem>>, vector<16xf32>,
    %swap3A_65 = vector.shape_cast %swap3A_64 : vector<16xf32> to vector<16xf32>
    %swap3A_66 = vector.shape_cast %broadcast_in_dim3A_62 : vector<16xf32> to vector<16xf32>
    tpu.vector_store %arg11[%swap3A_63], %swap3A_66 {strides = array<i32>} : memref<80xf32, #tpu.memory_space<vmem>>, vector<16xf32>,
    %broadcast_in_dim3A_67 = arith.constant 1.000000e+00 : f32
    %broadcast_in_dim3A_68 = vector.broadcast %broadcast_in_dim3A_67 : f32 to vector<16xf32>
    %swap3A_69 = arith.constant 48 : index
    %swap3A_70 = tpu.vector_load %arg11[%swap3A_69] {strides = array<i32>} : memref<80xf32, #tpu.memory_space<vmem>>, vector<16xf32>,
    %swap3A_71 = vector.shape_cast %swap3A_70 : vector<16xf32> to vector<16xf32>
    %swap3A_72 = vector.shape_cast %broadcast_in_dim3A_68 : vector<16xf32> to vector<16xf32>
    tpu.vector_store %arg11[%swap3A_69], %swap3A_72 {strides = array<i32>} : memref<80xf32, #tpu.memory_space<vmem>>, vector<16xf32>,
    %broadcast_in_dim3A_73 = arith.constant 1.000000e+00 : f32
    %broadcast_in_dim3A_74 = vector.broadcast %broadcast_in_dim3A_73 : f32 to vector<16xf32>
    %swap3A_75 = arith.constant 64 : index
    %swap3A_76 = tpu.vector_load %arg11[%swap3A_75] {strides = array<i32>} : memref<80xf32, #tpu.memory_space<vmem>>, vector<16xf32>,
    %swap3A_77 = vector.shape_cast %swap3A_76 : vector<16xf32> to vector<16xf32>
    %swap3A_78 = vector.shape_cast %broadcast_in_dim3A_74 : vector<16xf32> to vector<16xf32>
    tpu.vector_store %arg11[%swap3A_75], %swap3A_78 {strides = array<i32>} : memref<80xf32, #tpu.memory_space<vmem>>, vector<16xf32>,
    "tpu.region"() ({
      %run_scoped3A_236 = tpu.sem_alloc : memref<!tpu.dma_semaphore, #tpu.memory_space<semaphore_mem>>
      %dma_start3A_237 = arith.constant 0 : i32
      %dma_start3A_238 = arith.constant 0 : i32
      %dma_start3A_239 = tpu.memref_slice %arg4[%arg1, %dma_start3A_237, %dma_start3A_238] : memref<16x125x80xi32, #tpu.memory_space<hbm>> -> memref<1x125x80xi32, #tpu.memory_space<hbm>>
      %dma_start3A_240 = tpu.memref_squeeze %dma_start3A_239 : memref<1x125x80xi32, #tpu.memory_space<hbm>> -> memref<125x80xi32, #tpu.memory_space<hbm>>
      %dma_start3A_241 = arith.constant 0 : i32
      %dma_start3A_242 = arith.constant 0 : i32
      %dma_start3A_243 = tpu.memref_slice %arg4[%arg1, %dma_start3A_241, %dma_start3A_242] : memref<16x125x80xi32, #tpu.memory_space<hbm>> -> memref<1x125x80xi32, #tpu.memory_space<hbm>>
      %dma_start3A_244 = tpu.memref_squeeze %dma_start3A_243 : memref<1x125x80xi32, #tpu.memory_space<hbm>> -> memref<125x80xi32, #tpu.memory_space<hbm>>
      tpu.enqueue_dma source(%dma_start3A_244 : memref<125x80xi32, #tpu.memory_space<hbm>>) target(%arg9 : memref<125x80xi32, #tpu.memory_space<vmem>>) target_semaphore(%run_scoped3A_236 : memref<!tpu.dma_semaphore, #tpu.memory_space<semaphore_mem>>)
      %dma_wait3A_245 = arith.constant 0 : i32
      %dma_wait3A_246 = arith.constant 0 : i32
      %dma_wait3A_247 = tpu.memref_slice %arg4[%arg1, %dma_wait3A_245, %dma_wait3A_246] : memref<16x125x80xi32, #tpu.memory_space<hbm>> -> memref<1x125x80xi32, #tpu.memory_space<hbm>>
      %dma_wait3A_248 = tpu.memref_squeeze %dma_wait3A_247 : memref<1x125x80xi32, #tpu.memory_space<hbm>> -> memref<125x80xi32, #tpu.memory_space<hbm>>
      %dma_wait3A_249 = arith.constant 0 : i32
      %dma_wait3A_250 = arith.constant 0 : i32
      %dma_wait3A_251 = tpu.memref_slice %arg4[%arg1, %dma_wait3A_249, %dma_wait3A_250] : memref<16x125x80xi32, #tpu.memory_space<hbm>> -> memref<1x125x80xi32, #tpu.memory_space<hbm>>
      %dma_wait3A_252 = tpu.memref_squeeze %dma_wait3A_251 : memref<1x125x80xi32, #tpu.memory_space<hbm>> -> memref<125x80xi32, #tpu.memory_space<hbm>>
      tpu.wait_dma2 semaphore(%run_scoped3A_236 : memref<!tpu.dma_semaphore, #tpu.memory_space<semaphore_mem>>) src(%dma_wait3A_252 : memref<125x80xi32, #tpu.memory_space<hbm>>) dst(%arg9 : memref<125x80xi32, #tpu.memory_space<vmem>>)
      tpu.yield
    }) : () -> ()
    %barrier3A = arith.constant 0 : index
    tpu.barrier barrier_id(%barrier3A)
    "tpu.region"() ({
      %run_scoped3A_236 = tpu.sem_alloc : memref<!tpu.dma_semaphore, #tpu.memory_space<semaphore_mem>>
      %dma_start3A_237 = arith.constant 0 : i32
      %dma_start3A_238 = arith.constant 0 : i32
      %dma_start3A_239 = tpu.memref_slice %arg8[%dma_start3A_237, %dma_start3A_238] : memref<64x80xi32, #tpu.memory_space<vmem>> -> memref<64x80xi32, #tpu.memory_space<vmem>>
      %dma_start3A_240 = arith.constant 0 : i32
      %dma_start3A_241 = arith.constant 0 : i32
      %dma_start3A_242 = tpu.memref_slice %arg3[%arg1, %dma_start3A_240, %dma_start3A_241] : memref<16x125x80xi32, #tpu.memory_space<hbm>> -> memref<1x64x80xi32, #tpu.memory_space<hbm>>
      %dma_start3A_243 = tpu.memref_squeeze %dma_start3A_242 : memref<1x64x80xi32, #tpu.memory_space<hbm>> -> memref<64x80xi32, #tpu.memory_space<hbm>>
      %dma_start3A_244 = arith.constant 0 : i32
      %dma_start3A_245 = arith.constant 0 : i32
      %dma_start3A_246 = tpu.memref_slice %arg8[%dma_start3A_244, %dma_start3A_245] : memref<64x80xi32, #tpu.memory_space<vmem>> -> memref<64x80xi32, #tpu.memory_space<vmem>>
      %dma_start3A_247 = arith.constant 0 : i32
      %dma_start3A_248 = arith.constant 0 : i32
      %dma_start3A_249 = tpu.memref_slice %arg3[%arg1, %dma_start3A_247, %dma_start3A_248] : memref<16x125x80xi32, #tpu.memory_space<hbm>> -> memref<1x64x80xi32, #tpu.memory_space<hbm>>
      %dma_start3A_250 = tpu.memref_squeeze %dma_start3A_249 : memref<1x64x80xi32, #tpu.memory_space<hbm>> -> memref<64x80xi32, #tpu.memory_space<hbm>>
      tpu.enqueue_dma source(%dma_start3A_250 : memref<64x80xi32, #tpu.memory_space<hbm>>) target(%dma_start3A_246 : memref<64x80xi32, #tpu.memory_space<vmem>>) target_semaphore(%run_scoped3A_236 : memref<!tpu.dma_semaphore, #tpu.memory_space<semaphore_mem>>)
      %dma_wait3A_251 = arith.constant 0 : i32
      %dma_wait3A_252 = arith.constant 0 : i32
      %dma_wait3A_253 = tpu.memref_slice %arg8[%dma_wait3A_251, %dma_wait3A_252] : memref<64x80xi32, #tpu.memory_space<vmem>> -> memref<64x80xi32, #tpu.memory_space<vmem>>
      %dma_wait3A_254 = arith.constant 0 : i32
      %dma_wait3A_255 = arith.constant 0 : i32
      %dma_wait3A_256 = tpu.memref_slice %arg3[%arg1, %dma_wait3A_254, %dma_wait3A_255] : memref<16x125x80xi32, #tpu.memory_space<hbm>> -> memref<1x64x80xi32, #tpu.memory_space<hbm>>
      %dma_wait3A_257 = tpu.memref_squeeze %dma_wait3A_256 : memref<1x64x80xi32, #tpu.memory_space<hbm>> -> memref<64x80xi32, #tpu.memory_space<hbm>>
      %dma_wait3A_258 = arith.constant 0 : i32
      %dma_wait3A_259 = arith.constant 0 : i32
      %dma_wait3A_260 = tpu.memref_slice %arg8[%dma_wait3A_258, %dma_wait3A_259] : memref<64x80xi32, #tpu.memory_space<vmem>> -> memref<64x80xi32, #tpu.memory_space<vmem>>
      %dma_wait3A_261 = arith.constant 0 : i32
      %dma_wait3A_262 = arith.constant 0 : i32
      %dma_wait3A_263 = tpu.memref_slice %arg3[%arg1, %dma_wait3A_261, %dma_wait3A_262] : memref<16x125x80xi32, #tpu.memory_space<hbm>> -> memref<1x64x80xi32, #tpu.memory_space<hbm>>
      %dma_wait3A_264 = tpu.memref_squeeze %dma_wait3A_263 : memref<1x64x80xi32, #tpu.memory_space<hbm>> -> memref<64x80xi32, #tpu.memory_space<hbm>>
      tpu.wait_dma2 semaphore(%run_scoped3A_236 : memref<!tpu.dma_semaphore, #tpu.memory_space<semaphore_mem>>) src(%dma_wait3A_264 : memref<64x80xi32, #tpu.memory_space<hbm>>) dst(%dma_wait3A_260 : memref<64x80xi32, #tpu.memory_space<vmem>>)
      tpu.yield
    }) : () -> ()
    %dma_start3A = arith.constant 0 : i32
    %dma_start3A_79 = arith.constant 0 : i32
    %dma_start3A_80 = arith.constant 0 : i32
    %dma_start3A_81 = arith.constant 0 : i32
    %dma_start3A_82 = arith.constant 0 : i32
    %dma_start3A_83 = tpu.memref_slice %arg10[%dma_start3A_79, %dma_start3A_81, %dma_start3A_82] : memref<2x80x128xf32, #tpu.memory_space<vmem>> -> memref<1x80x128xf32, #tpu.memory_space<vmem>>
    %dma_start3A_84 = tpu.memref_squeeze %dma_start3A_83 : memref<1x80x128xf32, #tpu.memory_space<vmem>> -> memref<80x128xf32, #tpu.memory_space<vmem>>
    %dma_start3A_85 = arith.constant 0 : i32
    %dma_start3A_86 = tpu.memref_slice %arg8[%dma_start3A, %dma_start3A_85] : memref<64x80xi32, #tpu.memory_space<vmem>> -> memref<1x80xi32, #tpu.memory_space<vmem>>
    %dma_start3A_87 = tpu.memref_squeeze %dma_start3A_86 : memref<1x80xi32, #tpu.memory_space<vmem>> -> memref<80xi32, #tpu.memory_space<vmem>>
    %dma_start3A_88 = arith.constant 0 : i32
    %dma_start3A_89 = arith.constant 0 : i32
    %dma_start3A_90 = tpu.memref_slice %arg2[%arg0, %dma_start3A_88, %dma_start3A_89] : memref<2x10000x128xf32, #tpu.memory_space<hbm>> -> memref<1x10000x128xf32, #tpu.memory_space<hbm>>
    %dma_start3A_91 = tpu.memref_squeeze %dma_start3A_90 : memref<1x10000x128xf32, #tpu.memory_space<hbm>> -> memref<10000x128xf32, #tpu.memory_space<hbm>>
    %dma_start3A_92 = arith.constant 0 : i32
    %dma_start3A_93 = arith.constant 0 : i32
    %dma_start3A_94 = tpu.memref_slice %dma_start3A_91[%dma_start3A_92, %dma_start3A_93] : memref<10000x128xf32, #tpu.memory_space<hbm>> -> memref<10000x128xf32, #tpu.memory_space<hbm>>
    %dma_start3A_95 = tpu.memref_slice %arg12[%dma_start3A_80] : memref<2x!tpu.dma_semaphore, #tpu.memory_space<semaphore_mem>> -> memref<1x!tpu.dma_semaphore, #tpu.memory_space<semaphore_mem>>
    %dma_start3A_96 = tpu.memref_squeeze %dma_start3A_95 : memref<1x!tpu.dma_semaphore, #tpu.memory_space<semaphore_mem>> -> memref<!tpu.dma_semaphore, #tpu.memory_space<semaphore_mem>>
    tpu.enqueue_indirect_dma source(%dma_start3A_94 : memref<10000x128xf32, #tpu.memory_space<hbm>>) target(%dma_start3A_84 : memref<80x128xf32, #tpu.memory_space<vmem>>) offsets(%dma_start3A_87 : memref<80xi32, #tpu.memory_space<vmem>>) semaphore(%dma_start3A_96 : memref<!tpu.dma_semaphore, #tpu.memory_space<semaphore_mem>>)
    %scan3A_97 = arith.constant 0 : i32
    %scan3A_98 = arith.constant 1 : i32
    %scan3A_99 = arith.constant 1 : i32
    %scan3A_100 = arith.constant 1 : i32
    %scan3A_101 = arith.constant 0 : i32
    %scan3A_102 = arith.constant 0 : i32
    %scan3A_103 = arith.constant 0 : i32
    %scan3A_104 = arith.constant 0 : i32
    %scan3A_105 = arith.constant 64 : i32
    %scan3A_106 = arith.addi %scan3A_104, %scan3A_105 : i32
    %scan3A_107 = arith.constant 1 : i32
    scf.for %scan3A_236 = %scan3A_104 to %scan3A_106 step %scan3A_107  : i32 {
      %rem3A = arith.constant 2 : i32
      %rem3A_237 = arith.remsi %scan3A_236, %rem3A : i32
      %eq3A_238 = arith.constant 0 : i32
      %eq3A_239 = arith.cmpi eq, %rem3A_237, %eq3A_238 : i32
      %convert_element_type3A_240 = arith.extui %eq3A_239 : i1 to i32
      %cond3A_241 = arith.constant 0 : i32
      %cond3A_242 = arith.cmpi ne, %convert_element_type3A_240, %cond3A_241 : i32
      scf.if %cond3A_242 {
        %lt3A = arith.constant 63 : i32
        %lt3A_250 = arith.cmpi slt, %scan3A_236, %lt3A : i32
        %convert_element_type3A_251 = arith.extui %lt3A_250 : i1 to i32
        %cond3A_252 = arith.constant 0 : i32
        %cond3A_253 = arith.cmpi ne, %convert_element_type3A_251, %cond3A_252 : i32
        scf.if %cond3A_253 {
          %ge3A = arith.constant 1 : i32
          %ge3A_297 = arith.cmpi sge, %scan3A_236, %ge3A : i32
          %convert_element_type3A_298 = arith.extui %ge3A_297 : i1 to i32
          %cond3A_299 = arith.constant 0 : i32
          %cond3A_300 = arith.cmpi ne, %convert_element_type3A_298, %cond3A_299 : i32
          scf.if %cond3A_300 {
            %dma_wait3A_319 = arith.constant 0 : i32
            %dma_wait3A_320 = arith.constant 0 : i32
            %dma_wait3A_321 = tpu.memref_slice %arg10[%scan3A_98, %dma_wait3A_319, %dma_wait3A_320] : memref<2x80x128xf32, #tpu.memory_space<vmem>> -> memref<1x80x128xf32, #tpu.memory_space<vmem>>
            %dma_wait3A_322 = tpu.memref_squeeze %dma_wait3A_321 : memref<1x80x128xf32, #tpu.memory_space<vmem>> -> memref<80x128xf32, #tpu.memory_space<vmem>>
            %dma_wait3A_323 = arith.constant 0 : i32
            %dma_wait3A_324 = arith.constant 0 : i32
            %dma_wait3A_325 = tpu.memref_slice %arg15[%dma_wait3A_323, %dma_wait3A_324] : memref<10000x128xf32, #tpu.memory_space<vmem_shared>> -> memref<80x128xf32, #tpu.memory_space<vmem_shared>>
            %dma_wait3A_326 = tpu.memref_slice %arg13[%scan3A_99] : memref<2x!tpu.dma_semaphore, #tpu.memory_space<semaphore_mem>> -> memref<1x!tpu.dma_semaphore, #tpu.memory_space<semaphore_mem>>
            %dma_wait3A_327 = tpu.memref_squeeze %dma_wait3A_326 : memref<1x!tpu.dma_semaphore, #tpu.memory_space<semaphore_mem>> -> memref<!tpu.dma_semaphore, #tpu.memory_space<semaphore_mem>>
            %dma_wait3A_328 = arith.constant 0 : i32
            %dma_wait3A_329 = arith.constant 0 : i32
            %dma_wait3A_330 = tpu.memref_slice %arg15[%dma_wait3A_328, %dma_wait3A_329] : memref<10000x128xf32, #tpu.memory_space<vmem_shared>> -> memref<80x128xf32, #tpu.memory_space<vmem_shared>>
            %dma_wait3A_331 = arith.constant 0 : i32
            %dma_wait3A_332 = arith.constant 0 : i32
            %dma_wait3A_333 = tpu.memref_slice %arg10[%scan3A_98, %dma_wait3A_331, %dma_wait3A_332] : memref<2x80x128xf32, #tpu.memory_space<vmem>> -> memref<1x80x128xf32, #tpu.memory_space<vmem>>
            %dma_wait3A_334 = tpu.memref_squeeze %dma_wait3A_333 : memref<1x80x128xf32, #tpu.memory_space<vmem>> -> memref<80x128xf32, #tpu.memory_space<vmem>>
            tpu.wait_dma2 semaphore(%dma_wait3A_327 : memref<!tpu.dma_semaphore, #tpu.memory_space<semaphore_mem>>) src(%dma_wait3A_334 : memref<80x128xf32, #tpu.memory_space<vmem>>) dst(%dma_wait3A_330 : memref<80x128xf32, #tpu.memory_space<vmem_shared>>)
          } else {
          }
          %add3A_301 = arith.constant 1 : i32
          %add3A_302 = arith.addi %scan3A_236, %add3A_301 : i32
          %dma_start3A_303 = arith.constant 0 : i32
          %dma_start3A_304 = arith.constant 0 : i32
          %dma_start3A_305 = tpu.memref_slice %arg10[%scan3A_98, %dma_start3A_303, %dma_start3A_304] : memref<2x80x128xf32, #tpu.memory_space<vmem>> -> memref<1x80x128xf32, #tpu.memory_space<vmem>>
          %dma_start3A_306 = tpu.memref_squeeze %dma_start3A_305 : memref<1x80x128xf32, #tpu.memory_space<vmem>> -> memref<80x128xf32, #tpu.memory_space<vmem>>
          %dma_start3A_307 = arith.constant 0 : i32
          %dma_start3A_308 = tpu.memref_slice %arg8[%add3A_302, %dma_start3A_307] : memref<64x80xi32, #tpu.memory_space<vmem>> -> memref<1x80xi32, #tpu.memory_space<vmem>>
          %dma_start3A_309 = tpu.memref_squeeze %dma_start3A_308 : memref<1x80xi32, #tpu.memory_space<vmem>> -> memref<80xi32, #tpu.memory_space<vmem>>
          %dma_start3A_310 = arith.constant 0 : i32
          %dma_start3A_311 = arith.constant 0 : i32
          %dma_start3A_312 = tpu.memref_slice %arg2[%arg0, %dma_start3A_310, %dma_start3A_311] : memref<2x10000x128xf32, #tpu.memory_space<hbm>> -> memref<1x10000x128xf32, #tpu.memory_space<hbm>>
          %dma_start3A_313 = tpu.memref_squeeze %dma_start3A_312 : memref<1x10000x128xf32, #tpu.memory_space<hbm>> -> memref<10000x128xf32, #tpu.memory_space<hbm>>
          %dma_start3A_314 = arith.constant 0 : i32
          %dma_start3A_315 = arith.constant 0 : i32
          %dma_start3A_316 = tpu.memref_slice %dma_start3A_313[%dma_start3A_314, %dma_start3A_315] : memref<10000x128xf32, #tpu.memory_space<hbm>> -> memref<10000x128xf32, #tpu.memory_space<hbm>>
          %dma_start3A_317 = tpu.memref_slice %arg12[%scan3A_100] : memref<2x!tpu.dma_semaphore, #tpu.memory_space<semaphore_mem>> -> memref<1x!tpu.dma_semaphore, #tpu.memory_space<semaphore_mem>>
          %dma_start3A_318 = tpu.memref_squeeze %dma_start3A_317 : memref<1x!tpu.dma_semaphore, #tpu.memory_space<semaphore_mem>> -> memref<!tpu.dma_semaphore, #tpu.memory_space<semaphore_mem>>
          tpu.enqueue_indirect_dma source(%dma_start3A_316 : memref<10000x128xf32, #tpu.memory_space<hbm>>) target(%dma_start3A_306 : memref<80x128xf32, #tpu.memory_space<vmem>>) offsets(%dma_start3A_309 : memref<80xi32, #tpu.memory_space<vmem>>) semaphore(%dma_start3A_318 : memref<!tpu.dma_semaphore, #tpu.memory_space<semaphore_mem>>)
        } else {
        }
        %dma_wait3A_254 = arith.constant 0 : i32
        %dma_wait3A_255 = arith.constant 0 : i32
        %dma_wait3A_256 = tpu.memref_slice %arg10[%scan3A_101, %dma_wait3A_254, %dma_wait3A_255] : memref<2x80x128xf32, #tpu.memory_space<vmem>> -> memref<1x80x128xf32, #tpu.memory_space<vmem>>
        %dma_wait3A_257 = tpu.memref_squeeze %dma_wait3A_256 : memref<1x80x128xf32, #tpu.memory_space<vmem>> -> memref<80x128xf32, #tpu.memory_space<vmem>>
        %dma_wait3A_258 = arith.constant 0 : i32
        %dma_wait3A_259 = arith.constant 0 : i32
        %dma_wait3A_260 = tpu.memref_slice %arg2[%arg0, %dma_wait3A_258, %dma_wait3A_259] : memref<2x10000x128xf32, #tpu.memory_space<hbm>> -> memref<1x10000x128xf32, #tpu.memory_space<hbm>>
        %dma_wait3A_261 = tpu.memref_squeeze %dma_wait3A_260 : memref<1x10000x128xf32, #tpu.memory_space<hbm>> -> memref<10000x128xf32, #tpu.memory_space<hbm>>
        %dma_wait3A_262 = arith.constant 0 : i32
        %dma_wait3A_263 = arith.constant 0 : i32
        %dma_wait3A_264 = tpu.memref_slice %dma_wait3A_261[%dma_wait3A_262, %dma_wait3A_263] : memref<10000x128xf32, #tpu.memory_space<hbm>> -> memref<80x128xf32, #tpu.memory_space<hbm>>
        %dma_wait3A_265 = tpu.memref_slice %arg12[%scan3A_102] : memref<2x!tpu.dma_semaphore, #tpu.memory_space<semaphore_mem>> -> memref<1x!tpu.dma_semaphore, #tpu.memory_space<semaphore_mem>>
        %dma_wait3A_266 = tpu.memref_squeeze %dma_wait3A_265 : memref<1x!tpu.dma_semaphore, #tpu.memory_space<semaphore_mem>> -> memref<!tpu.dma_semaphore, #tpu.memory_space<semaphore_mem>>
        %dma_wait3A_267 = arith.constant 0 : i32
        %dma_wait3A_268 = arith.constant 0 : i32
        %dma_wait3A_269 = tpu.memref_slice %arg10[%scan3A_101, %dma_wait3A_267, %dma_wait3A_268] : memref<2x80x128xf32, #tpu.memory_space<vmem>> -> memref<1x80x128xf32, #tpu.memory_space<vmem>>
        %dma_wait3A_270 = tpu.memref_squeeze %dma_wait3A_269 : memref<1x80x128xf32, #tpu.memory_space<vmem>> -> memref<80x128xf32, #tpu.memory_space<vmem>>
        %dma_wait3A_271 = arith.constant 0 : i32
        %dma_wait3A_272 = arith.constant 0 : i32
        %dma_wait3A_273 = tpu.memref_slice %arg2[%arg0, %dma_wait3A_271, %dma_wait3A_272] : memref<2x10000x128xf32, #tpu.memory_space<hbm>> -> memref<1x10000x128xf32, #tpu.memory_space<hbm>>
        %dma_wait3A_274 = tpu.memref_squeeze %dma_wait3A_273 : memref<1x10000x128xf32, #tpu.memory_space<hbm>> -> memref<10000x128xf32, #tpu.memory_space<hbm>>
        %dma_wait3A_275 = arith.constant 0 : i32
        %dma_wait3A_276 = arith.constant 0 : i32
        %dma_wait3A_277 = tpu.memref_slice %dma_wait3A_274[%dma_wait3A_275, %dma_wait3A_276] : memref<10000x128xf32, #tpu.memory_space<hbm>> -> memref<80x128xf32, #tpu.memory_space<hbm>>
        tpu.wait_dma2 semaphore(%dma_wait3A_266 : memref<!tpu.dma_semaphore, #tpu.memory_space<semaphore_mem>>) src(%dma_wait3A_277 : memref<80x128xf32, #tpu.memory_space<hbm>>) dst(%dma_wait3A_270 : memref<80x128xf32, #tpu.memory_space<vmem>>)
        %add3A_278 = arith.constant 0 : i32
        %add3A_279 = arith.addi %add3A_278, %scan3A_236 : i32
        %dma_start3A_280 = arith.constant 0 : i32
        %dma_start3A_281 = arith.constant 0 : i32
        %dma_start3A_282 = tpu.memref_slice %arg10[%scan3A_101, %dma_start3A_280, %dma_start3A_281] : memref<2x80x128xf32, #tpu.memory_space<vmem>> -> memref<1x80x128xf32, #tpu.memory_space<vmem>>
        %dma_start3A_283 = tpu.memref_squeeze %dma_start3A_282 : memref<1x80x128xf32, #tpu.memory_space<vmem>> -> memref<80x128xf32, #tpu.memory_space<vmem>>
        %dma_start3A_284 = arith.constant 0 : i32
        %dma_start3A_285 = tpu.memref_slice %arg9[%add3A_279, %dma_start3A_284] : memref<125x80xi32, #tpu.memory_space<vmem>> -> memref<1x80xi32, #tpu.memory_space<vmem>>
        %dma_start3A_286 = tpu.memref_squeeze %dma_start3A_285 : memref<1x80xi32, #tpu.memory_space<vmem>> -> memref<80xi32, #tpu.memory_space<vmem>>
        %dma_start3A_287 = arith.constant 0 : i32
        %dma_start3A_288 = arith.constant 0 : i32
        %dma_start3A_289 = tpu.memref_slice %arg15[%dma_start3A_287, %dma_start3A_288] : memref<10000x128xf32, #tpu.memory_space<vmem_shared>> -> memref<10000x128xf32, #tpu.memory_space<vmem_shared>>
        %dma_start3A_290 = tpu.memref_slice %arg13[%scan3A_103] : memref<2x!tpu.dma_semaphore, #tpu.memory_space<semaphore_mem>> -> memref<1x!tpu.dma_semaphore, #tpu.memory_space<semaphore_mem>>
        %dma_start3A_291 = tpu.memref_squeeze %dma_start3A_290 : memref<1x!tpu.dma_semaphore, #tpu.memory_space<semaphore_mem>> -> memref<!tpu.dma_semaphore, #tpu.memory_space<semaphore_mem>>
        tpu.enqueue_indirect_dma source(%dma_start3A_283 : memref<80x128xf32, #tpu.memory_space<vmem>>) target(%dma_start3A_289 : memref<10000x128xf32, #tpu.memory_space<vmem_shared>>) offsets(%dma_start3A_286 : memref<80xi32, #tpu.memory_space<vmem>>) semaphore(%dma_start3A_291 : memref<!tpu.dma_semaphore, #tpu.memory_space<semaphore_mem>>) {add = true}
        %eq3A_292 = arith.constant 0 : i32
        %eq3A_293 = arith.cmpi eq, %arg0, %eq3A_292 : i32
        %convert_element_type3A_294 = arith.extui %eq3A_293 : i1 to i32
        %cond3A_295 = arith.constant 0 : i32
        %cond3A_296 = arith.cmpi ne, %convert_element_type3A_294, %cond3A_295 : i32
        scf.if %cond3A_296 {
          %ge3A = arith.constant 1 : i32
          %ge3A_297 = arith.cmpi sge, %scan3A_236, %ge3A : i32
          %convert_element_type3A_298 = arith.extui %ge3A_297 : i1 to i32
          %cond3A_299 = arith.constant 0 : i32
          %cond3A_300 = arith.cmpi ne, %convert_element_type3A_298, %cond3A_299 : i32
          scf.if %cond3A_300 {
            %dma_wait3A_308 = arith.constant 0 : i32
            %dma_wait3A_309 = tpu.memref_slice %arg16[%dma_wait3A_308] : memref<10000xf32, #tpu.memory_space<vmem_shared>> -> memref<80xf32, #tpu.memory_space<vmem_shared>>
            %dma_wait3A_310 = arith.constant 0 : i32
            %dma_wait3A_311 = tpu.memref_slice %arg16[%dma_wait3A_310] : memref<10000xf32, #tpu.memory_space<vmem_shared>> -> memref<80xf32, #tpu.memory_space<vmem_shared>>
            tpu.wait_dma2 semaphore(%arg14 : memref<!tpu.dma_semaphore, #tpu.memory_space<semaphore_mem>>) src(%arg11 : memref<80xf32, #tpu.memory_space<vmem>>) dst(%dma_wait3A_311 : memref<80xf32, #tpu.memory_space<vmem_shared>>)
          } else {
          }
          %add3A_301 = arith.constant 0 : i32
          %add3A_302 = arith.addi %add3A_301, %scan3A_236 : i32
          %dma_start3A_303 = arith.constant 0 : i32
          %dma_start3A_304 = tpu.memref_slice %arg9[%add3A_302, %dma_start3A_303] : memref<125x80xi32, #tpu.memory_space<vmem>> -> memref<1x80xi32, #tpu.memory_space<vmem>>
          %dma_start3A_305 = tpu.memref_squeeze %dma_start3A_304 : memref<1x80xi32, #tpu.memory_space<vmem>> -> memref<80xi32, #tpu.memory_space<vmem>>
          %dma_start3A_306 = arith.constant 0 : i32
          %dma_start3A_307 = tpu.memref_slice %arg16[%dma_start3A_306] : memref<10000xf32, #tpu.memory_space<vmem_shared>> -> memref<10000xf32, #tpu.memory_space<vmem_shared>>
          tpu.enqueue_indirect_dma source(%arg11 : memref<80xf32, #tpu.memory_space<vmem>>) target(%dma_start3A_307 : memref<10000xf32, #tpu.memory_space<vmem_shared>>) offsets(%dma_start3A_305 : memref<80xi32, #tpu.memory_space<vmem>>) semaphore(%arg14 : memref<!tpu.dma_semaphore, #tpu.memory_space<semaphore_mem>>) {add = true}
        } else {
        }
      } else {
      }
      %rem3A_243 = arith.constant 2 : i32
      %rem3A_244 = arith.remsi %scan3A_236, %rem3A_243 : i32
      %eq3A_245 = arith.constant 1 : i32
      %eq3A_246 = arith.cmpi eq, %rem3A_244, %eq3A_245 : i32
      %convert_element_type3A_247 = arith.extui %eq3A_246 : i1 to i32
      %cond3A_248 = arith.constant 0 : i32
      %cond3A_249 = arith.cmpi ne, %convert_element_type3A_247, %cond3A_248 : i32
      scf.if %cond3A_249 {
        %lt3A = arith.constant 63 : i32
        %lt3A_250 = arith.cmpi slt, %scan3A_236, %lt3A : i32
        %convert_element_type3A_251 = arith.extui %lt3A_250 : i1 to i32
        %cond3A_252 = arith.constant 0 : i32
        %cond3A_253 = arith.cmpi ne, %convert_element_type3A_251, %cond3A_252 : i32
        scf.if %cond3A_253 {
          %ge3A = arith.constant 1 : i32
          %ge3A_297 = arith.cmpi sge, %scan3A_236, %ge3A : i32
          %convert_element_type3A_298 = arith.extui %ge3A_297 : i1 to i32
          %cond3A_299 = arith.constant 0 : i32
          %cond3A_300 = arith.cmpi ne, %convert_element_type3A_298, %cond3A_299 : i32
          scf.if %cond3A_300 {
            %dma_wait3A_319 = arith.constant 0 : i32
            %dma_wait3A_320 = arith.constant 0 : i32
            %dma_wait3A_321 = tpu.memref_slice %arg10[%scan3A_101, %dma_wait3A_319, %dma_wait3A_320] : memref<2x80x128xf32, #tpu.memory_space<vmem>> -> memref<1x80x128xf32, #tpu.memory_space<vmem>>
            %dma_wait3A_322 = tpu.memref_squeeze %dma_wait3A_321 : memref<1x80x128xf32, #tpu.memory_space<vmem>> -> memref<80x128xf32, #tpu.memory_space<vmem>>
            %dma_wait3A_323 = arith.constant 0 : i32
            %dma_wait3A_324 = arith.constant 0 : i32
            %dma_wait3A_325 = tpu.memref_slice %arg15[%dma_wait3A_323, %dma_wait3A_324] : memref<10000x128xf32, #tpu.memory_space<vmem_shared>> -> memref<80x128xf32, #tpu.memory_space<vmem_shared>>
            %dma_wait3A_326 = tpu.memref_slice %arg13[%scan3A_103] : memref<2x!tpu.dma_semaphore, #tpu.memory_space<semaphore_mem>> -> memref<1x!tpu.dma_semaphore, #tpu.memory_space<semaphore_mem>>
            %dma_wait3A_327 = tpu.memref_squeeze %dma_wait3A_326 : memref<1x!tpu.dma_semaphore, #tpu.memory_space<semaphore_mem>> -> memref<!tpu.dma_semaphore, #tpu.memory_space<semaphore_mem>>
            %dma_wait3A_328 = arith.constant 0 : i32
            %dma_wait3A_329 = arith.constant 0 : i32
            %dma_wait3A_330 = tpu.memref_slice %arg15[%dma_wait3A_328, %dma_wait3A_329] : memref<10000x128xf32, #tpu.memory_space<vmem_shared>> -> memref<80x128xf32, #tpu.memory_space<vmem_shared>>
            %dma_wait3A_331 = arith.constant 0 : i32
            %dma_wait3A_332 = arith.constant 0 : i32
            %dma_wait3A_333 = tpu.memref_slice %arg10[%scan3A_101, %dma_wait3A_331, %dma_wait3A_332] : memref<2x80x128xf32, #tpu.memory_space<vmem>> -> memref<1x80x128xf32, #tpu.memory_space<vmem>>
            %dma_wait3A_334 = tpu.memref_squeeze %dma_wait3A_333 : memref<1x80x128xf32, #tpu.memory_space<vmem>> -> memref<80x128xf32, #tpu.memory_space<vmem>>
            tpu.wait_dma2 semaphore(%dma_wait3A_327 : memref<!tpu.dma_semaphore, #tpu.memory_space<semaphore_mem>>) src(%dma_wait3A_334 : memref<80x128xf32, #tpu.memory_space<vmem>>) dst(%dma_wait3A_330 : memref<80x128xf32, #tpu.memory_space<vmem_shared>>)
          } else {
          }
          %add3A_301 = arith.constant 1 : i32
          %add3A_302 = arith.addi %scan3A_236, %add3A_301 : i32
          %dma_start3A_303 = arith.constant 0 : i32
          %dma_start3A_304 = arith.constant 0 : i32
          %dma_start3A_305 = tpu.memref_slice %arg10[%scan3A_101, %dma_start3A_303, %dma_start3A_304] : memref<2x80x128xf32, #tpu.memory_space<vmem>> -> memref<1x80x128xf32, #tpu.memory_space<vmem>>
          %dma_start3A_306 = tpu.memref_squeeze %dma_start3A_305 : memref<1x80x128xf32, #tpu.memory_space<vmem>> -> memref<80x128xf32, #tpu.memory_space<vmem>>
          %dma_start3A_307 = arith.constant 0 : i32
          %dma_start3A_308 = tpu.memref_slice %arg8[%add3A_302, %dma_start3A_307] : memref<64x80xi32, #tpu.memory_space<vmem>> -> memref<1x80xi32, #tpu.memory_space<vmem>>
          %dma_start3A_309 = tpu.memref_squeeze %dma_start3A_308 : memref<1x80xi32, #tpu.memory_space<vmem>> -> memref<80xi32, #tpu.memory_space<vmem>>
          %dma_start3A_310 = arith.constant 0 : i32
          %dma_start3A_311 = arith.constant 0 : i32
          %dma_start3A_312 = tpu.memref_slice %arg2[%arg0, %dma_start3A_310, %dma_start3A_311] : memref<2x10000x128xf32, #tpu.memory_space<hbm>> -> memref<1x10000x128xf32, #tpu.memory_space<hbm>>
          %dma_start3A_313 = tpu.memref_squeeze %dma_start3A_312 : memref<1x10000x128xf32, #tpu.memory_space<hbm>> -> memref<10000x128xf32, #tpu.memory_space<hbm>>
          %dma_start3A_314 = arith.constant 0 : i32
          %dma_start3A_315 = arith.constant 0 : i32
          %dma_start3A_316 = tpu.memref_slice %dma_start3A_313[%dma_start3A_314, %dma_start3A_315] : memref<10000x128xf32, #tpu.memory_space<hbm>> -> memref<10000x128xf32, #tpu.memory_space<hbm>>
          %dma_start3A_317 = tpu.memref_slice %arg12[%scan3A_102] : memref<2x!tpu.dma_semaphore, #tpu.memory_space<semaphore_mem>> -> memref<1x!tpu.dma_semaphore, #tpu.memory_space<semaphore_mem>>
          %dma_start3A_318 = tpu.memref_squeeze %dma_start3A_317 : memref<1x!tpu.dma_semaphore, #tpu.memory_space<semaphore_mem>> -> memref<!tpu.dma_semaphore, #tpu.memory_space<semaphore_mem>>
          tpu.enqueue_indirect_dma source(%dma_start3A_316 : memref<10000x128xf32, #tpu.memory_space<hbm>>) target(%dma_start3A_306 : memref<80x128xf32, #tpu.memory_space<vmem>>) offsets(%dma_start3A_309 : memref<80xi32, #tpu.memory_space<vmem>>) semaphore(%dma_start3A_318 : memref<!tpu.dma_semaphore, #tpu.memory_space<semaphore_mem>>)
        } else {
        }
        %dma_wait3A_254 = arith.constant 0 : i32
        %dma_wait3A_255 = arith.constant 0 : i32
        %dma_wait3A_256 = tpu.memref_slice %arg10[%scan3A_98, %dma_wait3A_254, %dma_wait3A_255] : memref<2x80x128xf32, #tpu.memory_space<vmem>> -> memref<1x80x128xf32, #tpu.memory_space<vmem>>
        %dma_wait3A_257 = tpu.memref_squeeze %dma_wait3A_256 : memref<1x80x128xf32, #tpu.memory_space<vmem>> -> memref<80x128xf32, #tpu.memory_space<vmem>>
        %dma_wait3A_258 = arith.constant 0 : i32
        %dma_wait3A_259 = arith.constant 0 : i32
        %dma_wait3A_260 = tpu.memref_slice %arg2[%arg0, %dma_wait3A_258, %dma_wait3A_259] : memref<2x10000x128xf32, #tpu.memory_space<hbm>> -> memref<1x10000x128xf32, #tpu.memory_space<hbm>>
        %dma_wait3A_261 = tpu.memref_squeeze %dma_wait3A_260 : memref<1x10000x128xf32, #tpu.memory_space<hbm>> -> memref<10000x128xf32, #tpu.memory_space<hbm>>
        %dma_wait3A_262 = arith.constant 0 : i32
        %dma_wait3A_263 = arith.constant 0 : i32
        %dma_wait3A_264 = tpu.memref_slice %dma_wait3A_261[%dma_wait3A_262, %dma_wait3A_263] : memref<10000x128xf32, #tpu.memory_space<hbm>> -> memref<80x128xf32, #tpu.memory_space<hbm>>
        %dma_wait3A_265 = tpu.memref_slice %arg12[%scan3A_100] : memref<2x!tpu.dma_semaphore, #tpu.memory_space<semaphore_mem>> -> memref<1x!tpu.dma_semaphore, #tpu.memory_space<semaphore_mem>>
        %dma_wait3A_266 = tpu.memref_squeeze %dma_wait3A_265 : memref<1x!tpu.dma_semaphore, #tpu.memory_space<semaphore_mem>> -> memref<!tpu.dma_semaphore, #tpu.memory_space<semaphore_mem>>
        %dma_wait3A_267 = arith.constant 0 : i32
        %dma_wait3A_268 = arith.constant 0 : i32
        %dma_wait3A_269 = tpu.memref_slice %arg10[%scan3A_98, %dma_wait3A_267, %dma_wait3A_268] : memref<2x80x128xf32, #tpu.memory_space<vmem>> -> memref<1x80x128xf32, #tpu.memory_space<vmem>>
        %dma_wait3A_270 = tpu.memref_squeeze %dma_wait3A_269 : memref<1x80x128xf32, #tpu.memory_space<vmem>> -> memref<80x128xf32, #tpu.memory_space<vmem>>
        %dma_wait3A_271 = arith.constant 0 : i32
        %dma_wait3A_272 = arith.constant 0 : i32
        %dma_wait3A_273 = tpu.memref_slice %arg2[%arg0, %dma_wait3A_271, %dma_wait3A_272] : memref<2x10000x128xf32, #tpu.memory_space<hbm>> -> memref<1x10000x128xf32, #tpu.memory_space<hbm>>
        %dma_wait3A_274 = tpu.memref_squeeze %dma_wait3A_273 : memref<1x10000x128xf32, #tpu.memory_space<hbm>> -> memref<10000x128xf32, #tpu.memory_space<hbm>>
        %dma_wait3A_275 = arith.constant 0 : i32
        %dma_wait3A_276 = arith.constant 0 : i32
        %dma_wait3A_277 = tpu.memref_slice %dma_wait3A_274[%dma_wait3A_275, %dma_wait3A_276] : memref<10000x128xf32, #tpu.memory_space<hbm>> -> memref<80x128xf32, #tpu.memory_space<hbm>>
        tpu.wait_dma2 semaphore(%dma_wait3A_266 : memref<!tpu.dma_semaphore, #tpu.memory_space<semaphore_mem>>) src(%dma_wait3A_277 : memref<80x128xf32, #tpu.memory_space<hbm>>) dst(%dma_wait3A_270 : memref<80x128xf32, #tpu.memory_space<vmem>>)
        %add3A_278 = arith.constant 0 : i32
        %add3A_279 = arith.addi %add3A_278, %scan3A_236 : i32
        %dma_start3A_280 = arith.constant 0 : i32
        %dma_start3A_281 = arith.constant 0 : i32
        %dma_start3A_282 = tpu.memref_slice %arg10[%scan3A_98, %dma_start3A_280, %dma_start3A_281] : memref<2x80x128xf32, #tpu.memory_space<vmem>> -> memref<1x80x128xf32, #tpu.memory_space<vmem>>
        %dma_start3A_283 = tpu.memref_squeeze %dma_start3A_282 : memref<1x80x128xf32, #tpu.memory_space<vmem>> -> memref<80x128xf32, #tpu.memory_space<vmem>>
        %dma_start3A_284 = arith.constant 0 : i32
        %dma_start3A_285 = tpu.memref_slice %arg9[%add3A_279, %dma_start3A_284] : memref<125x80xi32, #tpu.memory_space<vmem>> -> memref<1x80xi32, #tpu.memory_space<vmem>>
        %dma_start3A_286 = tpu.memref_squeeze %dma_start3A_285 : memref<1x80xi32, #tpu.memory_space<vmem>> -> memref<80xi32, #tpu.memory_space<vmem>>
        %dma_start3A_287 = arith.constant 0 : i32
        %dma_start3A_288 = arith.constant 0 : i32
        %dma_start3A_289 = tpu.memref_slice %arg15[%dma_start3A_287, %dma_start3A_288] : memref<10000x128xf32, #tpu.memory_space<vmem_shared>> -> memref<10000x128xf32, #tpu.memory_space<vmem_shared>>
        %dma_start3A_290 = tpu.memref_slice %arg13[%scan3A_99] : memref<2x!tpu.dma_semaphore, #tpu.memory_space<semaphore_mem>> -> memref<1x!tpu.dma_semaphore, #tpu.memory_space<semaphore_mem>>
        %dma_start3A_291 = tpu.memref_squeeze %dma_start3A_290 : memref<1x!tpu.dma_semaphore, #tpu.memory_space<semaphore_mem>> -> memref<!tpu.dma_semaphore, #tpu.memory_space<semaphore_mem>>
        tpu.enqueue_indirect_dma source(%dma_start3A_283 : memref<80x128xf32, #tpu.memory_space<vmem>>) target(%dma_start3A_289 : memref<10000x128xf32, #tpu.memory_space<vmem_shared>>) offsets(%dma_start3A_286 : memref<80xi32, #tpu.memory_space<vmem>>) semaphore(%dma_start3A_291 : memref<!tpu.dma_semaphore, #tpu.memory_space<semaphore_mem>>) {add = true}
        %eq3A_292 = arith.constant 0 : i32
        %eq3A_293 = arith.cmpi eq, %arg0, %eq3A_292 : i32
        %convert_element_type3A_294 = arith.extui %eq3A_293 : i1 to i32
        %cond3A_295 = arith.constant 0 : i32
        %cond3A_296 = arith.cmpi ne, %convert_element_type3A_294, %cond3A_295 : i32
        scf.if %cond3A_296 {
          %ge3A = arith.constant 1 : i32
          %ge3A_297 = arith.cmpi sge, %scan3A_236, %ge3A : i32
          %convert_element_type3A_298 = arith.extui %ge3A_297 : i1 to i32
          %cond3A_299 = arith.constant 0 : i32
          %cond3A_300 = arith.cmpi ne, %convert_element_type3A_298, %cond3A_299 : i32
          scf.if %cond3A_300 {
            %dma_wait3A_308 = arith.constant 0 : i32
            %dma_wait3A_309 = tpu.memref_slice %arg16[%dma_wait3A_308] : memref<10000xf32, #tpu.memory_space<vmem_shared>> -> memref<80xf32, #tpu.memory_space<vmem_shared>>
            %dma_wait3A_310 = arith.constant 0 : i32
            %dma_wait3A_311 = tpu.memref_slice %arg16[%dma_wait3A_310] : memref<10000xf32, #tpu.memory_space<vmem_shared>> -> memref<80xf32, #tpu.memory_space<vmem_shared>>
            tpu.wait_dma2 semaphore(%arg14 : memref<!tpu.dma_semaphore, #tpu.memory_space<semaphore_mem>>) src(%arg11 : memref<80xf32, #tpu.memory_space<vmem>>) dst(%dma_wait3A_311 : memref<80xf32, #tpu.memory_space<vmem_shared>>)
          } else {
          }
          %add3A_301 = arith.constant 0 : i32
          %add3A_302 = arith.addi %add3A_301, %scan3A_236 : i32
          %dma_start3A_303 = arith.constant 0 : i32
          %dma_start3A_304 = tpu.memref_slice %arg9[%add3A_302, %dma_start3A_303] : memref<125x80xi32, #tpu.memory_space<vmem>> -> memref<1x80xi32, #tpu.memory_space<vmem>>
          %dma_start3A_305 = tpu.memref_squeeze %dma_start3A_304 : memref<1x80xi32, #tpu.memory_space<vmem>> -> memref<80xi32, #tpu.memory_space<vmem>>
          %dma_start3A_306 = arith.constant 0 : i32
          %dma_start3A_307 = tpu.memref_slice %arg16[%dma_start3A_306] : memref<10000xf32, #tpu.memory_space<vmem_shared>> -> memref<10000xf32, #tpu.memory_space<vmem_shared>>
          tpu.enqueue_indirect_dma source(%arg11 : memref<80xf32, #tpu.memory_space<vmem>>) target(%dma_start3A_307 : memref<10000xf32, #tpu.memory_space<vmem_shared>>) offsets(%dma_start3A_305 : memref<80xi32, #tpu.memory_space<vmem>>) semaphore(%arg14 : memref<!tpu.dma_semaphore, #tpu.memory_space<semaphore_mem>>) {add = true}
        } else {
        }
      } else {
      }
    }
    %scan3A_108 = arith.constant 64 : i32
    %dma_wait3A = arith.constant 0 : i32
    %dma_wait3A_109 = arith.constant 0 : i32
    %dma_wait3A_110 = arith.constant 0 : i32
    %dma_wait3A_111 = arith.constant 0 : i32
    %dma_wait3A_112 = tpu.memref_slice %arg10[%dma_wait3A, %dma_wait3A_110, %dma_wait3A_111] : memref<2x80x128xf32, #tpu.memory_space<vmem>> -> memref<1x80x128xf32, #tpu.memory_space<vmem>>
    %dma_wait3A_113 = tpu.memref_squeeze %dma_wait3A_112 : memref<1x80x128xf32, #tpu.memory_space<vmem>> -> memref<80x128xf32, #tpu.memory_space<vmem>>
    %dma_wait3A_114 = arith.constant 0 : i32
    %dma_wait3A_115 = arith.constant 0 : i32
    %dma_wait3A_116 = tpu.memref_slice %arg15[%dma_wait3A_114, %dma_wait3A_115] : memref<10000x128xf32, #tpu.memory_space<vmem_shared>> -> memref<80x128xf32, #tpu.memory_space<vmem_shared>>
    %dma_wait3A_117 = tpu.memref_slice %arg13[%dma_wait3A_109] : memref<2x!tpu.dma_semaphore, #tpu.memory_space<semaphore_mem>> -> memref<1x!tpu.dma_semaphore, #tpu.memory_space<semaphore_mem>>
    %dma_wait3A_118 = tpu.memref_squeeze %dma_wait3A_117 : memref<1x!tpu.dma_semaphore, #tpu.memory_space<semaphore_mem>> -> memref<!tpu.dma_semaphore, #tpu.memory_space<semaphore_mem>>
    %dma_wait3A_119 = arith.constant 0 : i32
    %dma_wait3A_120 = arith.constant 0 : i32
    %dma_wait3A_121 = tpu.memref_slice %arg15[%dma_wait3A_119, %dma_wait3A_120] : memref<10000x128xf32, #tpu.memory_space<vmem_shared>> -> memref<80x128xf32, #tpu.memory_space<vmem_shared>>
    %dma_wait3A_122 = arith.constant 0 : i32
    %dma_wait3A_123 = arith.constant 0 : i32
    %dma_wait3A_124 = tpu.memref_slice %arg10[%dma_wait3A, %dma_wait3A_122, %dma_wait3A_123] : memref<2x80x128xf32, #tpu.memory_space<vmem>> -> memref<1x80x128xf32, #tpu.memory_space<vmem>>
    %dma_wait3A_125 = tpu.memref_squeeze %dma_wait3A_124 : memref<1x80x128xf32, #tpu.memory_space<vmem>> -> memref<80x128xf32, #tpu.memory_space<vmem>>
    tpu.wait_dma2 semaphore(%dma_wait3A_118 : memref<!tpu.dma_semaphore, #tpu.memory_space<semaphore_mem>>) src(%dma_wait3A_125 : memref<80x128xf32, #tpu.memory_space<vmem>>) dst(%dma_wait3A_121 : memref<80x128xf32, #tpu.memory_space<vmem_shared>>)
    %dma_wait3A_126 = arith.constant 1 : i32
    %dma_wait3A_127 = arith.constant 1 : i32
    %dma_wait3A_128 = arith.constant 0 : i32
    %dma_wait3A_129 = arith.constant 0 : i32
    %dma_wait3A_130 = tpu.memref_slice %arg10[%dma_wait3A_126, %dma_wait3A_128, %dma_wait3A_129] : memref<2x80x128xf32, #tpu.memory_space<vmem>> -> memref<1x80x128xf32, #tpu.memory_space<vmem>>
    %dma_wait3A_131 = tpu.memref_squeeze %dma_wait3A_130 : memref<1x80x128xf32, #tpu.memory_space<vmem>> -> memref<80x128xf32, #tpu.memory_space<vmem>>
    %dma_wait3A_132 = arith.constant 0 : i32
    %dma_wait3A_133 = arith.constant 0 : i32
    %dma_wait3A_134 = tpu.memref_slice %arg15[%dma_wait3A_132, %dma_wait3A_133] : memref<10000x128xf32, #tpu.memory_space<vmem_shared>> -> memref<80x128xf32, #tpu.memory_space<vmem_shared>>
    %dma_wait3A_135 = tpu.memref_slice %arg13[%dma_wait3A_127] : memref<2x!tpu.dma_semaphore, #tpu.memory_space<semaphore_mem>> -> memref<1x!tpu.dma_semaphore, #tpu.memory_space<semaphore_mem>>
    %dma_wait3A_136 = tpu.memref_squeeze %dma_wait3A_135 : memref<1x!tpu.dma_semaphore, #tpu.memory_space<semaphore_mem>> -> memref<!tpu.dma_semaphore, #tpu.memory_space<semaphore_mem>>
    %dma_wait3A_137 = arith.constant 0 : i32
    %dma_wait3A_138 = arith.constant 0 : i32
    %dma_wait3A_139 = tpu.memref_slice %arg15[%dma_wait3A_137, %dma_wait3A_138] : memref<10000x128xf32, #tpu.memory_space<vmem_shared>> -> memref<80x128xf32, #tpu.memory_space<vmem_shared>>
    %dma_wait3A_140 = arith.constant 0 : i32
    %dma_wait3A_141 = arith.constant 0 : i32
    %dma_wait3A_142 = tpu.memref_slice %arg10[%dma_wait3A_126, %dma_wait3A_140, %dma_wait3A_141] : memref<2x80x128xf32, #tpu.memory_space<vmem>> -> memref<1x80x128xf32, #tpu.memory_space<vmem>>
    %dma_wait3A_143 = tpu.memref_squeeze %dma_wait3A_142 : memref<1x80x128xf32, #tpu.memory_space<vmem>> -> memref<80x128xf32, #tpu.memory_space<vmem>>
    tpu.wait_dma2 semaphore(%dma_wait3A_136 : memref<!tpu.dma_semaphore, #tpu.memory_space<semaphore_mem>>) src(%dma_wait3A_143 : memref<80x128xf32, #tpu.memory_space<vmem>>) dst(%dma_wait3A_139 : memref<80x128xf32, #tpu.memory_space<vmem_shared>>)
    %eq3A_144 = arith.constant 0 : i32
    %eq3A_145 = arith.cmpi eq, %arg0, %eq3A_144 : i32
    %convert_element_type3A_146 = arith.extui %eq3A_145 : i1 to i32
    %cond3A_147 = arith.constant 0 : i32
    %cond3A_148 = arith.cmpi ne, %convert_element_type3A_146, %cond3A_147 : i32
    scf.if %cond3A_148 {
      %dma_wait3A_236 = arith.constant 0 : i32
      %dma_wait3A_237 = tpu.memref_slice %arg16[%dma_wait3A_236] : memref<10000xf32, #tpu.memory_space<vmem_shared>> -> memref<80xf32, #tpu.memory_space<vmem_shared>>
      %dma_wait3A_238 = arith.constant 0 : i32
      %dma_wait3A_239 = tpu.memref_slice %arg16[%dma_wait3A_238] : memref<10000xf32, #tpu.memory_space<vmem_shared>> -> memref<80xf32, #tpu.memory_space<vmem_shared>>
      tpu.wait_dma2 semaphore(%arg14 : memref<!tpu.dma_semaphore, #tpu.memory_space<semaphore_mem>>) src(%arg11 : memref<80xf32, #tpu.memory_space<vmem>>) dst(%dma_wait3A_239 : memref<80xf32, #tpu.memory_space<vmem_shared>>)
    } else {
    }
    "tpu.region"() ({
      %run_scoped3A_236 = tpu.sem_alloc : memref<!tpu.dma_semaphore, #tpu.memory_space<semaphore_mem>>
      %dma_start3A_237 = arith.constant 0 : i32
      %dma_start3A_238 = arith.constant 0 : i32
      %dma_start3A_239 = tpu.memref_slice %arg8[%dma_start3A_237, %dma_start3A_238] : memref<64x80xi32, #tpu.memory_space<vmem>> -> memref<61x80xi32, #tpu.memory_space<vmem>>
      %dma_start3A_240 = arith.constant 64 : i32
      %dma_start3A_241 = arith.constant 0 : i32
      %dma_start3A_242 = tpu.memref_slice %arg3[%arg1, %dma_start3A_240, %dma_start3A_241] : memref<16x125x80xi32, #tpu.memory_space<hbm>> -> memref<1x61x80xi32, #tpu.memory_space<hbm>>
      %dma_start3A_243 = tpu.memref_squeeze %dma_start3A_242 : memref<1x61x80xi32, #tpu.memory_space<hbm>> -> memref<61x80xi32, #tpu.memory_space<hbm>>
      %dma_start3A_244 = arith.constant 0 : i32
      %dma_start3A_245 = arith.constant 0 : i32
      %dma_start3A_246 = tpu.memref_slice %arg8[%dma_start3A_244, %dma_start3A_245] : memref<64x80xi32, #tpu.memory_space<vmem>> -> memref<61x80xi32, #tpu.memory_space<vmem>>
      %dma_start3A_247 = arith.constant 64 : i32
      %dma_start3A_248 = arith.constant 0 : i32
      %dma_start3A_249 = tpu.memref_slice %arg3[%arg1, %dma_start3A_247, %dma_start3A_248] : memref<16x125x80xi32, #tpu.memory_space<hbm>> -> memref<1x61x80xi32, #tpu.memory_space<hbm>>
      %dma_start3A_250 = tpu.memref_squeeze %dma_start3A_249 : memref<1x61x80xi32, #tpu.memory_space<hbm>> -> memref<61x80xi32, #tpu.memory_space<hbm>>
      tpu.enqueue_dma source(%dma_start3A_250 : memref<61x80xi32, #tpu.memory_space<hbm>>) target(%dma_start3A_246 : memref<61x80xi32, #tpu.memory_space<vmem>>) target_semaphore(%run_scoped3A_236 : memref<!tpu.dma_semaphore, #tpu.memory_space<semaphore_mem>>)
      %dma_wait3A_251 = arith.constant 0 : i32
      %dma_wait3A_252 = arith.constant 0 : i32
      %dma_wait3A_253 = tpu.memref_slice %arg8[%dma_wait3A_251, %dma_wait3A_252] : memref<64x80xi32, #tpu.memory_space<vmem>> -> memref<61x80xi32, #tpu.memory_space<vmem>>
      %dma_wait3A_254 = arith.constant 64 : i32
      %dma_wait3A_255 = arith.constant 0 : i32
      %dma_wait3A_256 = tpu.memref_slice %arg3[%arg1, %dma_wait3A_254, %dma_wait3A_255] : memref<16x125x80xi32, #tpu.memory_space<hbm>> -> memref<1x61x80xi32, #tpu.memory_space<hbm>>
      %dma_wait3A_257 = tpu.memref_squeeze %dma_wait3A_256 : memref<1x61x80xi32, #tpu.memory_space<hbm>> -> memref<61x80xi32, #tpu.memory_space<hbm>>
      %dma_wait3A_258 = arith.constant 0 : i32
      %dma_wait3A_259 = arith.constant 0 : i32
      %dma_wait3A_260 = tpu.memref_slice %arg8[%dma_wait3A_258, %dma_wait3A_259] : memref<64x80xi32, #tpu.memory_space<vmem>> -> memref<61x80xi32, #tpu.memory_space<vmem>>
      %dma_wait3A_261 = arith.constant 64 : i32
      %dma_wait3A_262 = arith.constant 0 : i32
      %dma_wait3A_263 = tpu.memref_slice %arg3[%arg1, %dma_wait3A_261, %dma_wait3A_262] : memref<16x125x80xi32, #tpu.memory_space<hbm>> -> memref<1x61x80xi32, #tpu.memory_space<hbm>>
      %dma_wait3A_264 = tpu.memref_squeeze %dma_wait3A_263 : memref<1x61x80xi32, #tpu.memory_space<hbm>> -> memref<61x80xi32, #tpu.memory_space<hbm>>
      tpu.wait_dma2 semaphore(%run_scoped3A_236 : memref<!tpu.dma_semaphore, #tpu.memory_space<semaphore_mem>>) src(%dma_wait3A_264 : memref<61x80xi32, #tpu.memory_space<hbm>>) dst(%dma_wait3A_260 : memref<61x80xi32, #tpu.memory_space<vmem>>)
      tpu.yield
    }) : () -> ()
    %dma_start3A_149 = arith.constant 0 : i32
    %dma_start3A_150 = arith.constant 0 : i32
    %dma_start3A_151 = arith.constant 0 : i32
    %dma_start3A_152 = arith.constant 0 : i32
    %dma_start3A_153 = arith.constant 0 : i32
    %dma_start3A_154 = tpu.memref_slice %arg10[%dma_start3A_150, %dma_start3A_152, %dma_start3A_153] : memref<2x80x128xf32, #tpu.memory_space<vmem>> -> memref<1x80x128xf32, #tpu.memory_space<vmem>>
    %dma_start3A_155 = tpu.memref_squeeze %dma_start3A_154 : memref<1x80x128xf32, #tpu.memory_space<vmem>> -> memref<80x128xf32, #tpu.memory_space<vmem>>
    %dma_start3A_156 = arith.constant 0 : i32
    %dma_start3A_157 = tpu.memref_slice %arg8[%dma_start3A_149, %dma_start3A_156] : memref<64x80xi32, #tpu.memory_space<vmem>> -> memref<1x80xi32, #tpu.memory_space<vmem>>
    %dma_start3A_158 = tpu.memref_squeeze %dma_start3A_157 : memref<1x80xi32, #tpu.memory_space<vmem>> -> memref<80xi32, #tpu.memory_space<vmem>>
    %dma_start3A_159 = arith.constant 0 : i32
    %dma_start3A_160 = arith.constant 0 : i32
    %dma_start3A_161 = tpu.memref_slice %arg2[%arg0, %dma_start3A_159, %dma_start3A_160] : memref<2x10000x128xf32, #tpu.memory_space<hbm>> -> memref<1x10000x128xf32, #tpu.memory_space<hbm>>
    %dma_start3A_162 = tpu.memref_squeeze %dma_start3A_161 : memref<1x10000x128xf32, #tpu.memory_space<hbm>> -> memref<10000x128xf32, #tpu.memory_space<hbm>>
    %dma_start3A_163 = arith.constant 0 : i32
    %dma_start3A_164 = arith.constant 0 : i32
    %dma_start3A_165 = tpu.memref_slice %dma_start3A_162[%dma_start3A_163, %dma_start3A_164] : memref<10000x128xf32, #tpu.memory_space<hbm>> -> memref<10000x128xf32, #tpu.memory_space<hbm>>
    %dma_start3A_166 = tpu.memref_slice %arg12[%dma_start3A_151] : memref<2x!tpu.dma_semaphore, #tpu.memory_space<semaphore_mem>> -> memref<1x!tpu.dma_semaphore, #tpu.memory_space<semaphore_mem>>
    %dma_start3A_167 = tpu.memref_squeeze %dma_start3A_166 : memref<1x!tpu.dma_semaphore, #tpu.memory_space<semaphore_mem>> -> memref<!tpu.dma_semaphore, #tpu.memory_space<semaphore_mem>>
    tpu.enqueue_indirect_dma source(%dma_start3A_165 : memref<10000x128xf32, #tpu.memory_space<hbm>>) target(%dma_start3A_155 : memref<80x128xf32, #tpu.memory_space<vmem>>) offsets(%dma_start3A_158 : memref<80xi32, #tpu.memory_space<vmem>>) semaphore(%dma_start3A_167 : memref<!tpu.dma_semaphore, #tpu.memory_space<semaphore_mem>>)
    %scan3A_168 = arith.constant 0 : i32
    %scan3A_169 = arith.constant 1 : i32
    %scan3A_170 = arith.constant 1 : i32
    %scan3A_171 = arith.constant 1 : i32
    %scan3A_172 = arith.constant 0 : i32
    %scan3A_173 = arith.constant 0 : i32
    %scan3A_174 = arith.constant 0 : i32
    %scan3A_175 = arith.constant 0 : i32
    %scan3A_176 = arith.constant 61 : i32
    %scan3A_177 = arith.addi %scan3A_175, %scan3A_176 : i32
    %scan3A_178 = arith.constant 1 : i32
    scf.for %scan3A_236 = %scan3A_175 to %scan3A_177 step %scan3A_178  : i32 {
      %rem3A = arith.constant 2 : i32
      %rem3A_237 = arith.remsi %scan3A_236, %rem3A : i32
      %eq3A_238 = arith.constant 0 : i32
      %eq3A_239 = arith.cmpi eq, %rem3A_237, %eq3A_238 : i32
      %convert_element_type3A_240 = arith.extui %eq3A_239 : i1 to i32
      %cond3A_241 = arith.constant 0 : i32
      %cond3A_242 = arith.cmpi ne, %convert_element_type3A_240, %cond3A_241 : i32
      scf.if %cond3A_242 {
        %lt3A = arith.constant 60 : i32
        %lt3A_250 = arith.cmpi slt, %scan3A_236, %lt3A : i32
        %convert_element_type3A_251 = arith.extui %lt3A_250 : i1 to i32
        %cond3A_252 = arith.constant 0 : i32
        %cond3A_253 = arith.cmpi ne, %convert_element_type3A_251, %cond3A_252 : i32
        scf.if %cond3A_253 {
          %ge3A = arith.constant 1 : i32
          %ge3A_297 = arith.cmpi sge, %scan3A_236, %ge3A : i32
          %convert_element_type3A_298 = arith.extui %ge3A_297 : i1 to i32
          %cond3A_299 = arith.constant 0 : i32
          %cond3A_300 = arith.cmpi ne, %convert_element_type3A_298, %cond3A_299 : i32
          scf.if %cond3A_300 {
            %dma_wait3A_319 = arith.constant 0 : i32
            %dma_wait3A_320 = arith.constant 0 : i32
            %dma_wait3A_321 = tpu.memref_slice %arg10[%scan3A_169, %dma_wait3A_319, %dma_wait3A_320] : memref<2x80x128xf32, #tpu.memory_space<vmem>> -> memref<1x80x128xf32, #tpu.memory_space<vmem>>
            %dma_wait3A_322 = tpu.memref_squeeze %dma_wait3A_321 : memref<1x80x128xf32, #tpu.memory_space<vmem>> -> memref<80x128xf32, #tpu.memory_space<vmem>>
            %dma_wait3A_323 = arith.constant 0 : i32
            %dma_wait3A_324 = arith.constant 0 : i32
            %dma_wait3A_325 = tpu.memref_slice %arg15[%dma_wait3A_323, %dma_wait3A_324] : memref<10000x128xf32, #tpu.memory_space<vmem_shared>> -> memref<80x128xf32, #tpu.memory_space<vmem_shared>>
            %dma_wait3A_326 = tpu.memref_slice %arg13[%scan3A_170] : memref<2x!tpu.dma_semaphore, #tpu.memory_space<semaphore_mem>> -> memref<1x!tpu.dma_semaphore, #tpu.memory_space<semaphore_mem>>
            %dma_wait3A_327 = tpu.memref_squeeze %dma_wait3A_326 : memref<1x!tpu.dma_semaphore, #tpu.memory_space<semaphore_mem>> -> memref<!tpu.dma_semaphore, #tpu.memory_space<semaphore_mem>>
            %dma_wait3A_328 = arith.constant 0 : i32
            %dma_wait3A_329 = arith.constant 0 : i32
            %dma_wait3A_330 = tpu.memref_slice %arg15[%dma_wait3A_328, %dma_wait3A_329] : memref<10000x128xf32, #tpu.memory_space<vmem_shared>> -> memref<80x128xf32, #tpu.memory_space<vmem_shared>>
            %dma_wait3A_331 = arith.constant 0 : i32
            %dma_wait3A_332 = arith.constant 0 : i32
            %dma_wait3A_333 = tpu.memref_slice %arg10[%scan3A_169, %dma_wait3A_331, %dma_wait3A_332] : memref<2x80x128xf32, #tpu.memory_space<vmem>> -> memref<1x80x128xf32, #tpu.memory_space<vmem>>
            %dma_wait3A_334 = tpu.memref_squeeze %dma_wait3A_333 : memref<1x80x128xf32, #tpu.memory_space<vmem>> -> memref<80x128xf32, #tpu.memory_space<vmem>>
            tpu.wait_dma2 semaphore(%dma_wait3A_327 : memref<!tpu.dma_semaphore, #tpu.memory_space<semaphore_mem>>) src(%dma_wait3A_334 : memref<80x128xf32, #tpu.memory_space<vmem>>) dst(%dma_wait3A_330 : memref<80x128xf32, #tpu.memory_space<vmem_shared>>)
          } else {
          }
          %add3A_301 = arith.constant 1 : i32
          %add3A_302 = arith.addi %scan3A_236, %add3A_301 : i32
          %dma_start3A_303 = arith.constant 0 : i32
          %dma_start3A_304 = arith.constant 0 : i32
          %dma_start3A_305 = tpu.memref_slice %arg10[%scan3A_169, %dma_start3A_303, %dma_start3A_304] : memref<2x80x128xf32, #tpu.memory_space<vmem>> -> memref<1x80x128xf32, #tpu.memory_space<vmem>>
          %dma_start3A_306 = tpu.memref_squeeze %dma_start3A_305 : memref<1x80x128xf32, #tpu.memory_space<vmem>> -> memref<80x128xf32, #tpu.memory_space<vmem>>
          %dma_start3A_307 = arith.constant 0 : i32
          %dma_start3A_308 = tpu.memref_slice %arg8[%add3A_302, %dma_start3A_307] : memref<64x80xi32, #tpu.memory_space<vmem>> -> memref<1x80xi32, #tpu.memory_space<vmem>>
          %dma_start3A_309 = tpu.memref_squeeze %dma_start3A_308 : memref<1x80xi32, #tpu.memory_space<vmem>> -> memref<80xi32, #tpu.memory_space<vmem>>
          %dma_start3A_310 = arith.constant 0 : i32
          %dma_start3A_311 = arith.constant 0 : i32
          %dma_start3A_312 = tpu.memref_slice %arg2[%arg0, %dma_start3A_310, %dma_start3A_311] : memref<2x10000x128xf32, #tpu.memory_space<hbm>> -> memref<1x10000x128xf32, #tpu.memory_space<hbm>>
          %dma_start3A_313 = tpu.memref_squeeze %dma_start3A_312 : memref<1x10000x128xf32, #tpu.memory_space<hbm>> -> memref<10000x128xf32, #tpu.memory_space<hbm>>
          %dma_start3A_314 = arith.constant 0 : i32
          %dma_start3A_315 = arith.constant 0 : i32
          %dma_start3A_316 = tpu.memref_slice %dma_start3A_313[%dma_start3A_314, %dma_start3A_315] : memref<10000x128xf32, #tpu.memory_space<hbm>> -> memref<10000x128xf32, #tpu.memory_space<hbm>>
          %dma_start3A_317 = tpu.memref_slice %arg12[%scan3A_171] : memref<2x!tpu.dma_semaphore, #tpu.memory_space<semaphore_mem>> -> memref<1x!tpu.dma_semaphore, #tpu.memory_space<semaphore_mem>>
          %dma_start3A_318 = tpu.memref_squeeze %dma_start3A_317 : memref<1x!tpu.dma_semaphore, #tpu.memory_space<semaphore_mem>> -> memref<!tpu.dma_semaphore, #tpu.memory_space<semaphore_mem>>
          tpu.enqueue_indirect_dma source(%dma_start3A_316 : memref<10000x128xf32, #tpu.memory_space<hbm>>) target(%dma_start3A_306 : memref<80x128xf32, #tpu.memory_space<vmem>>) offsets(%dma_start3A_309 : memref<80xi32, #tpu.memory_space<vmem>>) semaphore(%dma_start3A_318 : memref<!tpu.dma_semaphore, #tpu.memory_space<semaphore_mem>>)
        } else {
        }
        %dma_wait3A_254 = arith.constant 0 : i32
        %dma_wait3A_255 = arith.constant 0 : i32
        %dma_wait3A_256 = tpu.memref_slice %arg10[%scan3A_172, %dma_wait3A_254, %dma_wait3A_255] : memref<2x80x128xf32, #tpu.memory_space<vmem>> -> memref<1x80x128xf32, #tpu.memory_space<vmem>>
        %dma_wait3A_257 = tpu.memref_squeeze %dma_wait3A_256 : memref<1x80x128xf32, #tpu.memory_space<vmem>> -> memref<80x128xf32, #tpu.memory_space<vmem>>
        %dma_wait3A_258 = arith.constant 0 : i32
        %dma_wait3A_259 = arith.constant 0 : i32
        %dma_wait3A_260 = tpu.memref_slice %arg2[%arg0, %dma_wait3A_258, %dma_wait3A_259] : memref<2x10000x128xf32, #tpu.memory_space<hbm>> -> memref<1x10000x128xf32, #tpu.memory_space<hbm>>
        %dma_wait3A_261 = tpu.memref_squeeze %dma_wait3A_260 : memref<1x10000x128xf32, #tpu.memory_space<hbm>> -> memref<10000x128xf32, #tpu.memory_space<hbm>>
        %dma_wait3A_262 = arith.constant 0 : i32
        %dma_wait3A_263 = arith.constant 0 : i32
        %dma_wait3A_264 = tpu.memref_slice %dma_wait3A_261[%dma_wait3A_262, %dma_wait3A_263] : memref<10000x128xf32, #tpu.memory_space<hbm>> -> memref<80x128xf32, #tpu.memory_space<hbm>>
        %dma_wait3A_265 = tpu.memref_slice %arg12[%scan3A_173] : memref<2x!tpu.dma_semaphore, #tpu.memory_space<semaphore_mem>> -> memref<1x!tpu.dma_semaphore, #tpu.memory_space<semaphore_mem>>
        %dma_wait3A_266 = tpu.memref_squeeze %dma_wait3A_265 : memref<1x!tpu.dma_semaphore, #tpu.memory_space<semaphore_mem>> -> memref<!tpu.dma_semaphore, #tpu.memory_space<semaphore_mem>>
        %dma_wait3A_267 = arith.constant 0 : i32
        %dma_wait3A_268 = arith.constant 0 : i32
        %dma_wait3A_269 = tpu.memref_slice %arg10[%scan3A_172, %dma_wait3A_267, %dma_wait3A_268] : memref<2x80x128xf32, #tpu.memory_space<vmem>> -> memref<1x80x128xf32, #tpu.memory_space<vmem>>
        %dma_wait3A_270 = tpu.memref_squeeze %dma_wait3A_269 : memref<1x80x128xf32, #tpu.memory_space<vmem>> -> memref<80x128xf32, #tpu.memory_space<vmem>>
        %dma_wait3A_271 = arith.constant 0 : i32
        %dma_wait3A_272 = arith.constant 0 : i32
        %dma_wait3A_273 = tpu.memref_slice %arg2[%arg0, %dma_wait3A_271, %dma_wait3A_272] : memref<2x10000x128xf32, #tpu.memory_space<hbm>> -> memref<1x10000x128xf32, #tpu.memory_space<hbm>>
        %dma_wait3A_274 = tpu.memref_squeeze %dma_wait3A_273 : memref<1x10000x128xf32, #tpu.memory_space<hbm>> -> memref<10000x128xf32, #tpu.memory_space<hbm>>
        %dma_wait3A_275 = arith.constant 0 : i32
        %dma_wait3A_276 = arith.constant 0 : i32
        %dma_wait3A_277 = tpu.memref_slice %dma_wait3A_274[%dma_wait3A_275, %dma_wait3A_276] : memref<10000x128xf32, #tpu.memory_space<hbm>> -> memref<80x128xf32, #tpu.memory_space<hbm>>
        tpu.wait_dma2 semaphore(%dma_wait3A_266 : memref<!tpu.dma_semaphore, #tpu.memory_space<semaphore_mem>>) src(%dma_wait3A_277 : memref<80x128xf32, #tpu.memory_space<hbm>>) dst(%dma_wait3A_270 : memref<80x128xf32, #tpu.memory_space<vmem>>)
        %add3A_278 = arith.constant 64 : i32
        %add3A_279 = arith.addi %add3A_278, %scan3A_236 : i32
        %dma_start3A_280 = arith.constant 0 : i32
        %dma_start3A_281 = arith.constant 0 : i32
        %dma_start3A_282 = tpu.memref_slice %arg10[%scan3A_172, %dma_start3A_280, %dma_start3A_281] : memref<2x80x128xf32, #tpu.memory_space<vmem>> -> memref<1x80x128xf32, #tpu.memory_space<vmem>>
        %dma_start3A_283 = tpu.memref_squeeze %dma_start3A_282 : memref<1x80x128xf32, #tpu.memory_space<vmem>> -> memref<80x128xf32, #tpu.memory_space<vmem>>
        %dma_start3A_284 = arith.constant 0 : i32
        %dma_start3A_285 = tpu.memref_slice %arg9[%add3A_279, %dma_start3A_284] : memref<125x80xi32, #tpu.memory_space<vmem>> -> memref<1x80xi32, #tpu.memory_space<vmem>>
        %dma_start3A_286 = tpu.memref_squeeze %dma_start3A_285 : memref<1x80xi32, #tpu.memory_space<vmem>> -> memref<80xi32, #tpu.memory_space<vmem>>
        %dma_start3A_287 = arith.constant 0 : i32
        %dma_start3A_288 = arith.constant 0 : i32
        %dma_start3A_289 = tpu.memref_slice %arg15[%dma_start3A_287, %dma_start3A_288] : memref<10000x128xf32, #tpu.memory_space<vmem_shared>> -> memref<10000x128xf32, #tpu.memory_space<vmem_shared>>
        %dma_start3A_290 = tpu.memref_slice %arg13[%scan3A_174] : memref<2x!tpu.dma_semaphore, #tpu.memory_space<semaphore_mem>> -> memref<1x!tpu.dma_semaphore, #tpu.memory_space<semaphore_mem>>
        %dma_start3A_291 = tpu.memref_squeeze %dma_start3A_290 : memref<1x!tpu.dma_semaphore, #tpu.memory_space<semaphore_mem>> -> memref<!tpu.dma_semaphore, #tpu.memory_space<semaphore_mem>>
        tpu.enqueue_indirect_dma source(%dma_start3A_283 : memref<80x128xf32, #tpu.memory_space<vmem>>) target(%dma_start3A_289 : memref<10000x128xf32, #tpu.memory_space<vmem_shared>>) offsets(%dma_start3A_286 : memref<80xi32, #tpu.memory_space<vmem>>) semaphore(%dma_start3A_291 : memref<!tpu.dma_semaphore, #tpu.memory_space<semaphore_mem>>) {add = true}
        %eq3A_292 = arith.constant 1 : i32
        %eq3A_293 = arith.cmpi eq, %arg0, %eq3A_292 : i32
        %convert_element_type3A_294 = arith.extui %eq3A_293 : i1 to i32
        %cond3A_295 = arith.constant 0 : i32
        %cond3A_296 = arith.cmpi ne, %convert_element_type3A_294, %cond3A_295 : i32
        scf.if %cond3A_296 {
          %ge3A = arith.constant 1 : i32
          %ge3A_297 = arith.cmpi sge, %scan3A_236, %ge3A : i32
          %convert_element_type3A_298 = arith.extui %ge3A_297 : i1 to i32
          %cond3A_299 = arith.constant 0 : i32
          %cond3A_300 = arith.cmpi ne, %convert_element_type3A_298, %cond3A_299 : i32
          scf.if %cond3A_300 {
            %dma_wait3A_308 = arith.constant 0 : i32
            %dma_wait3A_309 = tpu.memref_slice %arg16[%dma_wait3A_308] : memref<10000xf32, #tpu.memory_space<vmem_shared>> -> memref<80xf32, #tpu.memory_space<vmem_shared>>
            %dma_wait3A_310 = arith.constant 0 : i32
            %dma_wait3A_311 = tpu.memref_slice %arg16[%dma_wait3A_310] : memref<10000xf32, #tpu.memory_space<vmem_shared>> -> memref<80xf32, #tpu.memory_space<vmem_shared>>
            tpu.wait_dma2 semaphore(%arg14 : memref<!tpu.dma_semaphore, #tpu.memory_space<semaphore_mem>>) src(%arg11 : memref<80xf32, #tpu.memory_space<vmem>>) dst(%dma_wait3A_311 : memref<80xf32, #tpu.memory_space<vmem_shared>>)
          } else {
          }
          %add3A_301 = arith.constant 64 : i32
          %add3A_302 = arith.addi %add3A_301, %scan3A_236 : i32
          %dma_start3A_303 = arith.constant 0 : i32
          %dma_start3A_304 = tpu.memref_slice %arg9[%add3A_302, %dma_start3A_303] : memref<125x80xi32, #tpu.memory_space<vmem>> -> memref<1x80xi32, #tpu.memory_space<vmem>>
          %dma_start3A_305 = tpu.memref_squeeze %dma_start3A_304 : memref<1x80xi32, #tpu.memory_space<vmem>> -> memref<80xi32, #tpu.memory_space<vmem>>
          %dma_start3A_306 = arith.constant 0 : i32
          %dma_start3A_307 = tpu.memref_slice %arg16[%dma_start3A_306] : memref<10000xf32, #tpu.memory_space<vmem_shared>> -> memref<10000xf32, #tpu.memory_space<vmem_shared>>
          tpu.enqueue_indirect_dma source(%arg11 : memref<80xf32, #tpu.memory_space<vmem>>) target(%dma_start3A_307 : memref<10000xf32, #tpu.memory_space<vmem_shared>>) offsets(%dma_start3A_305 : memref<80xi32, #tpu.memory_space<vmem>>) semaphore(%arg14 : memref<!tpu.dma_semaphore, #tpu.memory_space<semaphore_mem>>) {add = true}
        } else {
        }
      } else {
      }
      %rem3A_243 = arith.constant 2 : i32
      %rem3A_244 = arith.remsi %scan3A_236, %rem3A_243 : i32
      %eq3A_245 = arith.constant 1 : i32
      %eq3A_246 = arith.cmpi eq, %rem3A_244, %eq3A_245 : i32
      %convert_element_type3A_247 = arith.extui %eq3A_246 : i1 to i32
      %cond3A_248 = arith.constant 0 : i32
      %cond3A_249 = arith.cmpi ne, %convert_element_type3A_247, %cond3A_248 : i32
      scf.if %cond3A_249 {
        %lt3A = arith.constant 60 : i32
        %lt3A_250 = arith.cmpi slt, %scan3A_236, %lt3A : i32
        %convert_element_type3A_251 = arith.extui %lt3A_250 : i1 to i32
        %cond3A_252 = arith.constant 0 : i32
        %cond3A_253 = arith.cmpi ne, %convert_element_type3A_251, %cond3A_252 : i32
        scf.if %cond3A_253 {
          %ge3A = arith.constant 1 : i32
          %ge3A_297 = arith.cmpi sge, %scan3A_236, %ge3A : i32
          %convert_element_type3A_298 = arith.extui %ge3A_297 : i1 to i32
          %cond3A_299 = arith.constant 0 : i32
          %cond3A_300 = arith.cmpi ne, %convert_element_type3A_298, %cond3A_299 : i32
          scf.if %cond3A_300 {
            %dma_wait3A_319 = arith.constant 0 : i32
            %dma_wait3A_320 = arith.constant 0 : i32
            %dma_wait3A_321 = tpu.memref_slice %arg10[%scan3A_172, %dma_wait3A_319, %dma_wait3A_320] : memref<2x80x128xf32, #tpu.memory_space<vmem>> -> memref<1x80x128xf32, #tpu.memory_space<vmem>>
            %dma_wait3A_322 = tpu.memref_squeeze %dma_wait3A_321 : memref<1x80x128xf32, #tpu.memory_space<vmem>> -> memref<80x128xf32, #tpu.memory_space<vmem>>
            %dma_wait3A_323 = arith.constant 0 : i32
            %dma_wait3A_324 = arith.constant 0 : i32
            %dma_wait3A_325 = tpu.memref_slice %arg15[%dma_wait3A_323, %dma_wait3A_324] : memref<10000x128xf32, #tpu.memory_space<vmem_shared>> -> memref<80x128xf32, #tpu.memory_space<vmem_shared>>
            %dma_wait3A_326 = tpu.memref_slice %arg13[%scan3A_174] : memref<2x!tpu.dma_semaphore, #tpu.memory_space<semaphore_mem>> -> memref<1x!tpu.dma_semaphore, #tpu.memory_space<semaphore_mem>>
            %dma_wait3A_327 = tpu.memref_squeeze %dma_wait3A_326 : memref<1x!tpu.dma_semaphore, #tpu.memory_space<semaphore_mem>> -> memref<!tpu.dma_semaphore, #tpu.memory_space<semaphore_mem>>
            %dma_wait3A_328 = arith.constant 0 : i32
            %dma_wait3A_329 = arith.constant 0 : i32
            %dma_wait3A_330 = tpu.memref_slice %arg15[%dma_wait3A_328, %dma_wait3A_329] : memref<10000x128xf32, #tpu.memory_space<vmem_shared>> -> memref<80x128xf32, #tpu.memory_space<vmem_shared>>
            %dma_wait3A_331 = arith.constant 0 : i32
            %dma_wait3A_332 = arith.constant 0 : i32
            %dma_wait3A_333 = tpu.memref_slice %arg10[%scan3A_172, %dma_wait3A_331, %dma_wait3A_332] : memref<2x80x128xf32, #tpu.memory_space<vmem>> -> memref<1x80x128xf32, #tpu.memory_space<vmem>>
            %dma_wait3A_334 = tpu.memref_squeeze %dma_wait3A_333 : memref<1x80x128xf32, #tpu.memory_space<vmem>> -> memref<80x128xf32, #tpu.memory_space<vmem>>
            tpu.wait_dma2 semaphore(%dma_wait3A_327 : memref<!tpu.dma_semaphore, #tpu.memory_space<semaphore_mem>>) src(%dma_wait3A_334 : memref<80x128xf32, #tpu.memory_space<vmem>>) dst(%dma_wait3A_330 : memref<80x128xf32, #tpu.memory_space<vmem_shared>>)
          } else {
          }
          %add3A_301 = arith.constant 1 : i32
          %add3A_302 = arith.addi %scan3A_236, %add3A_301 : i32
          %dma_start3A_303 = arith.constant 0 : i32
          %dma_start3A_304 = arith.constant 0 : i32
          %dma_start3A_305 = tpu.memref_slice %arg10[%scan3A_172, %dma_start3A_303, %dma_start3A_304] : memref<2x80x128xf32, #tpu.memory_space<vmem>> -> memref<1x80x128xf32, #tpu.memory_space<vmem>>
          %dma_start3A_306 = tpu.memref_squeeze %dma_start3A_305 : memref<1x80x128xf32, #tpu.memory_space<vmem>> -> memref<80x128xf32, #tpu.memory_space<vmem>>
          %dma_start3A_307 = arith.constant 0 : i32
          %dma_start3A_308 = tpu.memref_slice %arg8[%add3A_302, %dma_start3A_307] : memref<64x80xi32, #tpu.memory_space<vmem>> -> memref<1x80xi32, #tpu.memory_space<vmem>>
          %dma_start3A_309 = tpu.memref_squeeze %dma_start3A_308 : memref<1x80xi32, #tpu.memory_space<vmem>> -> memref<80xi32, #tpu.memory_space<vmem>>
          %dma_start3A_310 = arith.constant 0 : i32
          %dma_start3A_311 = arith.constant 0 : i32
          %dma_start3A_312 = tpu.memref_slice %arg2[%arg0, %dma_start3A_310, %dma_start3A_311] : memref<2x10000x128xf32, #tpu.memory_space<hbm>> -> memref<1x10000x128xf32, #tpu.memory_space<hbm>>
          %dma_start3A_313 = tpu.memref_squeeze %dma_start3A_312 : memref<1x10000x128xf32, #tpu.memory_space<hbm>> -> memref<10000x128xf32, #tpu.memory_space<hbm>>
          %dma_start3A_314 = arith.constant 0 : i32
          %dma_start3A_315 = arith.constant 0 : i32
          %dma_start3A_316 = tpu.memref_slice %dma_start3A_313[%dma_start3A_314, %dma_start3A_315] : memref<10000x128xf32, #tpu.memory_space<hbm>> -> memref<10000x128xf32, #tpu.memory_space<hbm>>
          %dma_start3A_317 = tpu.memref_slice %arg12[%scan3A_173] : memref<2x!tpu.dma_semaphore, #tpu.memory_space<semaphore_mem>> -> memref<1x!tpu.dma_semaphore, #tpu.memory_space<semaphore_mem>>
          %dma_start3A_318 = tpu.memref_squeeze %dma_start3A_317 : memref<1x!tpu.dma_semaphore, #tpu.memory_space<semaphore_mem>> -> memref<!tpu.dma_semaphore, #tpu.memory_space<semaphore_mem>>
          tpu.enqueue_indirect_dma source(%dma_start3A_316 : memref<10000x128xf32, #tpu.memory_space<hbm>>) target(%dma_start3A_306 : memref<80x128xf32, #tpu.memory_space<vmem>>) offsets(%dma_start3A_309 : memref<80xi32, #tpu.memory_space<vmem>>) semaphore(%dma_start3A_318 : memref<!tpu.dma_semaphore, #tpu.memory_space<semaphore_mem>>)
        } else {
        }
        %dma_wait3A_254 = arith.constant 0 : i32
        %dma_wait3A_255 = arith.constant 0 : i32
        %dma_wait3A_256 = tpu.memref_slice %arg10[%scan3A_169, %dma_wait3A_254, %dma_wait3A_255] : memref<2x80x128xf32, #tpu.memory_space<vmem>> -> memref<1x80x128xf32, #tpu.memory_space<vmem>>
        %dma_wait3A_257 = tpu.memref_squeeze %dma_wait3A_256 : memref<1x80x128xf32, #tpu.memory_space<vmem>> -> memref<80x128xf32, #tpu.memory_space<vmem>>
        %dma_wait3A_258 = arith.constant 0 : i32
        %dma_wait3A_259 = arith.constant 0 : i32
        %dma_wait3A_260 = tpu.memref_slice %arg2[%arg0, %dma_wait3A_258, %dma_wait3A_259] : memref<2x10000x128xf32, #tpu.memory_space<hbm>> -> memref<1x10000x128xf32, #tpu.memory_space<hbm>>
        %dma_wait3A_261 = tpu.memref_squeeze %dma_wait3A_260 : memref<1x10000x128xf32, #tpu.memory_space<hbm>> -> memref<10000x128xf32, #tpu.memory_space<hbm>>
        %dma_wait3A_262 = arith.constant 0 : i32
        %dma_wait3A_263 = arith.constant 0 : i32
        %dma_wait3A_264 = tpu.memref_slice %dma_wait3A_261[%dma_wait3A_262, %dma_wait3A_263] : memref<10000x128xf32, #tpu.memory_space<hbm>> -> memref<80x128xf32, #tpu.memory_space<hbm>>
        %dma_wait3A_265 = tpu.memref_slice %arg12[%scan3A_171] : memref<2x!tpu.dma_semaphore, #tpu.memory_space<semaphore_mem>> -> memref<1x!tpu.dma_semaphore, #tpu.memory_space<semaphore_mem>>
        %dma_wait3A_266 = tpu.memref_squeeze %dma_wait3A_265 : memref<1x!tpu.dma_semaphore, #tpu.memory_space<semaphore_mem>> -> memref<!tpu.dma_semaphore, #tpu.memory_space<semaphore_mem>>
        %dma_wait3A_267 = arith.constant 0 : i32
        %dma_wait3A_268 = arith.constant 0 : i32
        %dma_wait3A_269 = tpu.memref_slice %arg10[%scan3A_169, %dma_wait3A_267, %dma_wait3A_268] : memref<2x80x128xf32, #tpu.memory_space<vmem>> -> memref<1x80x128xf32, #tpu.memory_space<vmem>>
        %dma_wait3A_270 = tpu.memref_squeeze %dma_wait3A_269 : memref<1x80x128xf32, #tpu.memory_space<vmem>> -> memref<80x128xf32, #tpu.memory_space<vmem>>
        %dma_wait3A_271 = arith.constant 0 : i32
        %dma_wait3A_272 = arith.constant 0 : i32
        %dma_wait3A_273 = tpu.memref_slice %arg2[%arg0, %dma_wait3A_271, %dma_wait3A_272] : memref<2x10000x128xf32, #tpu.memory_space<hbm>> -> memref<1x10000x128xf32, #tpu.memory_space<hbm>>
        %dma_wait3A_274 = tpu.memref_squeeze %dma_wait3A_273 : memref<1x10000x128xf32, #tpu.memory_space<hbm>> -> memref<10000x128xf32, #tpu.memory_space<hbm>>
        %dma_wait3A_275 = arith.constant 0 : i32
        %dma_wait3A_276 = arith.constant 0 : i32
        %dma_wait3A_277 = tpu.memref_slice %dma_wait3A_274[%dma_wait3A_275, %dma_wait3A_276] : memref<10000x128xf32, #tpu.memory_space<hbm>> -> memref<80x128xf32, #tpu.memory_space<hbm>>
        tpu.wait_dma2 semaphore(%dma_wait3A_266 : memref<!tpu.dma_semaphore, #tpu.memory_space<semaphore_mem>>) src(%dma_wait3A_277 : memref<80x128xf32, #tpu.memory_space<hbm>>) dst(%dma_wait3A_270 : memref<80x128xf32, #tpu.memory_space<vmem>>)
        %add3A_278 = arith.constant 64 : i32
        %add3A_279 = arith.addi %add3A_278, %scan3A_236 : i32
        %dma_start3A_280 = arith.constant 0 : i32
        %dma_start3A_281 = arith.constant 0 : i32
        %dma_start3A_282 = tpu.memref_slice %arg10[%scan3A_169, %dma_start3A_280, %dma_start3A_281] : memref<2x80x128xf32, #tpu.memory_space<vmem>> -> memref<1x80x128xf32, #tpu.memory_space<vmem>>
        %dma_start3A_283 = tpu.memref_squeeze %dma_start3A_282 : memref<1x80x128xf32, #tpu.memory_space<vmem>> -> memref<80x128xf32, #tpu.memory_space<vmem>>
        %dma_start3A_284 = arith.constant 0 : i32
        %dma_start3A_285 = tpu.memref_slice %arg9[%add3A_279, %dma_start3A_284] : memref<125x80xi32, #tpu.memory_space<vmem>> -> memref<1x80xi32, #tpu.memory_space<vmem>>
        %dma_start3A_286 = tpu.memref_squeeze %dma_start3A_285 : memref<1x80xi32, #tpu.memory_space<vmem>> -> memref<80xi32, #tpu.memory_space<vmem>>
        %dma_start3A_287 = arith.constant 0 : i32
        %dma_start3A_288 = arith.constant 0 : i32
        %dma_start3A_289 = tpu.memref_slice %arg15[%dma_start3A_287, %dma_start3A_288] : memref<10000x128xf32, #tpu.memory_space<vmem_shared>> -> memref<10000x128xf32, #tpu.memory_space<vmem_shared>>
        %dma_start3A_290 = tpu.memref_slice %arg13[%scan3A_170] : memref<2x!tpu.dma_semaphore, #tpu.memory_space<semaphore_mem>> -> memref<1x!tpu.dma_semaphore, #tpu.memory_space<semaphore_mem>>
        %dma_start3A_291 = tpu.memref_squeeze %dma_start3A_290 : memref<1x!tpu.dma_semaphore, #tpu.memory_space<semaphore_mem>> -> memref<!tpu.dma_semaphore, #tpu.memory_space<semaphore_mem>>
        tpu.enqueue_indirect_dma source(%dma_start3A_283 : memref<80x128xf32, #tpu.memory_space<vmem>>) target(%dma_start3A_289 : memref<10000x128xf32, #tpu.memory_space<vmem_shared>>) offsets(%dma_start3A_286 : memref<80xi32, #tpu.memory_space<vmem>>) semaphore(%dma_start3A_291 : memref<!tpu.dma_semaphore, #tpu.memory_space<semaphore_mem>>) {add = true}
        %eq3A_292 = arith.constant 1 : i32
        %eq3A_293 = arith.cmpi eq, %arg0, %eq3A_292 : i32
        %convert_element_type3A_294 = arith.extui %eq3A_293 : i1 to i32
        %cond3A_295 = arith.constant 0 : i32
        %cond3A_296 = arith.cmpi ne, %convert_element_type3A_294, %cond3A_295 : i32
        scf.if %cond3A_296 {
          %ge3A = arith.constant 1 : i32
          %ge3A_297 = arith.cmpi sge, %scan3A_236, %ge3A : i32
          %convert_element_type3A_298 = arith.extui %ge3A_297 : i1 to i32
          %cond3A_299 = arith.constant 0 : i32
          %cond3A_300 = arith.cmpi ne, %convert_element_type3A_298, %cond3A_299 : i32
          scf.if %cond3A_300 {
            %dma_wait3A_308 = arith.constant 0 : i32
            %dma_wait3A_309 = tpu.memref_slice %arg16[%dma_wait3A_308] : memref<10000xf32, #tpu.memory_space<vmem_shared>> -> memref<80xf32, #tpu.memory_space<vmem_shared>>
            %dma_wait3A_310 = arith.constant 0 : i32
            %dma_wait3A_311 = tpu.memref_slice %arg16[%dma_wait3A_310] : memref<10000xf32, #tpu.memory_space<vmem_shared>> -> memref<80xf32, #tpu.memory_space<vmem_shared>>
            tpu.wait_dma2 semaphore(%arg14 : memref<!tpu.dma_semaphore, #tpu.memory_space<semaphore_mem>>) src(%arg11 : memref<80xf32, #tpu.memory_space<vmem>>) dst(%dma_wait3A_311 : memref<80xf32, #tpu.memory_space<vmem_shared>>)
          } else {
          }
          %add3A_301 = arith.constant 64 : i32
          %add3A_302 = arith.addi %add3A_301, %scan3A_236 : i32
          %dma_start3A_303 = arith.constant 0 : i32
          %dma_start3A_304 = tpu.memref_slice %arg9[%add3A_302, %dma_start3A_303] : memref<125x80xi32, #tpu.memory_space<vmem>> -> memref<1x80xi32, #tpu.memory_space<vmem>>
          %dma_start3A_305 = tpu.memref_squeeze %dma_start3A_304 : memref<1x80xi32, #tpu.memory_space<vmem>> -> memref<80xi32, #tpu.memory_space<vmem>>
          %dma_start3A_306 = arith.constant 0 : i32
          %dma_start3A_307 = tpu.memref_slice %arg16[%dma_start3A_306] : memref<10000xf32, #tpu.memory_space<vmem_shared>> -> memref<10000xf32, #tpu.memory_space<vmem_shared>>
          tpu.enqueue_indirect_dma source(%arg11 : memref<80xf32, #tpu.memory_space<vmem>>) target(%dma_start3A_307 : memref<10000xf32, #tpu.memory_space<vmem_shared>>) offsets(%dma_start3A_305 : memref<80xi32, #tpu.memory_space<vmem>>) semaphore(%arg14 : memref<!tpu.dma_semaphore, #tpu.memory_space<semaphore_mem>>) {add = true}
        } else {
        }
      } else {
      }
    }
    %scan3A_179 = arith.constant 61 : i32
    %dma_wait3A_180 = arith.constant 0 : i32
    %dma_wait3A_181 = arith.constant 0 : i32
    %dma_wait3A_182 = arith.constant 0 : i32
    %dma_wait3A_183 = arith.constant 0 : i32
    %dma_wait3A_184 = tpu.memref_slice %arg10[%dma_wait3A_180, %dma_wait3A_182, %dma_wait3A_183] : memref<2x80x128xf32, #tpu.memory_space<vmem>> -> memref<1x80x128xf32, #tpu.memory_space<vmem>>
    %dma_wait3A_185 = tpu.memref_squeeze %dma_wait3A_184 : memref<1x80x128xf32, #tpu.memory_space<vmem>> -> memref<80x128xf32, #tpu.memory_space<vmem>>
    %dma_wait3A_186 = arith.constant 0 : i32
    %dma_wait3A_187 = arith.constant 0 : i32
    %dma_wait3A_188 = tpu.memref_slice %arg15[%dma_wait3A_186, %dma_wait3A_187] : memref<10000x128xf32, #tpu.memory_space<vmem_shared>> -> memref<80x128xf32, #tpu.memory_space<vmem_shared>>
    %dma_wait3A_189 = tpu.memref_slice %arg13[%dma_wait3A_181] : memref<2x!tpu.dma_semaphore, #tpu.memory_space<semaphore_mem>> -> memref<1x!tpu.dma_semaphore, #tpu.memory_space<semaphore_mem>>
    %dma_wait3A_190 = tpu.memref_squeeze %dma_wait3A_189 : memref<1x!tpu.dma_semaphore, #tpu.memory_space<semaphore_mem>> -> memref<!tpu.dma_semaphore, #tpu.memory_space<semaphore_mem>>
    %dma_wait3A_191 = arith.constant 0 : i32
    %dma_wait3A_192 = arith.constant 0 : i32
    %dma_wait3A_193 = tpu.memref_slice %arg15[%dma_wait3A_191, %dma_wait3A_192] : memref<10000x128xf32, #tpu.memory_space<vmem_shared>> -> memref<80x128xf32, #tpu.memory_space<vmem_shared>>
    %dma_wait3A_194 = arith.constant 0 : i32
    %dma_wait3A_195 = arith.constant 0 : i32
    %dma_wait3A_196 = tpu.memref_slice %arg10[%dma_wait3A_180, %dma_wait3A_194, %dma_wait3A_195] : memref<2x80x128xf32, #tpu.memory_space<vmem>> -> memref<1x80x128xf32, #tpu.memory_space<vmem>>
    %dma_wait3A_197 = tpu.memref_squeeze %dma_wait3A_196 : memref<1x80x128xf32, #tpu.memory_space<vmem>> -> memref<80x128xf32, #tpu.memory_space<vmem>>
    tpu.wait_dma2 semaphore(%dma_wait3A_190 : memref<!tpu.dma_semaphore, #tpu.memory_space<semaphore_mem>>) src(%dma_wait3A_197 : memref<80x128xf32, #tpu.memory_space<vmem>>) dst(%dma_wait3A_193 : memref<80x128xf32, #tpu.memory_space<vmem_shared>>)
    %dma_wait3A_198 = arith.constant 1 : i32
    %dma_wait3A_199 = arith.constant 1 : i32
    %dma_wait3A_200 = arith.constant 0 : i32
    %dma_wait3A_201 = arith.constant 0 : i32
    %dma_wait3A_202 = tpu.memref_slice %arg10[%dma_wait3A_198, %dma_wait3A_200, %dma_wait3A_201] : memref<2x80x128xf32, #tpu.memory_space<vmem>> -> memref<1x80x128xf32, #tpu.memory_space<vmem>>
    %dma_wait3A_203 = tpu.memref_squeeze %dma_wait3A_202 : memref<1x80x128xf32, #tpu.memory_space<vmem>> -> memref<80x128xf32, #tpu.memory_space<vmem>>
    %dma_wait3A_204 = arith.constant 0 : i32
    %dma_wait3A_205 = arith.constant 0 : i32
    %dma_wait3A_206 = tpu.memref_slice %arg15[%dma_wait3A_204, %dma_wait3A_205] : memref<10000x128xf32, #tpu.memory_space<vmem_shared>> -> memref<80x128xf32, #tpu.memory_space<vmem_shared>>
    %dma_wait3A_207 = tpu.memref_slice %arg13[%dma_wait3A_199] : memref<2x!tpu.dma_semaphore, #tpu.memory_space<semaphore_mem>> -> memref<1x!tpu.dma_semaphore, #tpu.memory_space<semaphore_mem>>
    %dma_wait3A_208 = tpu.memref_squeeze %dma_wait3A_207 : memref<1x!tpu.dma_semaphore, #tpu.memory_space<semaphore_mem>> -> memref<!tpu.dma_semaphore, #tpu.memory_space<semaphore_mem>>
    %dma_wait3A_209 = arith.constant 0 : i32
    %dma_wait3A_210 = arith.constant 0 : i32
    %dma_wait3A_211 = tpu.memref_slice %arg15[%dma_wait3A_209, %dma_wait3A_210] : memref<10000x128xf32, #tpu.memory_space<vmem_shared>> -> memref<80x128xf32, #tpu.memory_space<vmem_shared>>
    %dma_wait3A_212 = arith.constant 0 : i32
    %dma_wait3A_213 = arith.constant 0 : i32
    %dma_wait3A_214 = tpu.memref_slice %arg10[%dma_wait3A_198, %dma_wait3A_212, %dma_wait3A_213] : memref<2x80x128xf32, #tpu.memory_space<vmem>> -> memref<1x80x128xf32, #tpu.memory_space<vmem>>
    %dma_wait3A_215 = tpu.memref_squeeze %dma_wait3A_214 : memref<1x80x128xf32, #tpu.memory_space<vmem>> -> memref<80x128xf32, #tpu.memory_space<vmem>>
    tpu.wait_dma2 semaphore(%dma_wait3A_208 : memref<!tpu.dma_semaphore, #tpu.memory_space<semaphore_mem>>) src(%dma_wait3A_215 : memref<80x128xf32, #tpu.memory_space<vmem>>) dst(%dma_wait3A_211 : memref<80x128xf32, #tpu.memory_space<vmem_shared>>)
    %eq3A_216 = arith.constant 1 : i32
    %eq3A_217 = arith.cmpi eq, %arg0, %eq3A_216 : i32
    %convert_element_type3A_218 = arith.extui %eq3A_217 : i1 to i32
    %cond3A_219 = arith.constant 0 : i32
    %cond3A_220 = arith.cmpi ne, %convert_element_type3A_218, %cond3A_219 : i32
    scf.if %cond3A_220 {
      %dma_wait3A_236 = arith.constant 0 : i32
      %dma_wait3A_237 = tpu.memref_slice %arg16[%dma_wait3A_236] : memref<10000xf32, #tpu.memory_space<vmem_shared>> -> memref<80xf32, #tpu.memory_space<vmem_shared>>
      %dma_wait3A_238 = arith.constant 0 : i32
      %dma_wait3A_239 = tpu.memref_slice %arg16[%dma_wait3A_238] : memref<10000xf32, #tpu.memory_space<vmem_shared>> -> memref<80xf32, #tpu.memory_space<vmem_shared>>
      tpu.wait_dma2 semaphore(%arg14 : memref<!tpu.dma_semaphore, #tpu.memory_space<semaphore_mem>>) src(%arg11 : memref<80xf32, #tpu.memory_space<vmem>>) dst(%dma_wait3A_239 : memref<80xf32, #tpu.memory_space<vmem_shared>>)
    } else {
    }
    %barrier3A_221 = arith.constant 0 : index
    tpu.barrier barrier_id(%barrier3A_221)
    %mul3A_222 = arith.constant 624 : i32
    %mul3A_223 = arith.muli %arg1, %mul3A_222 : i32
    %mul3A_224 = arith.constant 624 : i32
    %mul3A_225 = arith.muli %arg1, %mul3A_224 : i32
    "tpu.region"() ({
      %run_scoped3A_236 = tpu.sem_alloc : memref<!tpu.dma_semaphore, #tpu.memory_space<semaphore_mem>>
      %dma_start3A_237 = arith.constant 0 : i32
      %dma_start3A_238 = tpu.memref_slice %arg6[%arg0, %mul3A_225, %dma_start3A_237] : memref<2x10000x128xf32, #tpu.memory_space<hbm>> -> memref<1x624x128xf32, #tpu.memory_space<hbm>>
      %dma_start3A_239 = tpu.memref_squeeze %dma_start3A_238 : memref<1x624x128xf32, #tpu.memory_space<hbm>> -> memref<624x128xf32, #tpu.memory_space<hbm>>
      %dma_start3A_240 = arith.constant 0 : i32
      %dma_start3A_241 = tpu.memref_slice %arg15[%mul3A_223, %dma_start3A_240] : memref<10000x128xf32, #tpu.memory_space<vmem_shared>> -> memref<624x128xf32, #tpu.memory_space<vmem_shared>>
      tpu.enqueue_dma source(%dma_start3A_241 : memref<624x128xf32, #tpu.memory_space<vmem_shared>>) target(%dma_start3A_239 : memref<624x128xf32, #tpu.memory_space<hbm>>) target_semaphore(%run_scoped3A_236 : memref<!tpu.dma_semaphore, #tpu.memory_space<semaphore_mem>>)
      %dma_wait3A_242 = arith.constant 0 : i32
      %dma_wait3A_243 = tpu.memref_slice %arg6[%arg0, %mul3A_225, %dma_wait3A_242] : memref<2x10000x128xf32, #tpu.memory_space<hbm>> -> memref<1x624x128xf32, #tpu.memory_space<hbm>>
      %dma_wait3A_244 = tpu.memref_squeeze %dma_wait3A_243 : memref<1x624x128xf32, #tpu.memory_space<hbm>> -> memref<624x128xf32, #tpu.memory_space<hbm>>
      %dma_wait3A_245 = arith.constant 0 : i32
      %dma_wait3A_246 = tpu.memref_slice %arg15[%mul3A_223, %dma_wait3A_245] : memref<10000x128xf32, #tpu.memory_space<vmem_shared>> -> memref<624x128xf32, #tpu.memory_space<vmem_shared>>
      tpu.wait_dma2 semaphore(%run_scoped3A_236 : memref<!tpu.dma_semaphore, #tpu.memory_space<semaphore_mem>>) src(%dma_wait3A_246 : memref<624x128xf32, #tpu.memory_space<vmem_shared>>) dst(%dma_wait3A_244 : memref<624x128xf32, #tpu.memory_space<hbm>>)
      tpu.yield
    }) : () -> ()
    %eq3A_226 = arith.constant 0 : i32
    %eq3A_227 = arith.cmpi eq, %arg1, %eq3A_226 : i32
    %convert_element_type3A_228 = arith.extui %eq3A_227 : i1 to i32
    %cond3A_229 = arith.constant 0 : i32
    %cond3A_230 = arith.cmpi ne, %convert_element_type3A_228, %cond3A_229 : i32
    scf.if %cond3A_230 {
      "tpu.region"() ({
        %run_scoped3A_236 = tpu.sem_alloc : memref<!tpu.dma_semaphore, #tpu.memory_space<semaphore_mem>>
        %dma_start3A_237 = arith.constant 9984 : i32
        %dma_start3A_238 = arith.constant 0 : i32
        %dma_start3A_239 = tpu.memref_slice %arg6[%arg0, %dma_start3A_237, %dma_start3A_238] : memref<2x10000x128xf32, #tpu.memory_space<hbm>> -> memref<1x16x128xf32, #tpu.memory_space<hbm>>
        %dma_start3A_240 = tpu.memref_squeeze %dma_start3A_239 : memref<1x16x128xf32, #tpu.memory_space<hbm>> -> memref<16x128xf32, #tpu.memory_space<hbm>>
        %dma_start3A_241 = arith.constant 9984 : i32
        %dma_start3A_242 = arith.constant 0 : i32
        %dma_start3A_243 = tpu.memref_slice %arg15[%dma_start3A_241, %dma_start3A_242] : memref<10000x128xf32, #tpu.memory_space<vmem_shared>> -> memref<16x128xf32, #tpu.memory_space<vmem_shared>>
        tpu.enqueue_dma source(%dma_start3A_243 : memref<16x128xf32, #tpu.memory_space<vmem_shared>>) target(%dma_start3A_240 : memref<16x128xf32, #tpu.memory_space<hbm>>) target_semaphore(%run_scoped3A_236 : memref<!tpu.dma_semaphore, #tpu.memory_space<semaphore_mem>>)
        %dma_wait3A_244 = arith.constant 9984 : i32
        %dma_wait3A_245 = arith.constant 0 : i32
        %dma_wait3A_246 = tpu.memref_slice %arg6[%arg0, %dma_wait3A_244, %dma_wait3A_245] : memref<2x10000x128xf32, #tpu.memory_space<hbm>> -> memref<1x16x128xf32, #tpu.memory_space<hbm>>
        %dma_wait3A_247 = tpu.memref_squeeze %dma_wait3A_246 : memref<1x16x128xf32, #tpu.memory_space<hbm>> -> memref<16x128xf32, #tpu.memory_space<hbm>>
        %dma_wait3A_248 = arith.constant 9984 : i32
        %dma_wait3A_249 = arith.constant 0 : i32
        %dma_wait3A_250 = tpu.memref_slice %arg15[%dma_wait3A_248, %dma_wait3A_249] : memref<10000x128xf32, #tpu.memory_space<vmem_shared>> -> memref<16x128xf32, #tpu.memory_space<vmem_shared>>
        tpu.wait_dma2 semaphore(%run_scoped3A_236 : memref<!tpu.dma_semaphore, #tpu.memory_space<semaphore_mem>>) src(%dma_wait3A_250 : memref<16x128xf32, #tpu.memory_space<vmem_shared>>) dst(%dma_wait3A_247 : memref<16x128xf32, #tpu.memory_space<hbm>>)
        tpu.yield
      }) : () -> ()
    } else {
    }
    %eq3A_231 = arith.constant 0 : i32
    %eq3A_232 = arith.cmpi eq, %arg1, %eq3A_231 : i32
    %convert_element_type3A_233 = arith.extui %eq3A_232 : i1 to i32
    %cond3A_234 = arith.constant 0 : i32
    %cond3A_235 = arith.cmpi ne, %convert_element_type3A_233, %cond3A_234 : i32
    scf.if %cond3A_235 {
      %run_scoped3A_236 = arith.constant 0 : i32
      "tpu.region"() ({
        %run_scoped3A_237 = tpu.sem_alloc : memref<!tpu.dma_semaphore, #tpu.memory_space<semaphore_mem>>
        %dma_start3A_238 = arith.constant 0 : i32
        %dma_start3A_239 = tpu.memref_slice %arg7[%arg0, %run_scoped3A_236, %dma_start3A_238] : memref<2x1x10000xf32, #tpu.memory_space<hbm>> -> memref<1x1x10000xf32, #tpu.memory_space<hbm>>
        %dma_start3A_240 = tpu.memref_squeeze %dma_start3A_239 : memref<1x1x10000xf32, #tpu.memory_space<hbm>> -> memref<10000xf32, #tpu.memory_space<hbm>>
        tpu.enqueue_dma source(%arg16 : memref<10000xf32, #tpu.memory_space<vmem_shared>>) target(%dma_start3A_240 : memref<10000xf32, #tpu.memory_space<hbm>>) target_semaphore(%run_scoped3A_237 : memref<!tpu.dma_semaphore, #tpu.memory_space<semaphore_mem>>)
        %dma_wait3A_241 = arith.constant 0 : i32
        %dma_wait3A_242 = tpu.memref_slice %arg7[%arg0, %run_scoped3A_236, %dma_wait3A_241] : memref<2x1x10000xf32, #tpu.memory_space<hbm>> -> memref<1x1x10000xf32, #tpu.memory_space<hbm>>
        %dma_wait3A_243 = tpu.memref_squeeze %dma_wait3A_242 : memref<1x1x10000xf32, #tpu.memory_space<hbm>> -> memref<10000xf32, #tpu.memory_space<hbm>>
        tpu.wait_dma2 semaphore(%run_scoped3A_237 : memref<!tpu.dma_semaphore, #tpu.memory_space<semaphore_mem>>) src(%arg16 : memref<10000xf32, #tpu.memory_space<vmem_shared>>) dst(%dma_wait3A_243 : memref<10000xf32, #tpu.memory_space<hbm>>)
        tpu.yield
      }) : () -> ()
    } else {
    }
    return
  }
}

module attributes {stable_mosaic.version = 14 : i64} {
  func.func @_k1_body(%arg0: i32, %arg1: memref<2000x256xf32, #tpu.memory_space<vmem>>, %arg2: memref<1x256xf32, #tpu.memory_space<vmem>>, %arg3: memref<1x256xf32, #tpu.memory_space<vmem>>, %arg4: memref<256x256xf32, #tpu.memory_space<vmem>>, %arg5: memref<2x2000x128xf32, #tpu.memory_space<vmem>>) attributes {dimension_semantics = [#tpu.dimension_semantics<arbitrary>], iteration_bounds = array<i64: 5>, scalar_prefetch = 0 : i64, scratch_operands = 0 : i64, tpu.core_type = #tpu.core_type<tc>, window_params = [{transform_indices = @transform_0, window_bounds = array<i64: 2000, 256>}, {pipeline_mode = #tpu.pipeline_mode<synchronous>, transform_indices = @transform_1, window_bounds = array<i64: 1, 256>}, {pipeline_mode = #tpu.pipeline_mode<synchronous>, transform_indices = @transform_2, window_bounds = array<i64: 1, 256>}, {pipeline_mode = #tpu.pipeline_mode<synchronous>, transform_indices = @transform_3, window_bounds = array<i64: 256, 256>}, {transform_indices = @transform_4, window_bounds = array<i64: 2, 2000, 128>}]} {
    %get3A = arith.constant 0 : index
    %get3A_0 = arith.constant 0 : index
    %get3A_1 = vector.load %arg1[%get3A, %get3A_0] : memref<2000x256xf32, #tpu.memory_space<vmem>>, vector<2000x256xf32>
    %get3A_2 = arith.constant 0 : index
    %get3A_3 = arith.constant 0 : index
    %get3A_4 = vector.load %arg2[%get3A_2, %get3A_3] : memref<1x256xf32, #tpu.memory_space<vmem>>, vector<1x256xf32>
    %get3A_5 = arith.constant 0 : index
    %get3A_6 = arith.constant 0 : index
    %get3A_7 = vector.load %arg3[%get3A_5, %get3A_6] : memref<1x256xf32, #tpu.memory_space<vmem>>, vector<1x256xf32>
    %reduce_sum3A = arith.constant dense<0.000000e+00> : vector<2000xf32>
    %reduce_sum3A_8 = vector.multi_reduction <add>, %get3A_1, %reduce_sum3A [1] : vector<2000x256xf32> to vector<2000xf32>
    %broadcast_in_dim3A = vector.shape_cast %reduce_sum3A_8 : vector<2000xf32> to vector<2000x1xf32>
    %div3A = arith.constant 2.560000e+02 : f32
    %div3A_9 = vector.broadcast %div3A : f32 to vector<2000x1xf32>
    %div3A_10 = arith.divf %broadcast_in_dim3A, %div3A_9 : vector<2000x1xf32>
    %sub3A = vector.broadcast %div3A_10 : vector<2000x1xf32> to vector<2000x256xf32>
    %sub3A_11 = arith.subf %get3A_1, %sub3A : vector<2000x256xf32>
    %integer_pow3A = arith.mulf %sub3A_11, %sub3A_11 : vector<2000x256xf32>
    %reduce_sum3A_12 = arith.constant dense<0.000000e+00> : vector<2000xf32>
    %reduce_sum3A_13 = vector.multi_reduction <add>, %integer_pow3A, %reduce_sum3A_12 [1] : vector<2000x256xf32> to vector<2000xf32>
    %broadcast_in_dim3A_14 = vector.shape_cast %reduce_sum3A_13 : vector<2000xf32> to vector<2000x1xf32>
    %div3A_15 = arith.constant 2.560000e+02 : f32
    %div3A_16 = vector.broadcast %div3A_15 : f32 to vector<2000x1xf32>
    %div3A_17 = arith.divf %broadcast_in_dim3A_14, %div3A_16 : vector<2000x1xf32>
    %sub3A_18 = vector.broadcast %div3A_10 : vector<2000x1xf32> to vector<2000x256xf32>
    %sub3A_19 = arith.subf %get3A_1, %sub3A_18 : vector<2000x256xf32>
    %add3A = arith.constant 9.99999974E-6 : f32
    %add3A_20 = vector.broadcast %add3A : f32 to vector<2000x1xf32>
    %add3A_21 = arith.addf %div3A_17, %add3A_20 : vector<2000x1xf32>
    %sqrt3A = math.sqrt %add3A_21 : vector<2000x1xf32>
    %div3A_22 = vector.broadcast %sqrt3A : vector<2000x1xf32> to vector<2000x256xf32>
    %div3A_23 = arith.divf %sub3A_19, %div3A_22 : vector<2000x256xf32>
    %mul3A = vector.broadcast %get3A_4 : vector<1x256xf32> to vector<2000x256xf32>
    %mul3A_24 = arith.mulf %div3A_23, %mul3A : vector<2000x256xf32>
    %add3A_25 = vector.broadcast %get3A_7 : vector<1x256xf32> to vector<2000x256xf32>
    %add3A_26 = arith.addf %mul3A_24, %add3A_25 : vector<2000x256xf32>
    %get3A_27 = arith.constant 0 : index
    %get3A_28 = arith.constant 0 : index
    %get3A_29 = vector.load %arg4[%get3A_27, %get3A_28] : memref<256x256xf32, #tpu.memory_space<vmem>>, vector<256x256xf32>
    %dot_general3A = arith.constant dense<0.000000e+00> : vector<2000x256xf32>
    %dot_general3A_30 = tpu.matmul %add3A_26, %get3A_29, %dot_general3A {dimension_numbers = #tpu.dot_dimension_numbers<[1], [0], [0], [1], [0, 0, 1, 1], [], []>, transpose_lhs_hint = false} : vector<2000x256xf32>, vector<256x256xf32>, vector<2000x256xf32> -> vector<2000x256xf32>
    %slice3A = vector.extract_strided_slice %dot_general3A_30 {offsets = [0, 0], sizes = [2000, 128], strides = [1, 1]} : vector<2000x256xf32> to vector<2000x128xf32>
    %swap3A = arith.constant 0 : index
    %swap3A_31 = arith.constant 0 : index
    %swap3A_32 = arith.constant 0 : index
    %swap3A_33 = vector.load %arg5[%swap3A, %swap3A_31, %swap3A_32] : memref<2x2000x128xf32, #tpu.memory_space<vmem>>, vector<1x2000x128xf32>
    %swap3A_34 = vector.shape_cast %swap3A_33 : vector<1x2000x128xf32> to vector<2000x128xf32>
    %swap3A_35 = vector.shape_cast %slice3A : vector<2000x128xf32> to vector<1x2000x128xf32>
    tpu.vector_store %arg5[%swap3A, %swap3A_31, %swap3A_32], %swap3A_35 {strides = array<i32>} : memref<2x2000x128xf32, #tpu.memory_space<vmem>>, vector<1x2000x128xf32>,
    %slice3A_36 = vector.extract_strided_slice %dot_general3A_30 {offsets = [0, 128], sizes = [2000, 128], strides = [1, 1]} : vector<2000x256xf32> to vector<2000x128xf32>
    %swap3A_37 = arith.constant 1 : index
    %swap3A_38 = arith.constant 0 : index
    %swap3A_39 = arith.constant 0 : index
    %swap3A_40 = vector.load %arg5[%swap3A_37, %swap3A_38, %swap3A_39] : memref<2x2000x128xf32, #tpu.memory_space<vmem>>, vector<1x2000x128xf32>
    %swap3A_41 = vector.shape_cast %swap3A_40 : vector<1x2000x128xf32> to vector<2000x128xf32>
    %swap3A_42 = vector.shape_cast %slice3A_36 : vector<2000x128xf32> to vector<1x2000x128xf32>
    tpu.vector_store %arg5[%swap3A_37, %swap3A_38, %swap3A_39], %swap3A_42 {strides = array<i32>} : memref<2x2000x128xf32, #tpu.memory_space<vmem>>, vector<1x2000x128xf32>,
    return
  }
  func.func @transform_0(%arg0: i32) -> (i32, i32) {
    %c0_i32 = arith.constant 0 : i32
    %c0_i32_0 = arith.constant 0 : i32
    return %arg0, %c0_i32 : i32, i32
  }
  func.func @transform_1(%arg0: i32) -> (i32, i32) {
    %c0_i32 = arith.constant 0 : i32
    %c0_i32_0 = arith.constant 0 : i32
    %c0_i32_1 = arith.constant 0 : i32
    return %c0_i32, %c0_i32_0 : i32, i32
  }
  func.func @transform_2(%arg0: i32) -> (i32, i32) {
    %c0_i32 = arith.constant 0 : i32
    %c0_i32_0 = arith.constant 0 : i32
    %c0_i32_1 = arith.constant 0 : i32
    return %c0_i32, %c0_i32_0 : i32, i32
  }
  func.func @transform_3(%arg0: i32) -> (i32, i32) {
    %c0_i32 = arith.constant 0 : i32
    %c0_i32_0 = arith.constant 0 : i32
    %c0_i32_1 = arith.constant 0 : i32
    return %c0_i32, %c0_i32_0 : i32, i32
  }
  func.func @transform_4(%arg0: i32) -> (i32, i32, i32) {
    %c0_i32 = arith.constant 0 : i32
    %c0_i32_0 = arith.constant 0 : i32
    %c0_i32_1 = arith.constant 0 : i32
    return %c0_i32, %arg0, %c0_i32_0 : i32, i32, i32
  }
}

module attributes {stable_mosaic.version = 14 : i64} {
  func.func @_k3_body(%arg0: i32, %arg1: memref<2000x256xf32, #tpu.memory_space<vmem>>, %arg2: memref<2x2000x128xf32, #tpu.memory_space<vmem>>, %arg3: memref<2000x1xf32, #tpu.memory_space<vmem>>, %arg4: memref<2000x1xf32, #tpu.memory_space<vmem>>, %arg5: memref<2000x1xf32, #tpu.memory_space<vmem>>, %arg6: memref<10000x1xf32, #tpu.memory_space<vmem>>, %arg7: memref<1x256xf32, #tpu.memory_space<vmem>>, %arg8: memref<1x256xf32, #tpu.memory_space<vmem>>, %arg9: memref<256x256xf32, #tpu.memory_space<vmem>>, %arg10: memref<1x256xf32, #tpu.memory_space<vmem>>, %arg11: memref<1x256xf32, #tpu.memory_space<vmem>>, %arg12: memref<1x256xf32, #tpu.memory_space<vmem>>, %arg13: memref<256x1xf32, #tpu.memory_space<vmem>>, %arg14: memref<1x1xf32, #tpu.memory_space<vmem>>, %arg15: memref<64x768xf32, #tpu.memory_space<vmem>>, %arg16: memref<64x14xf32, #tpu.memory_space<vmem>>, %arg17: memref<768x256xf32, #tpu.memory_space<vmem>>, %arg18: memref<1x256xf32, #tpu.memory_space<vmem>>, %arg19: memref<14x256xf32, #tpu.memory_space<vmem>>, %arg20: memref<1x256xf32, #tpu.memory_space<vmem>>, %arg21: memref<1x1xf32, #tpu.memory_space<vmem>>, %arg22: memref<1x768xf32, #tpu.memory_space<vmem>>, %arg23: memref<1x768xf32, #tpu.memory_space<vmem>>, %arg24: memref<768x1xf32, #tpu.memory_space<vmem>>, %arg25: memref<1x1xf32, #tpu.memory_space<vmem>>, %arg26: memref<10000x1xf32, #tpu.memory_space<vmem>>, %arg27: memref<64x1xf32, #tpu.memory_space<vmem>>, %arg28: memref<64x256xf32, #tpu.memory_space<vmem>>, %arg29: memref<5x2000x1xf32, #tpu.memory_space<vmem>>, %arg30: memref<64x1xf32, #tpu.memory_space<vmem>>, %arg31: memref<64x256xf32, #tpu.memory_space<vmem>>) attributes {dimension_semantics = [#tpu.dimension_semantics<arbitrary>], iteration_bounds = array<i64: 6>, scalar_prefetch = 0 : i64, scratch_operands = 3 : i64, tpu.core_type = #tpu.core_type<tc>, window_params = [{transform_indices = @transform_0, window_bounds = array<i64: 2000, 256>}, {transform_indices = @transform_1, window_bounds = array<i64: 2, 2000, 128>}, {transform_indices = @transform_2, window_bounds = array<i64: 2000, 1>}, {transform_indices = @transform_3, window_bounds = array<i64: 2000, 1>}, {transform_indices = @transform_4, window_bounds = array<i64: 2000, 1>}, {pipeline_mode = #tpu.pipeline_mode<synchronous>, transform_indices = @transform_5, window_bounds = array<i64: 10000, 1>}, {pipeline_mode = #tpu.pipeline_mode<synchronous>, transform_indices = @transform_6, window_bounds = array<i64: 1, 256>}, {pipeline_mode = #tpu.pipeline_mode<synchronous>, transform_indices = @transform_7, window_bounds = array<i64: 1, 256>}, {pipeline_mode = #tpu.pipeline_mode<synchronous>, transform_indices = @transform_8, window_bounds = array<i64: 256, 256>}, {pipeline_mode = #tpu.pipeline_mode<synchronous>, transform_indices = @transform_9, window_bounds = array<i64: 1, 256>}, {pipeline_mode = #tpu.pipeline_mode<synchronous>, transform_indices = @transform_10, window_bounds = array<i64: 1, 256>}, {pipeline_mode = #tpu.pipeline_mode<synchronous>, transform_indices = @transform_11, window_bounds = array<i64: 1, 256>}, {pipeline_mode = #tpu.pipeline_mode<synchronous>, transform_indices = @transform_12, window_bounds = array<i64: 256, 1>}, {pipeline_mode = #tpu.pipeline_mode<synchronous>, transform_indices = @transform_13, window_bounds = array<i64: 1, 1>}, {pipeline_mode = #tpu.pipeline_mode<synchronous>, transform_indices = @transform_14, window_bounds = array<i64: 64, 768>}, {pipeline_mode = #tpu.pipeline_mode<synchronous>, transform_indices = @transform_15, window_bounds = array<i64: 64, 14>}, {pipeline_mode = #tpu.pipeline_mode<synchronous>, transform_indices = @transform_16, window_bounds = array<i64: 768, 256>}, {pipeline_mode = #tpu.pipeline_mode<synchronous>, transform_indices = @transform_17, window_bounds = array<i64: 1, 256>}, {pipeline_mode = #tpu.pipeline_mode<synchronous>, transform_indices = @transform_18, window_bounds = array<i64: 14, 256>}, {pipeline_mode = #tpu.pipeline_mode<synchronous>, transform_indices = @transform_19, window_bounds = array<i64: 1, 256>}, {pipeline_mode = #tpu.pipeline_mode<synchronous>, transform_indices = @transform_20, window_bounds = array<i64: 1, 1>}, {pipeline_mode = #tpu.pipeline_mode<synchronous>, transform_indices = @transform_21, window_bounds = array<i64: 1, 768>}, {pipeline_mode = #tpu.pipeline_mode<synchronous>, transform_indices = @transform_22, window_bounds = array<i64: 1, 768>}, {pipeline_mode = #tpu.pipeline_mode<synchronous>, transform_indices = @transform_23, window_bounds = array<i64: 768, 1>}, {pipeline_mode = #tpu.pipeline_mode<synchronous>, transform_indices = @transform_24, window_bounds = array<i64: 1, 1>}, {pipeline_mode = #tpu.pipeline_mode<synchronous>, transform_indices = @transform_25, window_bounds = array<i64: 10000, 1>}, {pipeline_mode = #tpu.pipeline_mode<synchronous>, transform_indices = @transform_26, window_bounds = array<i64: 64, 1>}, {pipeline_mode = #tpu.pipeline_mode<synchronous>, transform_indices = @transform_27, window_bounds = array<i64: 64, 256>}]} {
    %lt3A = arith.constant 5 : i32
    %lt3A_0 = arith.cmpi slt, %arg0, %lt3A : i32
    %convert_element_type3A = arith.extui %lt3A_0 : i1 to i32
    %cond3A = arith.constant 0 : i32
    %cond3A_1 = arith.cmpi ne, %convert_element_type3A, %cond3A : i32
    scf.if %cond3A_1 {
      %get3A = arith.constant 0 : index
      %get3A_6 = arith.constant 0 : index
      %get3A_7 = vector.load %arg1[%get3A, %get3A_6] : memref<2000x256xf32, #tpu.memory_space<vmem>>, vector<2000x256xf32>
      %get3A_8 = arith.constant 0 : index
      %get3A_9 = arith.constant 0 : index
      %get3A_10 = vector.load %arg7[%get3A_8, %get3A_9] : memref<1x256xf32, #tpu.memory_space<vmem>>, vector<1x256xf32>
      %get3A_11 = arith.constant 0 : index
      %get3A_12 = arith.constant 0 : index
      %get3A_13 = vector.load %arg8[%get3A_11, %get3A_12] : memref<1x256xf32, #tpu.memory_space<vmem>>, vector<1x256xf32>
      %reduce_sum3A = arith.constant dense<0.000000e+00> : vector<2000xf32>
      %reduce_sum3A_14 = vector.multi_reduction <add>, %get3A_7, %reduce_sum3A [1] : vector<2000x256xf32> to vector<2000xf32>
      %broadcast_in_dim3A = vector.shape_cast %reduce_sum3A_14 : vector<2000xf32> to vector<2000x1xf32>
      %div3A = arith.constant 2.560000e+02 : f32
      %div3A_15 = vector.broadcast %div3A : f32 to vector<2000x1xf32>
      %div3A_16 = arith.divf %broadcast_in_dim3A, %div3A_15 : vector<2000x1xf32>
      %sub3A = vector.broadcast %div3A_16 : vector<2000x1xf32> to vector<2000x256xf32>
      %sub3A_17 = arith.subf %get3A_7, %sub3A : vector<2000x256xf32>
      %integer_pow3A = arith.mulf %sub3A_17, %sub3A_17 : vector<2000x256xf32>
      %reduce_sum3A_18 = arith.constant dense<0.000000e+00> : vector<2000xf32>
      %reduce_sum3A_19 = vector.multi_reduction <add>, %integer_pow3A, %reduce_sum3A_18 [1] : vector<2000x256xf32> to vector<2000xf32>
      %broadcast_in_dim3A_20 = vector.shape_cast %reduce_sum3A_19 : vector<2000xf32> to vector<2000x1xf32>
      %div3A_21 = arith.constant 2.560000e+02 : f32
      %div3A_22 = vector.broadcast %div3A_21 : f32 to vector<2000x1xf32>
      %div3A_23 = arith.divf %broadcast_in_dim3A_20, %div3A_22 : vector<2000x1xf32>
      %sub3A_24 = vector.broadcast %div3A_16 : vector<2000x1xf32> to vector<2000x256xf32>
      %sub3A_25 = arith.subf %get3A_7, %sub3A_24 : vector<2000x256xf32>
      %add3A = arith.constant 9.99999974E-6 : f32
      %add3A_26 = vector.broadcast %add3A : f32 to vector<2000x1xf32>
      %add3A_27 = arith.addf %div3A_23, %add3A_26 : vector<2000x1xf32>
      %sqrt3A = math.sqrt %add3A_27 : vector<2000x1xf32>
      %div3A_28 = vector.broadcast %sqrt3A : vector<2000x1xf32> to vector<2000x256xf32>
      %div3A_29 = arith.divf %sub3A_25, %div3A_28 : vector<2000x256xf32>
      %mul3A = vector.broadcast %get3A_10 : vector<1x256xf32> to vector<2000x256xf32>
      %mul3A_30 = arith.mulf %div3A_29, %mul3A : vector<2000x256xf32>
      %add3A_31 = vector.broadcast %get3A_13 : vector<1x256xf32> to vector<2000x256xf32>
      %add3A_32 = arith.addf %mul3A_30, %add3A_31 : vector<2000x256xf32>
      %get3A_33 = arith.constant 0 : index
      %get3A_34 = arith.constant 0 : index
      %get3A_35 = vector.load %arg9[%get3A_33, %get3A_34] : memref<256x256xf32, #tpu.memory_space<vmem>>, vector<256x256xf32>
      %dot_general3A = arith.constant dense<0.000000e+00> : vector<2000x256xf32>
      %dot_general3A_36 = tpu.matmul %add3A_32, %get3A_35, %dot_general3A {dimension_numbers = #tpu.dot_dimension_numbers<[1], [0], [0], [1], [0, 0, 1, 1], [], []>, transpose_lhs_hint = false} : vector<2000x256xf32>, vector<256x256xf32>, vector<2000x256xf32> -> vector<2000x256xf32>
      %get3A_37 = arith.constant 0 : index
      %get3A_38 = arith.constant 0 : index
      %get3A_39 = vector.load %arg10[%get3A_37, %get3A_38] : memref<1x256xf32, #tpu.memory_space<vmem>>, vector<1x256xf32>
      %add3A_40 = vector.broadcast %get3A_39 : vector<1x256xf32> to vector<2000x256xf32>
      %add3A_41 = arith.addf %dot_general3A_36, %add3A_40 : vector<2000x256xf32>
      %get3A_42 = arith.constant 0 : index
      %get3A_43 = arith.constant 0 : index
      %get3A_44 = arith.constant 0 : index
      %get3A_45 = vector.load %arg2[%get3A_42, %get3A_43, %get3A_44] : memref<2x2000x128xf32, #tpu.memory_space<vmem>>, vector<1x2000x128xf32>
      %get3A_46 = vector.shape_cast %get3A_45 : vector<1x2000x128xf32> to vector<2000x128xf32>
      %get3A_47 = arith.constant 1 : index
      %get3A_48 = arith.constant 0 : index
      %get3A_49 = arith.constant 0 : index
      %get3A_50 = vector.load %arg2[%get3A_47, %get3A_48, %get3A_49] : memref<2x2000x128xf32, #tpu.memory_space<vmem>>, vector<1x2000x128xf32>
      %get3A_51 = vector.shape_cast %get3A_50 : vector<1x2000x128xf32> to vector<2000x128xf32>
      %concatenate3A = tpu.concatenate %get3A_46, %get3A_51 in 1 : vector<2000x128xf32>, vector<2000x128xf32> -> vector<2000x256xf32>
      %get3A_52 = arith.constant 0 : index
      %get3A_53 = arith.constant 0 : index
      %get3A_54 = vector.load %arg3[%get3A_52, %get3A_53] : memref<2000x1xf32, #tpu.memory_space<vmem>>, vector<2000x1xf32>
      %get3A_55 = arith.constant 0 : index
      %get3A_56 = arith.constant 0 : index
      %get3A_57 = vector.load %arg4[%get3A_55, %get3A_56] : memref<2000x1xf32, #tpu.memory_space<vmem>>, vector<2000x1xf32>
      %add3A_58 = arith.addf %get3A_54, %get3A_57 : vector<2000x1xf32>
      %jit3A = arith.constant 1.000000e+00 : f32
      %max3A = vector.broadcast %jit3A : f32 to vector<2000x1xf32>
      %max3A_59 = arith.maximumf %max3A, %add3A_58 : vector<2000x1xf32>
      %div3A_60 = vector.broadcast %max3A_59 : vector<2000x1xf32> to vector<2000x256xf32>
      %div3A_61 = arith.divf %concatenate3A, %div3A_60 : vector<2000x256xf32>
      %add3A_62 = arith.addf %div3A_61, %add3A_41 : vector<2000x256xf32>
      %get3A_63 = arith.constant 0 : index
      %get3A_64 = arith.constant 0 : index
      %get3A_65 = vector.load %arg11[%get3A_63, %get3A_64] : memref<1x256xf32, #tpu.memory_space<vmem>>, vector<1x256xf32>
      %get3A_66 = arith.constant 0 : index
      %get3A_67 = arith.constant 0 : index
      %get3A_68 = vector.load %arg12[%get3A_66, %get3A_67] : memref<1x256xf32, #tpu.memory_space<vmem>>, vector<1x256xf32>
      %reduce_sum3A_69 = arith.constant dense<0.000000e+00> : vector<2000xf32>
      %reduce_sum3A_70 = vector.multi_reduction <add>, %add3A_62, %reduce_sum3A_69 [1] : vector<2000x256xf32> to vector<2000xf32>
      %broadcast_in_dim3A_71 = vector.shape_cast %reduce_sum3A_70 : vector<2000xf32> to vector<2000x1xf32>
      %div3A_72 = arith.constant 2.560000e+02 : f32
      %div3A_73 = vector.broadcast %div3A_72 : f32 to vector<2000x1xf32>
      %div3A_74 = arith.divf %broadcast_in_dim3A_71, %div3A_73 : vector<2000x1xf32>
      %sub3A_75 = vector.broadcast %div3A_74 : vector<2000x1xf32> to vector<2000x256xf32>
      %sub3A_76 = arith.subf %add3A_62, %sub3A_75 : vector<2000x256xf32>
      %integer_pow3A_77 = arith.mulf %sub3A_76, %sub3A_76 : vector<2000x256xf32>
      %reduce_sum3A_78 = arith.constant dense<0.000000e+00> : vector<2000xf32>
      %reduce_sum3A_79 = vector.multi_reduction <add>, %integer_pow3A_77, %reduce_sum3A_78 [1] : vector<2000x256xf32> to vector<2000xf32>
      %broadcast_in_dim3A_80 = vector.shape_cast %reduce_sum3A_79 : vector<2000xf32> to vector<2000x1xf32>
      %div3A_81 = arith.constant 2.560000e+02 : f32
      %div3A_82 = vector.broadcast %div3A_81 : f32 to vector<2000x1xf32>
      %div3A_83 = arith.divf %broadcast_in_dim3A_80, %div3A_82 : vector<2000x1xf32>
      %sub3A_84 = vector.broadcast %div3A_74 : vector<2000x1xf32> to vector<2000x256xf32>
      %sub3A_85 = arith.subf %add3A_62, %sub3A_84 : vector<2000x256xf32>
      %add3A_86 = arith.constant 9.99999974E-6 : f32
      %add3A_87 = vector.broadcast %add3A_86 : f32 to vector<2000x1xf32>
      %add3A_88 = arith.addf %div3A_83, %add3A_87 : vector<2000x1xf32>
      %sqrt3A_89 = math.sqrt %add3A_88 : vector<2000x1xf32>
      %div3A_90 = vector.broadcast %sqrt3A_89 : vector<2000x1xf32> to vector<2000x256xf32>
      %div3A_91 = arith.divf %sub3A_85, %div3A_90 : vector<2000x256xf32>
      %mul3A_92 = vector.broadcast %get3A_65 : vector<1x256xf32> to vector<2000x256xf32>
      %mul3A_93 = arith.mulf %div3A_91, %mul3A_92 : vector<2000x256xf32>
      %add3A_94 = vector.broadcast %get3A_68 : vector<1x256xf32> to vector<2000x256xf32>
      %add3A_95 = arith.addf %mul3A_93, %add3A_94 : vector<2000x256xf32>
      %mul3A_96 = arith.constant 5.000000e-01 : f32
      %mul3A_97 = vector.broadcast %mul3A_96 : f32 to vector<2000x256xf32>
      %mul3A_98 = arith.mulf %add3A_95, %mul3A_97 : vector<2000x256xf32>
      %mul3A_99 = arith.constant 0.707106769 : f32
      %mul3A_100 = vector.broadcast %mul3A_99 : f32 to vector<2000x256xf32>
      %mul3A_101 = arith.mulf %add3A_95, %mul3A_100 : vector<2000x256xf32>
      %erf3A = math.erf %mul3A_101 : vector<2000x256xf32>
      %add3A_102 = arith.constant 1.000000e+00 : f32
      %add3A_103 = vector.broadcast %add3A_102 : f32 to vector<2000x256xf32>
      %add3A_104 = arith.addf %add3A_103, %erf3A : vector<2000x256xf32>
      %mul3A_105 = arith.mulf %mul3A_98, %add3A_104 : vector<2000x256xf32>
      %get3A_106 = arith.constant 0 : index
      %get3A_107 = arith.constant 0 : index
      %get3A_108 = vector.load %arg13[%get3A_106, %get3A_107] : memref<256x1xf32, #tpu.memory_space<vmem>>, vector<256x1xf32>
      %dot_general3A_109 = arith.constant dense<0.000000e+00> : vector<2000x1xf32>
      %dot_general3A_110 = tpu.matmul %mul3A_105, %get3A_108, %dot_general3A_109 {dimension_numbers = #tpu.dot_dimension_numbers<[1], [0], [0], [1], [0, 0, 1, 1], [], []>, transpose_lhs_hint = false} : vector<2000x256xf32>, vector<256x1xf32>, vector<2000x1xf32> -> vector<2000x1xf32>
      %get3A_111 = arith.constant 0 : index
      %get3A_112 = arith.constant 0 : index
      %get3A_113 = vector.load %arg14[%get3A_111, %get3A_112] : memref<1x1xf32, #tpu.memory_space<vmem>>, vector<1x1xf32>
      %add3A_114 = vector.broadcast %get3A_113 : vector<1x1xf32> to vector<2000x1xf32>
      %add3A_115 = arith.addf %dot_general3A_110, %add3A_114 : vector<2000x1xf32>
      %exp3A = math.exp %add3A_115 : vector<2000x1xf32>
      %swap3A = arith.index_cast %arg0 : i32 to index
      %swap3A_116 = arith.constant 0 : index
      %swap3A_117 = arith.constant 0 : index
      %swap3A_118 = vector.load %arg29[%swap3A, %swap3A_116, %swap3A_117] : memref<5x2000x1xf32, #tpu.memory_space<vmem>>, vector<1x2000x1xf32>
      %swap3A_119 = vector.shape_cast %swap3A_118 : vector<1x2000x1xf32> to vector<2000x1xf32>
      %swap3A_120 = vector.shape_cast %exp3A : vector<2000x1xf32> to vector<1x2000x1xf32>
      tpu.vector_store %arg29[%swap3A, %swap3A_116, %swap3A_117], %swap3A_120 {strides = array<i32>} : memref<5x2000x1xf32, #tpu.memory_space<vmem>>, vector<1x2000x1xf32>,
      %get3A_121 = arith.constant 0 : index
      %get3A_122 = arith.constant 0 : index
      %get3A_123 = vector.load %arg5[%get3A_121, %get3A_122] : memref<2000x1xf32, #tpu.memory_space<vmem>>, vector<2000x1xf32>
      %iota3A = tpu.iota {dimensions = array<i32: 1>} : vector<1x64xi32>
      %convert_element_type3A_124 = arith.sitofp %iota3A : vector<1x64xi32> to vector<1x64xf32>
      %eq3A_125 = vector.broadcast %get3A_123 : vector<2000x1xf32> to vector<2000x64xf32>
      %eq3A_126 = vector.broadcast %convert_element_type3A_124 : vector<1x64xf32> to vector<2000x64xf32>
      %eq3A_127 = arith.cmpf oeq, %eq3A_125, %eq3A_126 : vector<2000x64xf32>
      %convert_element_type3A_128 = arith.extui %eq3A_127 : vector<2000x64xi1> to vector<2000x64xi32>
      %convert_element_type3A_129 = arith.sitofp %convert_element_type3A_128 : vector<2000x64xi32> to vector<2000x64xf32>
      %mul3A_130 = vector.broadcast %exp3A : vector<2000x1xf32> to vector<2000x64xf32>
      %mul3A_131 = arith.mulf %convert_element_type3A_129, %mul3A_130 : vector<2000x64xf32>
      %broadcast_in_dim3A_132 = arith.constant 1.000000e+00 : f32
      %broadcast_in_dim3A_133 = vector.broadcast %broadcast_in_dim3A_132 : f32 to vector<2000x1xf32>
      %dot_general3A_134 = arith.constant dense<0.000000e+00> : vector<64x1xf32>
      %dot_general3A_135 = tpu.matmul %mul3A_131, %broadcast_in_dim3A_133, %dot_general3A_134 {dimension_numbers = #tpu.dot_dimension_numbers<[0], [0], [1], [1], [0, 1, 1, 1], [], []>, transpose_lhs_hint = false} : vector<2000x64xf32>, vector<2000x1xf32>, vector<64x1xf32> -> vector<64x1xf32>
      %dot_general3A_136 = arith.constant dense<0.000000e+00> : vector<64x256xf32>
      %dot_general3A_137 = tpu.matmul %mul3A_131, %mul3A_105, %dot_general3A_136 {dimension_numbers = #tpu.dot_dimension_numbers<[0], [0], [1], [1], [0, 1, 1, 1], [], []>, transpose_lhs_hint = false} : vector<2000x64xf32>, vector<2000x256xf32>, vector<64x256xf32> -> vector<64x256xf32>
      %eq3A_138 = arith.constant 0 : i32
      %eq3A_139 = arith.cmpi eq, %arg0, %eq3A_138 : i32
      %convert_element_type3A_140 = arith.extui %eq3A_139 : i1 to i32
      %cond3A_141 = arith.constant 0 : i32
      %cond3A_142 = arith.cmpi ne, %convert_element_type3A_140, %cond3A_141 : i32
      scf.if %cond3A_142 {
        %broadcast_in_dim3A_157 = arith.constant 0.000000e+00 : f32
        %broadcast_in_dim3A_158 = vector.broadcast %broadcast_in_dim3A_157 : f32 to vector<64x1xf32>
        %swap3A_159 = arith.constant 0 : index
        %swap3A_160 = arith.constant 0 : index
        %swap3A_161 = vector.load %arg30[%swap3A_159, %swap3A_160] : memref<64x1xf32, #tpu.memory_space<vmem>>, vector<64x1xf32>
        tpu.vector_store %arg30[%swap3A_159, %swap3A_160], %broadcast_in_dim3A_158 {strides = array<i32>} : memref<64x1xf32, #tpu.memory_space<vmem>>, vector<64x1xf32>,
        %broadcast_in_dim3A_162 = arith.constant 0.000000e+00 : f32
        %broadcast_in_dim3A_163 = vector.broadcast %broadcast_in_dim3A_162 : f32 to vector<64x256xf32>
        %swap3A_164 = arith.constant 0 : index
        %swap3A_165 = arith.constant 0 : index
        %swap3A_166 = vector.load %arg31[%swap3A_164, %swap3A_165] : memref<64x256xf32, #tpu.memory_space<vmem>>, vector<64x256xf32>
        tpu.vector_store %arg31[%swap3A_164, %swap3A_165], %broadcast_in_dim3A_163 {strides = array<i32>} : memref<64x256xf32, #tpu.memory_space<vmem>>, vector<64x256xf32>,
      } else {
      }
      %get3A_143 = arith.constant 0 : index
      %get3A_144 = arith.constant 0 : index
      %get3A_145 = vector.load %arg30[%get3A_143, %get3A_144] : memref<64x1xf32, #tpu.memory_space<vmem>>, vector<64x1xf32>
      %add3A_146 = arith.addf %get3A_145, %dot_general3A_135 : vector<64x1xf32>
      %swap3A_147 = arith.constant 0 : index
      %swap3A_148 = arith.constant 0 : index
      %swap3A_149 = vector.load %arg30[%swap3A_147, %swap3A_148] : memref<64x1xf32, #tpu.memory_space<vmem>>, vector<64x1xf32>
      tpu.vector_store %arg30[%swap3A_147, %swap3A_148], %add3A_146 {strides = array<i32>} : memref<64x1xf32, #tpu.memory_space<vmem>>, vector<64x1xf32>,
      %get3A_150 = arith.constant 0 : index
      %get3A_151 = arith.constant 0 : index
      %get3A_152 = vector.load %arg31[%get3A_150, %get3A_151] : memref<64x256xf32, #tpu.memory_space<vmem>>, vector<64x256xf32>
      %add3A_153 = arith.addf %get3A_152, %dot_general3A_137 : vector<64x256xf32>
      %swap3A_154 = arith.constant 0 : index
      %swap3A_155 = arith.constant 0 : index
      %swap3A_156 = vector.load %arg31[%swap3A_154, %swap3A_155] : memref<64x256xf32, #tpu.memory_space<vmem>>, vector<64x256xf32>
      tpu.vector_store %arg31[%swap3A_154, %swap3A_155], %add3A_153 {strides = array<i32>} : memref<64x256xf32, #tpu.memory_space<vmem>>, vector<64x256xf32>,
    } else {
    }
    %eq3A = arith.constant 5 : i32
    %eq3A_2 = arith.cmpi eq, %arg0, %eq3A : i32
    %convert_element_type3A_3 = arith.extui %eq3A_2 : i1 to i32
    %cond3A_4 = arith.constant 0 : i32
    %cond3A_5 = arith.cmpi ne, %convert_element_type3A_3, %cond3A_4 : i32
    scf.if %cond3A_5 {
      %get3A = arith.constant 0 : index
      %get3A_6 = arith.constant 0 : index
      %get3A_7 = vector.load %arg30[%get3A, %get3A_6] : memref<64x1xf32, #tpu.memory_space<vmem>>, vector<64x1xf32>
      %get3A_8 = arith.constant 0 : index
      %get3A_9 = arith.constant 0 : index
      %get3A_10 = vector.load %arg6[%get3A_8, %get3A_9] : memref<10000x1xf32, #tpu.memory_space<vmem>>, vector<2000x1xf32>
      %iota3A = tpu.iota {dimensions = array<i32: 1>} : vector<1x64xi32>
      %convert_element_type3A_11 = arith.sitofp %iota3A : vector<1x64xi32> to vector<1x64xf32>
      %eq3A_12 = vector.broadcast %get3A_10 : vector<2000x1xf32> to vector<2000x64xf32>
      %eq3A_13 = vector.broadcast %convert_element_type3A_11 : vector<1x64xf32> to vector<2000x64xf32>
      %eq3A_14 = arith.cmpf oeq, %eq3A_12, %eq3A_13 : vector<2000x64xf32>
      %convert_element_type3A_15 = arith.extui %eq3A_14 : vector<2000x64xi1> to vector<2000x64xi32>
      %convert_element_type3A_16 = arith.sitofp %convert_element_type3A_15 : vector<2000x64xi32> to vector<2000x64xf32>
      %dot_general3A = arith.constant dense<0.000000e+00> : vector<2000x1xf32>
      %dot_general3A_17 = tpu.matmul %convert_element_type3A_16, %get3A_7, %dot_general3A {dimension_numbers = #tpu.dot_dimension_numbers<[1], [0], [0], [1], [0, 0, 1, 1], [], []>, transpose_lhs_hint = false} : vector<2000x64xf32>, vector<64x1xf32>, vector<2000x1xf32> -> vector<2000x1xf32>
      %get3A_18 = arith.constant 0 : index
      %get3A_19 = arith.constant 0 : index
      %get3A_20 = arith.constant 0 : index
      %get3A_21 = vector.load %arg29[%get3A_18, %get3A_19, %get3A_20] : memref<5x2000x1xf32, #tpu.memory_space<vmem>>, vector<1x2000x1xf32>
      %get3A_22 = vector.shape_cast %get3A_21 : vector<1x2000x1xf32> to vector<2000x1xf32>
      %add3A = arith.constant 1.000000e-16 : f32
      %add3A_23 = vector.broadcast %add3A : f32 to vector<2000x1xf32>
      %add3A_24 = arith.addf %dot_general3A_17, %add3A_23 : vector<2000x1xf32>
      %div3A = arith.divf %get3A_22, %add3A_24 : vector<2000x1xf32>
      %swap3A = arith.constant 0 : index
      %swap3A_25 = arith.constant 0 : index
      %swap3A_26 = vector.load %arg26[%swap3A, %swap3A_25] : memref<10000x1xf32, #tpu.memory_space<vmem>>, vector<2000x1xf32>
      tpu.vector_store %arg26[%swap3A, %swap3A_25], %div3A {strides = array<i32>} : memref<10000x1xf32, #tpu.memory_space<vmem>>, vector<2000x1xf32>,
      %get3A_27 = arith.constant 2000 : index
      %get3A_28 = arith.constant 0 : index
      %get3A_29 = vector.load %arg6[%get3A_27, %get3A_28] : memref<10000x1xf32, #tpu.memory_space<vmem>>, vector<2000x1xf32>
      %iota3A_30 = tpu.iota {dimensions = array<i32: 1>} : vector<1x64xi32>
      %convert_element_type3A_31 = arith.sitofp %iota3A_30 : vector<1x64xi32> to vector<1x64xf32>
      %eq3A_32 = vector.broadcast %get3A_29 : vector<2000x1xf32> to vector<2000x64xf32>
      %eq3A_33 = vector.broadcast %convert_element_type3A_31 : vector<1x64xf32> to vector<2000x64xf32>
      %eq3A_34 = arith.cmpf oeq, %eq3A_32, %eq3A_33 : vector<2000x64xf32>
      %convert_element_type3A_35 = arith.extui %eq3A_34 : vector<2000x64xi1> to vector<2000x64xi32>
      %convert_element_type3A_36 = arith.sitofp %convert_element_type3A_35 : vector<2000x64xi32> to vector<2000x64xf32>
      %dot_general3A_37 = arith.constant dense<0.000000e+00> : vector<2000x1xf32>
      %dot_general3A_38 = tpu.matmul %convert_element_type3A_36, %get3A_7, %dot_general3A_37 {dimension_numbers = #tpu.dot_dimension_numbers<[1], [0], [0], [1], [0, 0, 1, 1], [], []>, transpose_lhs_hint = false} : vector<2000x64xf32>, vector<64x1xf32>, vector<2000x1xf32> -> vector<2000x1xf32>
      %get3A_39 = arith.constant 1 : index
      %get3A_40 = arith.constant 0 : index
      %get3A_41 = arith.constant 0 : index
      %get3A_42 = vector.load %arg29[%get3A_39, %get3A_40, %get3A_41] : memref<5x2000x1xf32, #tpu.memory_space<vmem>>, vector<1x2000x1xf32>
      %get3A_43 = vector.shape_cast %get3A_42 : vector<1x2000x1xf32> to vector<2000x1xf32>
      %add3A_44 = arith.constant 1.000000e-16 : f32
      %add3A_45 = vector.broadcast %add3A_44 : f32 to vector<2000x1xf32>
      %add3A_46 = arith.addf %dot_general3A_38, %add3A_45 : vector<2000x1xf32>
      %div3A_47 = arith.divf %get3A_43, %add3A_46 : vector<2000x1xf32>
      %swap3A_48 = arith.constant 2000 : index
      %swap3A_49 = arith.constant 0 : index
      %swap3A_50 = vector.load %arg26[%swap3A_48, %swap3A_49] : memref<10000x1xf32, #tpu.memory_space<vmem>>, vector<2000x1xf32>
      tpu.vector_store %arg26[%swap3A_48, %swap3A_49], %div3A_47 {strides = array<i32>} : memref<10000x1xf32, #tpu.memory_space<vmem>>, vector<2000x1xf32>,
      %get3A_51 = arith.constant 4000 : index
      %get3A_52 = arith.constant 0 : index
      %get3A_53 = vector.load %arg6[%get3A_51, %get3A_52] : memref<10000x1xf32, #tpu.memory_space<vmem>>, vector<2000x1xf32>
      %iota3A_54 = tpu.iota {dimensions = array<i32: 1>} : vector<1x64xi32>
      %convert_element_type3A_55 = arith.sitofp %iota3A_54 : vector<1x64xi32> to vector<1x64xf32>
      %eq3A_56 = vector.broadcast %get3A_53 : vector<2000x1xf32> to vector<2000x64xf32>
      %eq3A_57 = vector.broadcast %convert_element_type3A_55 : vector<1x64xf32> to vector<2000x64xf32>
      %eq3A_58 = arith.cmpf oeq, %eq3A_56, %eq3A_57 : vector<2000x64xf32>
      %convert_element_type3A_59 = arith.extui %eq3A_58 : vector<2000x64xi1> to vector<2000x64xi32>
      %convert_element_type3A_60 = arith.sitofp %convert_element_type3A_59 : vector<2000x64xi32> to vector<2000x64xf32>
      %dot_general3A_61 = arith.constant dense<0.000000e+00> : vector<2000x1xf32>
      %dot_general3A_62 = tpu.matmul %convert_element_type3A_60, %get3A_7, %dot_general3A_61 {dimension_numbers = #tpu.dot_dimension_numbers<[1], [0], [0], [1], [0, 0, 1, 1], [], []>, transpose_lhs_hint = false} : vector<2000x64xf32>, vector<64x1xf32>, vector<2000x1xf32> -> vector<2000x1xf32>
      %get3A_63 = arith.constant 2 : index
      %get3A_64 = arith.constant 0 : index
      %get3A_65 = arith.constant 0 : index
      %get3A_66 = vector.load %arg29[%get3A_63, %get3A_64, %get3A_65] : memref<5x2000x1xf32, #tpu.memory_space<vmem>>, vector<1x2000x1xf32>
      %get3A_67 = vector.shape_cast %get3A_66 : vector<1x2000x1xf32> to vector<2000x1xf32>
      %add3A_68 = arith.constant 1.000000e-16 : f32
      %add3A_69 = vector.broadcast %add3A_68 : f32 to vector<2000x1xf32>
      %add3A_70 = arith.addf %dot_general3A_62, %add3A_69 : vector<2000x1xf32>
      %div3A_71 = arith.divf %get3A_67, %add3A_70 : vector<2000x1xf32>
      %swap3A_72 = arith.constant 4000 : index
      %swap3A_73 = arith.constant 0 : index
      %swap3A_74 = vector.load %arg26[%swap3A_72, %swap3A_73] : memref<10000x1xf32, #tpu.memory_space<vmem>>, vector<2000x1xf32>
      tpu.vector_store %arg26[%swap3A_72, %swap3A_73], %div3A_71 {strides = array<i32>} : memref<10000x1xf32, #tpu.memory_space<vmem>>, vector<2000x1xf32>,
      %get3A_75 = arith.constant 6000 : index
      %get3A_76 = arith.constant 0 : index
      %get3A_77 = vector.load %arg6[%get3A_75, %get3A_76] : memref<10000x1xf32, #tpu.memory_space<vmem>>, vector<2000x1xf32>
      %iota3A_78 = tpu.iota {dimensions = array<i32: 1>} : vector<1x64xi32>
      %convert_element_type3A_79 = arith.sitofp %iota3A_78 : vector<1x64xi32> to vector<1x64xf32>
      %eq3A_80 = vector.broadcast %get3A_77 : vector<2000x1xf32> to vector<2000x64xf32>
      %eq3A_81 = vector.broadcast %convert_element_type3A_79 : vector<1x64xf32> to vector<2000x64xf32>
      %eq3A_82 = arith.cmpf oeq, %eq3A_80, %eq3A_81 : vector<2000x64xf32>
      %convert_element_type3A_83 = arith.extui %eq3A_82 : vector<2000x64xi1> to vector<2000x64xi32>
      %convert_element_type3A_84 = arith.sitofp %convert_element_type3A_83 : vector<2000x64xi32> to vector<2000x64xf32>
      %dot_general3A_85 = arith.constant dense<0.000000e+00> : vector<2000x1xf32>
      %dot_general3A_86 = tpu.matmul %convert_element_type3A_84, %get3A_7, %dot_general3A_85 {dimension_numbers = #tpu.dot_dimension_numbers<[1], [0], [0], [1], [0, 0, 1, 1], [], []>, transpose_lhs_hint = false} : vector<2000x64xf32>, vector<64x1xf32>, vector<2000x1xf32> -> vector<2000x1xf32>
      %get3A_87 = arith.constant 3 : index
      %get3A_88 = arith.constant 0 : index
      %get3A_89 = arith.constant 0 : index
      %get3A_90 = vector.load %arg29[%get3A_87, %get3A_88, %get3A_89] : memref<5x2000x1xf32, #tpu.memory_space<vmem>>, vector<1x2000x1xf32>
      %get3A_91 = vector.shape_cast %get3A_90 : vector<1x2000x1xf32> to vector<2000x1xf32>
      %add3A_92 = arith.constant 1.000000e-16 : f32
      %add3A_93 = vector.broadcast %add3A_92 : f32 to vector<2000x1xf32>
      %add3A_94 = arith.addf %dot_general3A_86, %add3A_93 : vector<2000x1xf32>
      %div3A_95 = arith.divf %get3A_91, %add3A_94 : vector<2000x1xf32>
      %swap3A_96 = arith.constant 6000 : index
      %swap3A_97 = arith.constant 0 : index
      %swap3A_98 = vector.load %arg26[%swap3A_96, %swap3A_97] : memref<10000x1xf32, #tpu.memory_space<vmem>>, vector<2000x1xf32>
      tpu.vector_store %arg26[%swap3A_96, %swap3A_97], %div3A_95 {strides = array<i32>} : memref<10000x1xf32, #tpu.memory_space<vmem>>, vector<2000x1xf32>,
      %get3A_99 = arith.constant 8000 : index
      %get3A_100 = arith.constant 0 : index
      %get3A_101 = vector.load %arg6[%get3A_99, %get3A_100] : memref<10000x1xf32, #tpu.memory_space<vmem>>, vector<2000x1xf32>
      %iota3A_102 = tpu.iota {dimensions = array<i32: 1>} : vector<1x64xi32>
      %convert_element_type3A_103 = arith.sitofp %iota3A_102 : vector<1x64xi32> to vector<1x64xf32>
      %eq3A_104 = vector.broadcast %get3A_101 : vector<2000x1xf32> to vector<2000x64xf32>
      %eq3A_105 = vector.broadcast %convert_element_type3A_103 : vector<1x64xf32> to vector<2000x64xf32>
      %eq3A_106 = arith.cmpf oeq, %eq3A_104, %eq3A_105 : vector<2000x64xf32>
      %convert_element_type3A_107 = arith.extui %eq3A_106 : vector<2000x64xi1> to vector<2000x64xi32>
      %convert_element_type3A_108 = arith.sitofp %convert_element_type3A_107 : vector<2000x64xi32> to vector<2000x64xf32>
      %dot_general3A_109 = arith.constant dense<0.000000e+00> : vector<2000x1xf32>
      %dot_general3A_110 = tpu.matmul %convert_element_type3A_108, %get3A_7, %dot_general3A_109 {dimension_numbers = #tpu.dot_dimension_numbers<[1], [0], [0], [1], [0, 0, 1, 1], [], []>, transpose_lhs_hint = false} : vector<2000x64xf32>, vector<64x1xf32>, vector<2000x1xf32> -> vector<2000x1xf32>
      %get3A_111 = arith.constant 4 : index
      %get3A_112 = arith.constant 0 : index
      %get3A_113 = arith.constant 0 : index
      %get3A_114 = vector.load %arg29[%get3A_111, %get3A_112, %get3A_113] : memref<5x2000x1xf32, #tpu.memory_space<vmem>>, vector<1x2000x1xf32>
      %get3A_115 = vector.shape_cast %get3A_114 : vector<1x2000x1xf32> to vector<2000x1xf32>
      %add3A_116 = arith.constant 1.000000e-16 : f32
      %add3A_117 = vector.broadcast %add3A_116 : f32 to vector<2000x1xf32>
      %add3A_118 = arith.addf %dot_general3A_110, %add3A_117 : vector<2000x1xf32>
      %div3A_119 = arith.divf %get3A_115, %add3A_118 : vector<2000x1xf32>
      %swap3A_120 = arith.constant 8000 : index
      %swap3A_121 = arith.constant 0 : index
      %swap3A_122 = vector.load %arg26[%swap3A_120, %swap3A_121] : memref<10000x1xf32, #tpu.memory_space<vmem>>, vector<2000x1xf32>
      tpu.vector_store %arg26[%swap3A_120, %swap3A_121], %div3A_119 {strides = array<i32>} : memref<10000x1xf32, #tpu.memory_space<vmem>>, vector<2000x1xf32>,
      %get3A_123 = arith.constant 0 : index
      %get3A_124 = arith.constant 0 : index
      %get3A_125 = vector.load %arg31[%get3A_123, %get3A_124] : memref<64x256xf32, #tpu.memory_space<vmem>>, vector<64x256xf32>
      %add3A_126 = arith.constant 1.000000e-16 : f32
      %add3A_127 = vector.broadcast %add3A_126 : f32 to vector<64x1xf32>
      %add3A_128 = arith.addf %get3A_7, %add3A_127 : vector<64x1xf32>
      %div3A_129 = vector.broadcast %add3A_128 : vector<64x1xf32> to vector<64x256xf32>
      %div3A_130 = arith.divf %get3A_125, %div3A_129 : vector<64x256xf32>
      %swap3A_131 = arith.constant 0 : index
      %swap3A_132 = arith.constant 0 : index
      %swap3A_133 = vector.load %arg28[%swap3A_131, %swap3A_132] : memref<64x256xf32, #tpu.memory_space<vmem>>, vector<64x256xf32>
      tpu.vector_store %arg28[%swap3A_131, %swap3A_132], %div3A_130 {strides = array<i32>} : memref<64x256xf32, #tpu.memory_space<vmem>>, vector<64x256xf32>,
      %get3A_134 = arith.constant 0 : index
      %get3A_135 = arith.constant 0 : index
      %get3A_136 = vector.load %arg21[%get3A_134, %get3A_135] : memref<1x1xf32, #tpu.memory_space<vmem>>, vector<1x1xf32>
      %get3A_137 = vector.extract %get3A_136[0, 0] : f32 from vector<1x1xf32>
      %mul3A = vector.broadcast %get3A_137 : f32 to vector<64x256xf32>
      %mul3A_138 = arith.mulf %mul3A, %div3A_130 : vector<64x256xf32>
      %get3A_139 = arith.constant 0 : index
      %get3A_140 = arith.constant 0 : index
      %get3A_141 = vector.load %arg15[%get3A_139, %get3A_140] : memref<64x768xf32, #tpu.memory_space<vmem>>, vector<64x768xf32>
      %get3A_142 = arith.constant 0 : index
      %get3A_143 = arith.constant 0 : index
      %get3A_144 = vector.load %arg17[%get3A_142, %get3A_143] : memref<768x256xf32, #tpu.memory_space<vmem>>, vector<768x256xf32>
      %dot_general3A_145 = arith.constant dense<0.000000e+00> : vector<64x256xf32>
      %dot_general3A_146 = tpu.matmul %get3A_141, %get3A_144, %dot_general3A_145 {dimension_numbers = #tpu.dot_dimension_numbers<[1], [0], [0], [1], [0, 0, 1, 1], [], []>, transpose_lhs_hint = false} : vector<64x768xf32>, vector<768x256xf32>, vector<64x256xf32> -> vector<64x256xf32>
      %get3A_147 = arith.constant 0 : index
      %get3A_148 = arith.constant 0 : index
      %get3A_149 = vector.load %arg18[%get3A_147, %get3A_148] : memref<1x256xf32, #tpu.memory_space<vmem>>, vector<1x256xf32>
      %add3A_150 = vector.broadcast %get3A_149 : vector<1x256xf32> to vector<64x256xf32>
      %add3A_151 = arith.addf %dot_general3A_146, %add3A_150 : vector<64x256xf32>
      %mul3A_152 = arith.constant 5.000000e-01 : f32
      %mul3A_153 = vector.broadcast %mul3A_152 : f32 to vector<64x256xf32>
      %mul3A_154 = arith.mulf %add3A_151, %mul3A_153 : vector<64x256xf32>
      %mul3A_155 = arith.constant 0.707106769 : f32
      %mul3A_156 = vector.broadcast %mul3A_155 : f32 to vector<64x256xf32>
      %mul3A_157 = arith.mulf %add3A_151, %mul3A_156 : vector<64x256xf32>
      %erf3A = math.erf %mul3A_157 : vector<64x256xf32>
      %add3A_158 = arith.constant 1.000000e+00 : f32
      %add3A_159 = vector.broadcast %add3A_158 : f32 to vector<64x256xf32>
      %add3A_160 = arith.addf %add3A_159, %erf3A : vector<64x256xf32>
      %mul3A_161 = arith.mulf %mul3A_154, %add3A_160 : vector<64x256xf32>
      %get3A_162 = arith.constant 0 : index
      %get3A_163 = arith.constant 0 : index
      %get3A_164 = vector.load %arg16[%get3A_162, %get3A_163] : memref<64x14xf32, #tpu.memory_space<vmem>>, vector<64x14xf32>
      %get3A_165 = arith.constant 0 : index
      %get3A_166 = arith.constant 0 : index
      %get3A_167 = vector.load %arg19[%get3A_165, %get3A_166] : memref<14x256xf32, #tpu.memory_space<vmem>>, vector<14x256xf32>
      %dot_general3A_168 = arith.constant dense<0.000000e+00> : vector<64x256xf32>
      %dot_general3A_169 = tpu.matmul %get3A_164, %get3A_167, %dot_general3A_168 {dimension_numbers = #tpu.dot_dimension_numbers<[1], [0], [0], [1], [0, 0, 1, 1], [], []>, transpose_lhs_hint = false} : vector<64x14xf32>, vector<14x256xf32>, vector<64x256xf32> -> vector<64x256xf32>
      %get3A_170 = arith.constant 0 : index
      %get3A_171 = arith.constant 0 : index
      %get3A_172 = vector.load %arg20[%get3A_170, %get3A_171] : memref<1x256xf32, #tpu.memory_space<vmem>>, vector<1x256xf32>
      %add3A_173 = vector.broadcast %get3A_172 : vector<1x256xf32> to vector<64x256xf32>
      %add3A_174 = arith.addf %dot_general3A_169, %add3A_173 : vector<64x256xf32>
      %mul3A_175 = arith.constant 5.000000e-01 : f32
      %mul3A_176 = vector.broadcast %mul3A_175 : f32 to vector<64x256xf32>
      %mul3A_177 = arith.mulf %add3A_174, %mul3A_176 : vector<64x256xf32>
      %mul3A_178 = arith.constant 0.707106769 : f32
      %mul3A_179 = vector.broadcast %mul3A_178 : f32 to vector<64x256xf32>
      %mul3A_180 = arith.mulf %add3A_174, %mul3A_179 : vector<64x256xf32>
      %erf3A_181 = math.erf %mul3A_180 : vector<64x256xf32>
      %add3A_182 = arith.constant 1.000000e+00 : f32
      %add3A_183 = vector.broadcast %add3A_182 : f32 to vector<64x256xf32>
      %add3A_184 = arith.addf %add3A_183, %erf3A_181 : vector<64x256xf32>
      %mul3A_185 = arith.mulf %mul3A_177, %add3A_184 : vector<64x256xf32>
      %concatenate3A = tpu.concatenate %mul3A_138, %mul3A_161, %mul3A_185 in 1 : vector<64x256xf32>, vector<64x256xf32>, vector<64x256xf32> -> vector<64x768xf32>
      %get3A_186 = arith.constant 0 : index
      %get3A_187 = arith.constant 0 : index
      %get3A_188 = vector.load %arg22[%get3A_186, %get3A_187] : memref<1x768xf32, #tpu.memory_space<vmem>>, vector<1x768xf32>
      %get3A_189 = arith.constant 0 : index
      %get3A_190 = arith.constant 0 : index
      %get3A_191 = vector.load %arg23[%get3A_189, %get3A_190] : memref<1x768xf32, #tpu.memory_space<vmem>>, vector<1x768xf32>
      %reduce_sum3A = arith.constant dense<0.000000e+00> : vector<64xf32>
      %reduce_sum3A_192 = vector.multi_reduction <add>, %concatenate3A, %reduce_sum3A [1] : vector<64x768xf32> to vector<64xf32>
      %broadcast_in_dim3A = vector.shape_cast %reduce_sum3A_192 : vector<64xf32> to vector<64x1xf32>
      %div3A_193 = arith.constant 7.680000e+02 : f32
      %div3A_194 = vector.broadcast %div3A_193 : f32 to vector<64x1xf32>
      %div3A_195 = arith.divf %broadcast_in_dim3A, %div3A_194 : vector<64x1xf32>
      %sub3A = vector.broadcast %div3A_195 : vector<64x1xf32> to vector<64x768xf32>
      %sub3A_196 = arith.subf %concatenate3A, %sub3A : vector<64x768xf32>
      %integer_pow3A = arith.mulf %sub3A_196, %sub3A_196 : vector<64x768xf32>
      %reduce_sum3A_197 = arith.constant dense<0.000000e+00> : vector<64xf32>
      %reduce_sum3A_198 = vector.multi_reduction <add>, %integer_pow3A, %reduce_sum3A_197 [1] : vector<64x768xf32> to vector<64xf32>
      %broadcast_in_dim3A_199 = vector.shape_cast %reduce_sum3A_198 : vector<64xf32> to vector<64x1xf32>
      %div3A_200 = arith.constant 7.680000e+02 : f32
      %div3A_201 = vector.broadcast %div3A_200 : f32 to vector<64x1xf32>
      %div3A_202 = arith.divf %broadcast_in_dim3A_199, %div3A_201 : vector<64x1xf32>
      %sub3A_203 = vector.broadcast %div3A_195 : vector<64x1xf32> to vector<64x768xf32>
      %sub3A_204 = arith.subf %concatenate3A, %sub3A_203 : vector<64x768xf32>
      %add3A_205 = arith.constant 9.99999974E-6 : f32
      %add3A_206 = vector.broadcast %add3A_205 : f32 to vector<64x1xf32>
      %add3A_207 = arith.addf %div3A_202, %add3A_206 : vector<64x1xf32>
      %sqrt3A = math.sqrt %add3A_207 : vector<64x1xf32>
      %div3A_208 = vector.broadcast %sqrt3A : vector<64x1xf32> to vector<64x768xf32>
      %div3A_209 = arith.divf %sub3A_204, %div3A_208 : vector<64x768xf32>
      %mul3A_210 = vector.broadcast %get3A_188 : vector<1x768xf32> to vector<64x768xf32>
      %mul3A_211 = arith.mulf %div3A_209, %mul3A_210 : vector<64x768xf32>
      %add3A_212 = vector.broadcast %get3A_191 : vector<1x768xf32> to vector<64x768xf32>
      %add3A_213 = arith.addf %mul3A_211, %add3A_212 : vector<64x768xf32>
      %get3A_214 = arith.constant 0 : index
      %get3A_215 = arith.constant 0 : index
      %get3A_216 = vector.load %arg24[%get3A_214, %get3A_215] : memref<768x1xf32, #tpu.memory_space<vmem>>, vector<768x1xf32>
      %dot_general3A_217 = arith.constant dense<0.000000e+00> : vector<64x1xf32>
      %dot_general3A_218 = tpu.matmul %add3A_213, %get3A_216, %dot_general3A_217 {dimension_numbers = #tpu.dot_dimension_numbers<[1], [0], [0], [1], [0, 0, 1, 1], [], []>, transpose_lhs_hint = false} : vector<64x768xf32>, vector<768x1xf32>, vector<64x1xf32> -> vector<64x1xf32>
      %get3A_219 = arith.constant 0 : index
      %get3A_220 = arith.constant 0 : index
      %get3A_221 = vector.load %arg25[%get3A_219, %get3A_220] : memref<1x1xf32, #tpu.memory_space<vmem>>, vector<1x1xf32>
      %add3A_222 = vector.broadcast %get3A_221 : vector<1x1xf32> to vector<64x1xf32>
      %add3A_223 = arith.addf %dot_general3A_218, %add3A_222 : vector<64x1xf32>
      %swap3A_224 = arith.constant 0 : index
      %swap3A_225 = arith.constant 0 : index
      %swap3A_226 = vector.load %arg27[%swap3A_224, %swap3A_225] : memref<64x1xf32, #tpu.memory_space<vmem>>, vector<64x1xf32>
      tpu.vector_store %arg27[%swap3A_224, %swap3A_225], %add3A_223 {strides = array<i32>} : memref<64x1xf32, #tpu.memory_space<vmem>>, vector<64x1xf32>,
    } else {
    }
    return
  }
  func.func @transform_0(%arg0: i32) -> (i32, i32) {
    %lt3A = arith.constant 5 : i32
    %lt3A_0 = arith.cmpi slt, %arg0, %lt3A : i32
    %jit3A = arith.constant 4 : i32
    %select_n3A = arith.select %lt3A_0, %arg0, %jit3A : i32
    %c0_i32 = arith.constant 0 : i32
    %c0_i32_1 = arith.constant 0 : i32
    return %select_n3A, %c0_i32 : i32, i32
  }
  func.func @transform_1(%arg0: i32) -> (i32, i32, i32) {
    %lt3A = arith.constant 5 : i32
    %lt3A_0 = arith.cmpi slt, %arg0, %lt3A : i32
    %jit3A = arith.constant 4 : i32
    %select_n3A = arith.select %lt3A_0, %arg0, %jit3A : i32
    %c0_i32 = arith.constant 0 : i32
    %c0_i32_1 = arith.constant 0 : i32
    %c0_i32_2 = arith.constant 0 : i32
    return %c0_i32, %select_n3A, %c0_i32_1 : i32, i32, i32
  }
  func.func @transform_2(%arg0: i32) -> (i32, i32) {
    %lt3A = arith.constant 5 : i32
    %lt3A_0 = arith.cmpi slt, %arg0, %lt3A : i32
    %jit3A = arith.constant 4 : i32
    %select_n3A = arith.select %lt3A_0, %arg0, %jit3A : i32
    %c0_i32 = arith.constant 0 : i32
    %c0_i32_1 = arith.constant 0 : i32
    return %select_n3A, %c0_i32 : i32, i32
  }
  func.func @transform_3(%arg0: i32) -> (i32, i32) {
    %lt3A = arith.constant 5 : i32
    %lt3A_0 = arith.cmpi slt, %arg0, %lt3A : i32
    %jit3A = arith.constant 4 : i32
    %select_n3A = arith.select %lt3A_0, %arg0, %jit3A : i32
    %c0_i32 = arith.constant 0 : i32
    %c0_i32_1 = arith.constant 0 : i32
    return %select_n3A, %c0_i32 : i32, i32
  }
  func.func @transform_4(%arg0: i32) -> (i32, i32) {
    %lt3A = arith.constant 5 : i32
    %lt3A_0 = arith.cmpi slt, %arg0, %lt3A : i32
    %jit3A = arith.constant 4 : i32
    %select_n3A = arith.select %lt3A_0, %arg0, %jit3A : i32
    %c0_i32 = arith.constant 0 : i32
    %c0_i32_1 = arith.constant 0 : i32
    return %select_n3A, %c0_i32 : i32, i32
  }
  func.func @transform_5(%arg0: i32) -> (i32, i32) {
    %c0_i32 = arith.constant 0 : i32
    %c0_i32_0 = arith.constant 0 : i32
    %c0_i32_1 = arith.constant 0 : i32
    return %c0_i32, %c0_i32_0 : i32, i32
  }
  func.func @transform_6(%arg0: i32) -> (i32, i32) {
    %c0_i32 = arith.constant 0 : i32
    %c0_i32_0 = arith.constant 0 : i32
    %c0_i32_1 = arith.constant 0 : i32
    return %c0_i32, %c0_i32_0 : i32, i32
  }
  func.func @transform_7(%arg0: i32) -> (i32, i32) {
    %c0_i32 = arith.constant 0 : i32
    %c0_i32_0 = arith.constant 0 : i32
    %c0_i32_1 = arith.constant 0 : i32
    return %c0_i32, %c0_i32_0 : i32, i32
  }
  func.func @transform_8(%arg0: i32) -> (i32, i32) {
    %c0_i32 = arith.constant 0 : i32
    %c0_i32_0 = arith.constant 0 : i32
    %c0_i32_1 = arith.constant 0 : i32
    return %c0_i32, %c0_i32_0 : i32, i32
  }
  func.func @transform_9(%arg0: i32) -> (i32, i32) {
    %c0_i32 = arith.constant 0 : i32
    %c0_i32_0 = arith.constant 0 : i32
    %c0_i32_1 = arith.constant 0 : i32
    return %c0_i32, %c0_i32_0 : i32, i32
  }
  func.func @transform_10(%arg0: i32) -> (i32, i32) {
    %c0_i32 = arith.constant 0 : i32
    %c0_i32_0 = arith.constant 0 : i32
    %c0_i32_1 = arith.constant 0 : i32
    return %c0_i32, %c0_i32_0 : i32, i32
  }
  func.func @transform_11(%arg0: i32) -> (i32, i32) {
    %c0_i32 = arith.constant 0 : i32
    %c0_i32_0 = arith.constant 0 : i32
    %c0_i32_1 = arith.constant 0 : i32
    return %c0_i32, %c0_i32_0 : i32, i32
  }
  func.func @transform_12(%arg0: i32) -> (i32, i32) {
    %c0_i32 = arith.constant 0 : i32
    %c0_i32_0 = arith.constant 0 : i32
    %c0_i32_1 = arith.constant 0 : i32
    return %c0_i32, %c0_i32_0 : i32, i32
  }
  func.func @transform_13(%arg0: i32) -> (i32, i32) {
    %c0_i32 = arith.constant 0 : i32
    %c0_i32_0 = arith.constant 0 : i32
    %c0_i32_1 = arith.constant 0 : i32
    return %c0_i32, %c0_i32_0 : i32, i32
  }
  func.func @transform_14(%arg0: i32) -> (i32, i32) {
    %c0_i32 = arith.constant 0 : i32
    %c0_i32_0 = arith.constant 0 : i32
    %c0_i32_1 = arith.constant 0 : i32
    return %c0_i32, %c0_i32_0 : i32, i32
  }
  func.func @transform_15(%arg0: i32) -> (i32, i32) {
    %c0_i32 = arith.constant 0 : i32
    %c0_i32_0 = arith.constant 0 : i32
    %c0_i32_1 = arith.constant 0 : i32
    return %c0_i32, %c0_i32_0 : i32, i32
  }
  func.func @transform_16(%arg0: i32) -> (i32, i32) {
    %c0_i32 = arith.constant 0 : i32
    %c0_i32_0 = arith.constant 0 : i32
    %c0_i32_1 = arith.constant 0 : i32
    return %c0_i32, %c0_i32_0 : i32, i32
  }
  func.func @transform_17(%arg0: i32) -> (i32, i32) {
    %c0_i32 = arith.constant 0 : i32
    %c0_i32_0 = arith.constant 0 : i32
    %c0_i32_1 = arith.constant 0 : i32
    return %c0_i32, %c0_i32_0 : i32, i32
  }
  func.func @transform_18(%arg0: i32) -> (i32, i32) {
    %c0_i32 = arith.constant 0 : i32
    %c0_i32_0 = arith.constant 0 : i32
    %c0_i32_1 = arith.constant 0 : i32
    return %c0_i32, %c0_i32_0 : i32, i32
  }
  func.func @transform_19(%arg0: i32) -> (i32, i32) {
    %c0_i32 = arith.constant 0 : i32
    %c0_i32_0 = arith.constant 0 : i32
    %c0_i32_1 = arith.constant 0 : i32
    return %c0_i32, %c0_i32_0 : i32, i32
  }
  func.func @transform_20(%arg0: i32) -> (i32, i32) {
    %c0_i32 = arith.constant 0 : i32
    %c0_i32_0 = arith.constant 0 : i32
    %c0_i32_1 = arith.constant 0 : i32
    return %c0_i32, %c0_i32_0 : i32, i32
  }
  func.func @transform_21(%arg0: i32) -> (i32, i32) {
    %c0_i32 = arith.constant 0 : i32
    %c0_i32_0 = arith.constant 0 : i32
    %c0_i32_1 = arith.constant 0 : i32
    return %c0_i32, %c0_i32_0 : i32, i32
  }
  func.func @transform_22(%arg0: i32) -> (i32, i32) {
    %c0_i32 = arith.constant 0 : i32
    %c0_i32_0 = arith.constant 0 : i32
    %c0_i32_1 = arith.constant 0 : i32
    return %c0_i32, %c0_i32_0 : i32, i32
  }
  func.func @transform_23(%arg0: i32) -> (i32, i32) {
    %c0_i32 = arith.constant 0 : i32
    %c0_i32_0 = arith.constant 0 : i32
    %c0_i32_1 = arith.constant 0 : i32
    return %c0_i32, %c0_i32_0 : i32, i32
  }
  func.func @transform_24(%arg0: i32) -> (i32, i32) {
    %c0_i32 = arith.constant 0 : i32
    %c0_i32_0 = arith.constant 0 : i32
    %c0_i32_1 = arith.constant 0 : i32
    return %c0_i32, %c0_i32_0 : i32, i32
  }
  func.func @transform_25(%arg0: i32) -> (i32, i32) {
    %c0_i32 = arith.constant 0 : i32
    %c0_i32_0 = arith.constant 0 : i32
    %c0_i32_1 = arith.constant 0 : i32
    return %c0_i32, %c0_i32_0 : i32, i32
  }
  func.func @transform_26(%arg0: i32) -> (i32, i32) {
    %c0_i32 = arith.constant 0 : i32
    %c0_i32_0 = arith.constant 0 : i32
    %c0_i32_1 = arith.constant 0 : i32
    return %c0_i32, %c0_i32_0 : i32, i32
  }
  func.func @transform_27(%arg0: i32) -> (i32, i32) {
    %c0_i32 = arith.constant 0 : i32
    %c0_i32_0 = arith.constant 0 : i32
    %c0_i32_1 = arith.constant 0 : i32
    return %c0_i32, %c0_i32_0 : i32, i32
  }
}

</mosaic_0001>

<sc_bundles>
// kernel: kernel.5.cloned.1.call-start
scs
__scs_entry_jumppad:
0x0: {  	(pc) =	sbr.rel $0x88, $3  }
0x1: {  	(tag) =	ssettag $0x0;
	lr =	simm.s32 $0x1  }
0x2: {  	[smem:$0x3F8A] =	sst lr;
	_ =	strace $0xD0000000  }
0x3: {  	_ = 	snop  }
0x4: {  	_ = 	snop  }
0x5: {  	_ = 	snop  }
0x6: {  	_ = 	snop  }
0x7: {  	_ = 	snop  }
__scs_overlays_trampoline_lowered:
0x8: {  	[smem:$0x3F99] =	sst s0  }
0x9: {  	[smem:$0x3F9A] =	sst s1  }
0xa: {  	[smem:$0x3F9B] =	sst s2  }
0xb: {  	[smem:$0x3F9C] =	sst s3  }
0xc: {  	[smem:$0x3F9D] =	sst s4  }
0xd: {  	[smem:$0x3F9E] =	sst s5  }
0xe: {  	[smem:$0x3F9F] =	sst s6  }
0xf: {  	[smem:$0x3FA0] =	sst s7  }
0x10: {  	[smem:$0x3FA1] =	sst s8  }
0x11: {  	[smem:$0x3FA2] =	sst s9;
	s0 =	simm.s32 @!p0 $0x0  }
0x12: {  	s1 =	sld [smem:$0x3F88];
	s0 =	simm.s32 @p0 $0x1  }
0x13: {  	[smem:$0x3FA3] =	sst s0;
	s0 =	simm.s32 @!p1 $0x0  }
0x14: {  	s2 =	sld [smem:$0x3F87];
	s0 =	simm.s32 @p1 $0x1  }
0x15: {  	[smem:$0x3FA4] =	sst s0;
	s0 =	simm.s32 @!p2 $0x0  }
0x16: {  	s3 =	sld [smem:$0x3FDB];
	s0 =	simm.s32 @p2 $0x1  }
0x17: {  	s4 =	simm.s32 $0x1BF5;
	[smem:$0x3FA6] =	sst s0  }
0x18: {  	s0 =	sld [smem:$0x3F89];
	_ =	swait.ge [sflag:s4], $0x0  }
0x19: {  	s7 =	sld [smem:$0x3F8A]  }
0x1a: {  	s8 =	sadd.s32 $0xFFFFE003, lr  }
0x1b: {  	s9 =	sadd.s32 $0xFFFFFEF7, lr;
	s5 =	simm.s32 $0xFFFFFFFF;
	p2 =	slt.u32 s8, $0xFFFFF086  }
0x1c: {  	p1 =	slt.u32 s9, $0xF7A;
	s5 =	simm.s32 @!p2 $0x0  }
0x1d: {  	s5 =	simm.s32 @p1 $0x1;
	p0 =	seq.s32 s7, s2  }
0x1e: {  	s7 =	smul.u32 @!p0 $0xF7A, s2;
	p2 =	seq.s32 @!p0 s5, $0x0  }
0x1f: {  	s9 =	smul.u32 $0xF7A, s1;
	s8 =	simm.s32 @!p0 $0x1BF5;
	p2 =	por !p2, p0  }
0x20: {  	[sflag:s8] =	ssyncset.s32 @!p0 $0xFFFFF086;
	s6 =	sadd.s32 @!p0 s3, s7;
	s7 =	simm.s32 @!p0 $0x108  }
0x21: {  	s3 =	sadd.s32 s3, s9;
	s6 =	sadd.s32 @!p0 $0x88, s6;
	s7 =	simm.s32 @p2 $0x1082  }
0x22: {  	[simem:s7], [sflag:s8] =	dma.local @!p0 [hbm:s6], $0xF7A  }
0x23: {  	s9 =	sor.u32 $0xD0000000, s2;
	s6 =	simm.s32 $0x108;
	_ =	swait.ge @!p0 [sflag:s8], $0x0  }
0x24: {  	s3 =	sadd.s32 $0x88, s3;
	s6 =	simm.s32 @!p1 $0x1082;
	[sflag:s4] =	ssyncset.s32 $0xFFFFF086  }
0x25: {  	[simem:s6], [sflag:s4] =	dma.local [hbm:s3], $0xF7A  }
0x26: {  	[smem:$0x3F8A] =	sst s1;
	(tag) =	ssettag s2;
	_ =	strace s9  }
0x27: {  	s1 =	sld [smem:$0x3F9A]  }
0x28: {  	s2 =	sld [smem:$0x3F9B]  }
0x29: {  	s4 =	sld [smem:$0x3F9D]  }
0x2a: {  	p0 =	seq.s32 s5, $0x0;
	s5 =	sld [smem:$0x3F9E]  }
0x2b: {  	s6 =	sld [smem:$0x3F9F]  }
0x2c: {  	s7 =	sld [smem:$0x3FA0]  }
0x2d: {  	s3 =	simm.s32 $0x108;
	s8 =	sld [smem:$0x3FA1]  }
0x2e: {  	s3 =	simm.s32 @!p0 $0x1082;
	s9 =	sld [smem:$0x3FA2]  }
0x2f: {  	lr =	sadd.s32 s0, s3;
	s0 =	sld [smem:$0x3F99]  }
0x30: {  	s3 =	sld [smem:$0x3F9C]  }
0x31: {  	[smem:$0x3FA5] =	sst s10  }
0x32: {  	s10 =	sld [smem:$0x3FA3];
	_ =	sdelay $0x3  }
0x33: {  	p0 =	seq.s32 s10, $0x1;
	s10 =	sld [smem:$0x3FA5];
	_ =	sdelay $0x3  }
0x34: {  	[smem:$0x3FA5] =	sst s10  }
0x35: {  	s10 =	sld [smem:$0x3FA4];
	_ =	sdelay $0x3  }
0x36: {  	p1 =	seq.s32 s10, $0x1;
	s10 =	sld [smem:$0x3FA5];
	_ =	sdelay $0x3  }
0x37: {  	[smem:$0x3FA5] =	sst s10  }
0x38: {  	s10 =	sld [smem:$0x3FA6]  }
0x39: {  	_ = 	snop;
	(pc) =	sbr.ind lr, $3  }
0x3a: {  	_ = 	snop  }
0x3b: {  	_ = 	snop  }
0x3c: {  	p2 =	seq.s32 s10, $0x1;
	s10 =	sld [smem:$0x3FA5]  }
0x3d: {  	_ =	shalt  }
0x3e: {  	_ =	shalt  }
0x3f: {  	_ =	shalt  }
0x40: {  	_ =	shalt  }
0x41: {  	_ =	shalt  }
0x42: {  	_ =	shalt  }
0x43: {  	_ =	shalt  }
0x44: {  	_ =	shalt  }
0x45: {  	_ =	shalt  }
0x46: {  	_ =	shalt  }
0x47: {  	_ =	shalt  }
0x48: {  	_ =	shalt  }
0x49: {  	_ =	shalt  }
0x4a: {  	_ =	shalt  }
0x4b: {  	_ =	shalt  }
0x4c: {  	_ =	shalt  }
0x4d: {  	_ =	shalt  }
0x4e: {  	_ =	shalt  }
0x4f: {  	_ =	shalt  }
0x50: {  	_ =	shalt  }
0x51: {  	_ =	shalt  }
0x52: {  	_ =	shalt  }
0x53: {  	_ =	shalt  }
0x54: {  	_ =	shalt  }
0x55: {  	_ =	shalt  }
0x56: {  	_ =	shalt  }
0x57: {  	_ =	shalt  }
0x58: {  	_ =	shalt  }
0x59: {  	_ =	shalt  }
0x5a: {  	_ =	shalt  }
0x5b: {  	_ =	shalt  }
0x5c: {  	_ =	shalt  }
0x5d: {  	_ =	shalt  }
0x5e: {  	_ =	shalt  }
0x5f: {  	_ =	shalt  }
0x60: {  	_ =	shalt  }
0x61: {  	_ =	shalt  }
0x62: {  	_ =	shalt  }
0x63: {  	_ =	shalt  }
0x64: {  	_ =	shalt  }
0x65: {  	_ =	shalt  }
0x66: {  	_ =	shalt  }
0x67: {  	_ =	shalt  }
0x68: {  	_ =	shalt  }
0x69: {  	_ =	shalt  }
0x6a: {  	_ =	shalt  }
0x6b: {  	_ =	shalt  }
0x6c: {  	_ =	shalt  }
0x6d: {  	_ =	shalt  }
0x6e: {  	_ =	shalt  }
0x6f: {  	_ =	shalt  }
0x70: {  	_ =	shalt  }
0x71: {  	_ =	shalt  }
0x72: {  	_ =	shalt  }
0x73: {  	_ =	shalt  }
0x74: {  	_ =	shalt  }
0x75: {  	_ =	shalt  }
0x76: {  	_ =	shalt  }
0x77: {  	_ =	shalt  }
0x78: {  	_ =	shalt  }
0x79: {  	_ =	shalt  }
0x7a: {  	_ =	shalt  }
0x7b: {  	_ =	shalt  }
0x7c: {  	_ =	shalt  }
0x7d: {  	_ =	shalt  }
0x7e: {  	_ =	shalt  }
0x7f: {  	_ =	shalt  }
0x80: {  	_ =	shalt  }
0x81: {  	_ =	shalt  }
0x82: {  	_ =	shalt  }
0x83: {  	_ =	shalt  }
0x84: {  	_ =	shalt  }
0x85: {  	_ =	shalt  }
0x86: {  	_ =	shalt  }
0x87: {  	_ =	shalt  }
.Lfunc_end0:
.L_simem_size_0:
called_computation_lowered:
.L_overlay_start_0:
0x88: {  	s2 =	sld [smem:$0x3FD9]  }
0x89: {  	s3 =	sld [smem:$0x3FFE];
	_ =	sdelay $0x1  }
0x8a: {  	s1 =	srdreg.scid  }
0x8b: {  	s0 =	sand.u32 $0x1, s1  }
0x8c: {  	s14 =	sshll.u32 s0, $0xA;
	s2 =	sadd.s32 s3, s2  }
0x8d: {  	s2 =	sadd.s32 s2, s14  }
0x8e: {  	[smem:$0x3FB1] =	sst s2  }
0x8f: {  	_ = 	snop  }
0x90: {  	s2 =	sld [smem:$0x3FD0];
	_ =	sdelay $0x2  }
0x91: {  	s15 =	simm.s32 $0xA;
	s4 =	simm.s32 $0x10  }
0x92: {  	[smem:s4], [sflag:s15] =	dma.local [hbm:s2], $0x1  }
0x93: {  	_ =	swait.eq [sflag:s15], $0x1  }
0x94: {  	[sflag:s15] =	ssyncset.done $0x0  }
0x95: {  	[sflag:s15] =	ssyncadd.s32 $0xFFFFFFFF  }
0x96: {  	s16 =	sld [smem:$0x11];
	(tm) =	ssettm $0x1  }
0x97: {  	s17 =	sld [smem:$0x3FFB];
	_ =	sdelay $0x3  }
0x98: {  	_ =	strace s17  }
0x99: {  	s3 =	sld [smem:$0x3FFC];
	_ =	sdelay $0x3  }
0x9a: {  	_ =	strace s3  }
0x9b: {  	s3 =	sld [smem:$0x3FFD];
	_ =	sdelay $0x3  }
0x9c: {  	_ =	strace s3  }
0x9d: {  	_ =	strace $0x8FFFFFFF  }
0x9e: {  	s18 =	sld [smem:$0x3FDB];
	_ =	sdelay $0x1  }
0x9f: {  	s19 =	simm.s32 $_scs_section_size  }
0xa0: {  	s5 =	simm.s32 $_size__tile_overlayer_lowered;
	s6 =	simm.s32 $_tile_overlayer_lowered  }
0xa1: {  	s22 =	simm.s32 $0x1BFF;
	s21 =	sshll.u32 s6, $0x1;
	s3 =	sadd.s32 s19, s18  }
0xa2: {  	s7 =	simm.s32 $0x0;
	s20 =	sshll.u32 s5, $0x1;
	s5 =	sadd.s32 s21, s3  }
0xa3: {  	[timem:s7], [sflag:s22] =	dma.local [hbm:s5], s20  }
0xa4: {  	_ =	swait.ge [sflag:s22], s20  }
0xa5: {  	s4 =	ssub.s32 $0x0, s20;
	[sflag:s22] =	ssyncset.done $0x0  }
0xa6: {  	[sflag:s22] =	ssyncadd.s32 s4;
	_ =	sdelay $0x1  }
0xa7: {  	s23 =	simm.s32 $0x1B8B  }
0xa8: {  	_ =	swait.ge [sflag:s23], $0x1  }
0xa9: {  	[sflag:s23] =	ssyncset.done $0x0  }
0xaa: {  	s25 =	simm.s32 $0x1B8E;
	s24 =	sld [smem:$0x3FFE];
	[sflag:s23] =	ssyncadd.s32 $0xFFFFFFFF  }
0xab: {  	s26 =	simm.s32 $execute0_lowered;
	[smem:$0x3FD2] =	sst s25  }
0xac: {  	s5 =	sshll.u32 s26, $0x1;
	_ =	strace $0x80000046;
	[dreg:$0x1] =	wrdreg $0xFFFFFFFF  }
0xad: {  	s28 =	simm.s32 $_size_execute0_lowered;
	s3 =	sadd.s32 s3, s5;
	[dreg:$0x0] =	wrdreg $0x0  }
0xae: {  	s5 =	sshll.u32 s28, $0x1;
	[dreg:$0x2] =	wrdreg s3  }
0xaf: {  	[dreg:$0x3] =	wrdreg s5  }
0xb0: {  	[dreg:$0x4] =	wrdreg $0xC0  }
0xb1: {  	_ =	task [dreg:s7], $0x5FFFF  }
0xb2: {  	[dreg:$0x1] =	wrdreg $0xFFFFFFFF  }
0xb3: {  	[dreg:$0x0] =	wrdreg $0x60  }
0xb4: {  	[dreg:$0x2] =	wrdreg s24  }
0xb5: {  	[dreg:$0x3] =	wrdreg s16  }
0xb6: {  	[dreg:$0x4] =	wrdreg $0xB0800  }
0xb7: {  	[dreg:$0x5] =	wrdreg $0x1E9000  }
0xb8: {  	[dreg:$0x6] =	wrdreg $0x9  }
0xb9: {  	_ =	task.clear_ibuf [dreg:s7], $0x7FFFF;
	_ =	strace $0x90000046  }
0xba: {  	s29 =	simm.s32 $0x9;
	_ =	strace $0x80000048  }
0xbb: {  	_ =	swait.ge [sflag:s29], $0x1  }
0xbc: {  	[sflag:s29] =	ssyncadd.s32 $0xFFFFFFFF  }
0xbd: {  	_ =	strace $0x90000048  }
0xbe: {  	_ =	sfence  }
0xbf: {  	s30 =	sld [smem:$0x0];
	_ =	sdelay $0x2  }
0xc0: {  	s31 =	sshll.u32 s1, $0xD;
	s1 =	sshrl.u32 s1, $0x2  }
0xc1: {  	s3 =	sand.u32 $0x4000, s31;
	s1 =	sadd.s32 s1, s30  }
0xc2: {  	s0 =	sor.u32 s3, s0;
	s1 =	sshll.u32 s1, $0x11  }
0xc3: {  	s0 =	sor.u32 s1, s0  }
0xc4: {  	s0 =	sadd.s32 $0x8F2B, s0  }
0xc5: {  	[sflag:s0] =	ssyncadd.remote.s32 $0x1  }
0xc6: {  	_ =	sfence.sel $0xFFFF  }
0xc7: {  	[dreg:$0x0] =	wrdreg $0xFFFFFFFF;
	(pc) =	sbr.abs _section_cstart, $3  }
0xc8: {  	[dreg:$0x1] =	wrdreg $0xFFFFFFFF  }
0xc9: {  	_ =	task.clear_ibuf [dreg:s7], $0x2FFFF;
	_ =	strace $0x9FFFFFFF  }
0xca: {  	(tm) =	ssettm $0x7FFFFFFF  }
0xcb: {  	_ =	shalt  }
tec
execute0_lowered:
.L_overlay_start_1:
0x0: {  	(tag) =	ssettag $0x1  }
0x1: {  	s0 =	rddreg [dreg:$0x0]  }
0x2: {  	s2 =	rddreg [dreg:$0x2]  }
0x3: {  	s1 =	srdreg.scid;
	s3 =	rddreg [dreg:$0x3]  }
0x4: {  	s4 =	simm.s32 $0x0;
	s23 =	stileid.u32;
	s28 =	simm.s32 $0x80  }
0x5: {  	s29 =	simm.s32 $0x8800;
	s30 =	simm.s32 $0x1;
	s31 =	simm.s32 $0x3  }
0x6: {  	s1 =	sand.u32 $0x1, s1;
	[smem:$0x7FF] =	sst s4;
	s9 =	smul.u32 $0x4E000, s23  }
0x7: {  	s6 =	sshll.u32 s23, $0xB;
	s12 =	sadd.s32 $0x61800, s0;
	s24 =	smul.u32 $0x13800, s23  }
0x8: {  	s14 =	sadd.s32 $0x138000, s2;
	p0 =	sne.s32 s23, $0x0;
	s23 =	simm.s32 $0x6000  }
0x9: {  	s5 =	smul.u32 $0x138800, s1;
	_ =	strace $0x80000047;
	s10 =	sadd.s32 s6, s0  }
0xa: {  	s18 =	smul.u32 $0x4F0, s1;
	s11 =	ssub.s32 $0x2, s1;
	p1 =	sne.s32 s1, $0x0  }
0xb: {  	p2 =	seq.s32 s1, $0x0;
	s1 =	simm.s32 $0x5;
	s13 =	sshrl.u32 s11, $0x1  }
0xc: {  	s9 =	sshrl.u32 s9, $0x2;
	s15 =	sadd.s32 $0x2C00, s10;
	s16 =	sadd.s32 $0xAC00, s10  }
0xd: {  	s7 =	sshrl.u32 s5, $0x3;
	s11 =	ssub.s32 s11, s13;
	s6 =	sadd.s32 s9, s2  }
0xe: {  	s5 =	sadd.s32 s24, s5;
	s24 =	simm.s32 $0x6;
	s9 =	sadd.s32 $0x2800, s6  }
0xf: {  	s8 =	sadd.s32 s7, s0;
	s19 =	sadd.s32 $0x5000, s6;
	[dreg:$0x5] =	wrdreg s9  }
0x10: {  	s0 =	sadd.s32 s18, s0;
	s20 =	sadd.s32 $0x7800, s6;
	[dreg:$0x6] =	wrdreg s19  }
0x11: {  	s21 =	sadd.s32 $0xA000, s6;
	s22 =	sadd.s32 $0xC800, s6;
	[dreg:$0x7] =	wrdreg s20  }
0x12: {  	s25 =	sadd.s32 $0xF000, s6;
	s26 =	sadd.s32 $0x11800, s6;
	[dreg:$0x8] =	wrdreg s21  }
0x13: {  	s5 =	sshrl.u32 s5, $0x3;
	s7 =	sadd.s32 s12, s7;
	[dreg:$0x9] =	wrdreg s22  }
.Ltmp0:
0x14: {  	s18 =	sadd.s32 $0xB000, s10;
	[dreg:$0xa] =	wrdreg s25;
	(pc) =	sbr.rel .LBB2_1-.Ltmp0, $4  }
0x15: {  	[dreg:$0xb] =	wrdreg s26;
	s17 =	sadd.s32 $0x12C00, s8;
	s19 =	sadd.s32 s12, s5  }
0x16: {  	s20 =	sadd.s32 $0x27000, s7;
	s21 =	sadd.s32 $0x60E00, s0;
	s22 =	smax.u32 s11, $0x1  }
0x17: {  	s25 =	simm.s32 $0x2000;
	s26 =	simm.s32 $0x50;
	s0 =	simm.s32 $0x2  }
0x18: {  	v0 =	vimm.f32 $0.0e+00;
	v1 =	vimm.f32 $1.000000000e+00;
	s5 =	simm.s32 $0xB000;
	s7 =	simm.s32 $0x4;
	s8 =	simm.s32 $0x0  }
.LBB2_17:
0x19: {  	_ =	swait.ge [sflag:s30], $0x2800  }
0x1a: {  	[sflag:s30] =	ssyncset.done $0x0  }
0x1b: {  	s10 =	simm.s32 $0x5E00;
	[sflag:s30] =	ssyncadd.s32 $0xFFFFD800  }
0x1c: {  	[spmem:s2] =	stream.indirect.scatter.add.f32 [tilespmem:s23], [sflag:$0x3], $0x80, s10, s26, $0xb8;
	[tilespmem:$0x1EB78] =	vst v63  }
0x1d: {  	s10 =	simm.s32 @p2 $0x3  }
0x1e: {  	_ =	swait.ge @p2 [sflag:s10], $0x2800  }
0x1f: {  	[sflag:s10] =	ssyncset.done @p2 $0x0  }
0x20: {  	[sflag:s10] =	ssyncadd.s32 @p2 $0xFFFFD800;
	s10 =	simm.s32 @p2 $0x4  }
0x21: {  	_ =	swait.ge @p2 [sflag:s10], $0x2800  }
0x22: {  	[sflag:s10] =	ssyncset.done @p2 $0x0  }
0x23: {  	[sflag:s10] =	ssyncadd.s32 @p2 $0xFFFFD800;
	s10 =	simm.s32 @!p2 $0x5  }
0x24: {  	_ =	swait.ge @!p2 [sflag:s10], $0x50  }
0x25: {  	s11 =	simm.s32 @!p2 $0x50;
	[sflag:s10] =	ssyncset.done @!p2 $0x0  }
0x26: {  	s12 =	simm.s32 @!p2 $0x5E00;
	s13 =	simm.s32 @!p2 $0xB000;
	[sflag:s10] =	ssyncadd.s32 @!p2 $0xFFFFFFB0  }
0x27: {  	[spmem:s3] =	stream.indirect.scatter.add.f32 @!p2 [tilespmem:s13], [sflag:$0x5], $0x1, s12, s11, $0xb8;
	[tilespmem:$0x1EB78] =	vst v63  }
0x28: {  	s11 =	simm.s32 @!p2 $0x3  }
0x29: {  	_ =	swait.ge @!p2 [sflag:s11], $0x2800  }
0x2a: {  	[sflag:s11] =	ssyncset.done @!p2 $0x0  }
0x2b: {  	[sflag:s11] =	ssyncadd.s32 @!p2 $0xFFFFD800;
	s11 =	simm.s32 @!p2 $0x4  }
0x2c: {  	_ =	swait.ge @!p2 [sflag:s11], $0x2800  }
0x2d: {  	[sflag:s11] =	ssyncset.done @!p2 $0x0  }
0x2e: {  	[sflag:s11] =	ssyncadd.s32 @!p2 $0xFFFFD800  }
0x2f: {  	_ =	swait.ge @!p2 [sflag:s10], $0x50  }
0x30: {  	s12 =	stileid.u32;
	[sflag:s10] =	ssyncset.done @!p2 $0x0  }
0x31: {  	[sflag:s10] =	ssyncadd.s32 @!p2 $0xFFFFFFB0;
	s10 =	sshll.u32 s12, $0x6  }
0x32: {  	s13 =	sshrl.u32 s6, $0x3;
	[bflag:$0x0] =	sbarrier.arrive $0xFFFF;
	s10 =	sor.u32 $0x1C06, s10  }
0x33: {  	[hbm:s19], [sflag:s10] =	dma.local [spmem:s13], $0x2700  }
0x34: {  	_ =	swait.ge [sflag:s24], $0x2700  }
0x35: {  	[sflag:s24] =	ssyncset.done $0x0  }
0x36: {  	s11 =	sshrl.u32 @!p0 s14, $0x3;
	[sflag:s24] =	ssyncadd.s32 $0xFFFFD900  }
0x37: {  	[hbm:s20], [sflag:s10] =	dma.local @!p0 [spmem:s11], $0x100  }
0x38: {  	s11 =	simm.s32 @!p0 $0x6  }
0x39: {  	s8 =	sadd.s32 $0x1, s8;
	_ =	swait.ge @!p0 [sflag:s11], $0x100  }
0x3a: {  	p3 =	sne.s32 s8, s22;
	[sflag:s11] =	ssyncset.done @!p0 $0x0  }
.Ltmp1:
0x3b: {  	[sflag:s11] =	ssyncadd.s32 @!p0 $0xFFFFFF00;
	(pc) =	sbr.rel @!p3 .LBB2_18-.Ltmp1, $4  }
0x3c: {  	[hbm:s21], [sflag:s10] =	dma.local @!p0 [spmem:s9], $0x4F0  }
0x3d: {  	_ =	swait.ge @!p0 [sflag:s11], $0x4F0  }
0x3e: {  	[sflag:s11] =	ssyncset.done @!p0 $0x0  }
0x3f: {  	[sflag:s11] =	ssyncadd.s32 @!p0 $0xFFFFFB10  }
.LBB2_1:
0x40: {  	s9 =	simm.s32 $0x40;
	s10 =	simm.s32 $0x300  }
.LBB2_2:
0x41: {  	p3 =	sne.s32 s10, $0x9F00;
	[tilespmem:s9+$0x8830] =	vst v0  }
0x42: {  	[tilespmem:s9+$0x5FC0] =	vst v0  }
0x43: {  	[tilespmem:s9+$0x5FD0] =	vst v0  }
0x44: {  	[tilespmem:s9+$0x5FE0] =	vst v0  }
0x45: {  	[tilespmem:s9+$0x5FF0] =	vst v0  }
0x46: {  	[tilespmem:s9+$0x6000] =	vst v0  }
0x47: {  	[tilespmem:s9+$0x6010] =	vst v0  }
0x48: {  	[tilespmem:s9+$0x6020] =	vst v0  }
0x49: {  	[tilespmem:s9+$0x6030] =	vst v0  }
0x4a: {  	[tilespmem:s9+$0x87C0] =	vst v0  }
0x4b: {  	[tilespmem:s9+$0x87D0] =	vst v0  }
.Ltmp2:
0x4c: {  	[tilespmem:s9+$0x87E0] =	vst v0;
	(pc) =	sbr.rel @p3 .LBB2_2-.Ltmp2, $4  }
0x4d: {  	[tilespmem:s9+$0x87F0] =	vst v0  }
0x4e: {  	[tilespmem:s9+$0x8800] =	vst v0  }
0x4f: {  	[tilespmem:s9+$0x8810] =	vst v0  }
0x50: {  	[tilespmem:s9+$0x8820] =	vst v0;
	s9 =	sshra.s32 s10, $0x2;
	s10 =	sadd.s32 $0x200, s10  }
0x51: {  	[tilespmem:s9+$0x8830] =	vst v0  }
0x52: {  	[tilespmem:s9+$0x5FC0] =	vst v0  }
0x53: {  	[tilespmem:s9+$0x5FD0] =	vst v0  }
0x54: {  	[tilespmem:s9+$0x5FE0] =	vst v0  }
0x55: {  	[tilespmem:s9+$0x5FF0] =	vst v0  }
0x56: {  	[tilespmem:s9+$0x6000] =	vst v0  }
0x57: {  	[tilespmem:s9+$0x6010] =	vst v0  }
0x58: {  	[tilespmem:s9+$0x6020] =	vst v0  }
0x59: {  	[tilespmem:s9+$0x6030] =	vst v0  }
0x5a: {  	[tilespmem:s9+$0x87C0] =	vst v0  }
0x5b: {  	[tilespmem:s9+$0x87D0] =	vst v0  }
0x5c: {  	[tilespmem:s9+$0x87E0] =	vst v0  }
0x5d: {  	[tilespmem:s9+$0x87F0] =	vst v0  }
0x5e: {  	[tilespmem:s9+$0x8800] =	vst v0  }
0x5f: {  	[tilespmem:s9+$0x8810] =	vst v0  }
0x60: {  	[tilespmem:s9+$0x8820] =	vst v0  }
0x61: {  	[spmem:s6] =	stream.linear.scatter [tilespmem:s23], [sflag:$0x6], $0x2800, $0x38;
	[tilespmem:$0x1EB78] =	vst v63  }
0x62: {  	_ =	swait.ge [sflag:s24], $0x2800  }
0x63: {  	[sflag:s24] =	ssyncset.done $0x0  }
0x64: {  	s11 =	rddreg [dreg:$0x5];
	[sflag:s24] =	ssyncadd.s32 $0xFFFFD800  }
0x65: {  	[spmem:s11] =	stream.linear.scatter [tilespmem:s23], [sflag:$0x6], $0x2800, $0x38;
	[tilespmem:$0x1EB78] =	vst v63  }
0x66: {  	_ =	swait.ge [sflag:s24], $0x2800  }
0x67: {  	[sflag:s24] =	ssyncset.done $0x0  }
0x68: {  	s12 =	rddreg [dreg:$0x6];
	[sflag:s24] =	ssyncadd.s32 $0xFFFFD800  }
0x69: {  	[spmem:s12] =	stream.linear.scatter [tilespmem:s23], [sflag:$0x6], $0x2800, $0x38;
	[tilespmem:$0x1EB78] =	vst v63  }
0x6a: {  	_ =	swait.ge [sflag:s24], $0x2800  }
0x6b: {  	[sflag:s24] =	ssyncset.done $0x0  }
0x6c: {  	s13 =	rddreg [dreg:$0x7];
	[sflag:s24] =	ssyncadd.s32 $0xFFFFD800  }
0x6d: {  	[spmem:s13] =	stream.linear.scatter [tilespmem:s23], [sflag:$0x6], $0x2800, $0x38;
	[tilespmem:$0x1EB78] =	vst v63  }
0x6e: {  	_ =	swait.ge [sflag:s24], $0x2800  }
0x6f: {  	[sflag:s24] =	ssyncset.done $0x0  }
0x70: {  	s10 =	rddreg [dreg:$0x8];
	[sflag:s24] =	ssyncadd.s32 $0xFFFFD800  }
0x71: {  	[spmem:s10] =	stream.linear.scatter [tilespmem:s23], [sflag:$0x6], $0x2800, $0x38;
	[tilespmem:$0x1EB78] =	vst v63  }
0x72: {  	_ =	swait.ge [sflag:s24], $0x2800  }
0x73: {  	[sflag:s24] =	ssyncset.done $0x0  }
0x74: {  	s11 =	rddreg [dreg:$0x9];
	[sflag:s24] =	ssyncadd.s32 $0xFFFFD800  }
0x75: {  	[spmem:s11] =	stream.linear.scatter [tilespmem:s23], [sflag:$0x6], $0x2800, $0x38;
	[tilespmem:$0x1EB78] =	vst v63  }
0x76: {  	_ =	swait.ge [sflag:s24], $0x2800  }
0x77: {  	[sflag:s24] =	ssyncset.done $0x0  }
0x78: {  	s12 =	rddreg [dreg:$0xa];
	[sflag:s24] =	ssyncadd.s32 $0xFFFFD800  }
0x79: {  	[spmem:s12] =	stream.linear.scatter [tilespmem:s23], [sflag:$0x6], $0x2800, $0x38;
	[tilespmem:$0x1EB78] =	vst v63  }
0x7a: {  	_ =	swait.ge [sflag:s24], $0x2800  }
0x7b: {  	[sflag:s24] =	ssyncset.done $0x0  }
0x7c: {  	s13 =	rddreg [dreg:$0xb];
	[sflag:s24] =	ssyncadd.s32 $0xFFFFD800  }
0x7d: {  	[spmem:s13] =	stream.linear.scatter [tilespmem:s23], [sflag:$0x6], $0x2000, $0x38;
	[tilespmem:$0x1EB78] =	vst v63  }
0x7e: {  	_ =	swait.ge [sflag:s24], $0x2000  }
0x7f: {  	[sflag:s24] =	ssyncset.done $0x0  }
0x80: {  	s9 =	simm.s32 @!p0 $0x6000;
	s10 =	simm.s32 @!p0 $0x6;
	[sflag:s24] =	ssyncadd.s32 $0xFFFFE000  }
0x81: {  	[spmem:s14] =	stream.linear.scatter @!p0 [tilespmem:s9], [sflag:$0x6], $0x800, $0x38;
	[tilespmem:$0x1EB78] =	vst v63  }
0x82: {  	_ =	swait.ge @!p0 [sflag:s10], $0x800  }
0x83: {  	[sflag:s10] =	ssyncset.done @!p0 $0x0  }
0x84: {  	[sflag:s10] =	ssyncadd.s32 @!p0 $0xFFFFF800  }
0x85: {  	s11 =	simm.s32 @!p0 $0x1C06;
	s9 =	sshrl.u32 @!p0 s3, $0x3;
	s12 =	rddreg [dreg:$0x1]  }
0x86: {  	[spmem:s9], [sflag:s11] =	dma.local @!p0 [hbm:s12], $0x4F0  }
0x87: {  	_ =	swait.ge @!p0 [sflag:s10], $0x4F0  }
0x88: {  	[sflag:s10] =	ssyncset.done @!p0 $0x0  }
0x89: {  	[sflag:s10] =	ssyncadd.s32 @!p0 $0xFFFFFB10  }
0x8a: {  	[tilespmem:$0xB000] =	vst v1  }
0x8b: {  	[tilespmem:$0xB010] =	vst v1  }
0x8c: {  	[tilespmem:$0xB020] =	vst v1  }
0x8d: {  	[tilespmem:$0xB030] =	vst v1  }
0x8e: {  	[tilespmem:$0xB040] =	vst v1  }
0x8f: {  	[tilespmem:s25], [sflag:$0x6] =	stream.linear.gather [hbm4b:s15+s4], $0x3E80, $0x38;
	[tilespmem:$0x1EB78] =	vst v63  }
0x90: {  	_ =	swait.ge [sflag:s24], $0x3E80  }
0x91: {  	[sflag:s24] =	ssyncset.done $0x0  }
0x92: {  	[sflag:s24] =	ssyncadd.s32 $0xFFFFC180  }
0x93: {  	[bflag:$0x0] =	sbarrier.arrive $0xFFFF  }
0x94: {  	[tilespmem:s4], [sflag:$0x6] =	stream.linear.gather [hbm4b:s16+s4], $0x2000, $0x38;
	[tilespmem:$0x1EB78] =	vst v63  }
0x95: {  	_ =	swait.ge [sflag:s24], $0x2000  }
0x96: {  	[sflag:s24] =	ssyncset.done $0x0  }
0x97: {  	[sflag:s24] =	ssyncadd.s32 $0xFFFFE000  }
0x98: {  	[tilespmem:s23], [sflag:$0x1] =	stream.indirect.gather [hbm4b:s17+s26], $0x80, s4, s26, $0xb8;
	[tilespmem:$0x1EB78] =	vst v63  }
0x99: {  	_ = 	snop  }
0x9a: {  	[tilespmem:s29], [sflag:$0x2] =	stream.indirect.gather [hbm4b:s17+s26], $0x80, s28, s26, $0xb8;
	[tilespmem:$0x1EB78] =	vst v63  }
0x9b: {  	_ =	swait.ge [sflag:s30], $0x2800  }
0x9c: {  	[sflag:s30] =	ssyncset.done $0x0  }
.Ltmp3:
0x9d: {  	[sflag:s30] =	ssyncadd.s32 $0xFFFFD800;
	(pc) =	sbr.rel .LBB2_4-.Ltmp3, $4  }
0x9e: {  	[spmem:s2] =	stream.indirect.scatter.add.f32 [tilespmem:s23], [sflag:$0x3], $0x80, s25, s26, $0xb8;
	[tilespmem:$0x1EB78] =	vst v63  }
0x9f: {  	s11 =	simm.s32 @!p1 $0x2000;
	s12 =	simm.s32 @!p1 $0xB000;
	s10 =	simm.s32 @!p1 $0x50  }
0xa0: {  	[spmem:s3] =	stream.indirect.scatter.add.f32 @!p1 [tilespmem:s12], [sflag:$0x5], $0x1, s11, s10, $0xb8;
	[tilespmem:$0x1EB78] =	vst v63  }
0xa1: {  	s10 =	simm.s32 $0x1;
	s11 =	simm.s32 $0x2080;
	s12 =	simm.s32 $0x100  }
.LBB2_8:
0xa2: {  	_ =	swait.ge [sflag:s1], $0x50  }
0xa3: {  	[sflag:s1] =	ssyncset.done $0x0  }
0xa4: {  	[sflag:s1] =	ssyncadd.s32 $0xFFFFFFB0  }
0xa5: {  	[spmem:s3] =	stream.indirect.scatter.add.f32 [tilespmem:s5], [sflag:$0x5], $0x1, s13, s26, $0xb8;
	[tilespmem:$0x1EB78] =	vst v63  }
.LBB2_9:
0xa6: {  	s10 =	sadd.s32 $0x1, s10  }
0xa7: {  	p3 =	sne.s32 s10, $0x3F  }
.Ltmp4:
0xa8: {  	_ = 	snop;
	(pc) =	sbr.rel @!p3 .LBB2_10-.Ltmp4, $2  }
0xa9: {  	_ =	sdelay $0x2  }
0xaa: {  	s11 =	sadd.s32 $0x80, s11;
	s12 =	sadd.s32 $0x80, s12  }
.LBB2_4:
0xab: {  	s13 =	sand.u32 $0x1, s10  }
0xac: {  	p3 =	seq.s32 s13, $0x1  }
.Ltmp5:
0xad: {  	_ = 	snop;
	(pc) =	sbr.rel @!p3 .LBB2_5-.Ltmp5, $1  }
0xae: {  	_ =	sdelay $0x3  }
0xaf: {  	_ =	swait.ge [sflag:s31], $0x2800  }
0xb0: {  	[sflag:s31] =	ssyncset.done $0x0  }
0xb1: {  	[sflag:s31] =	ssyncadd.s32 $0xFFFFD800  }
0xb2: {  	[tilespmem:s23], [sflag:$0x1] =	stream.indirect.gather [hbm4b:s17+s26], $0x80, s12, s26, $0xb8;
	[tilespmem:$0x1EB78] =	vst v63  }
.Ltmp6:
0xb3: {  	_ = 	snop;
	(pc) =	sbr.rel @p1 .LBB2_9-.Ltmp6, $4  }
.Ltmp7:
0xb4: {  	_ =	swait.ge [sflag:s0], $0x2800;
	(pc) =	sbr.rel @!p1 .LBB2_8-.Ltmp7, $4  }
0xb5: {  	[sflag:s0] =	ssyncset.done $0x0  }
0xb6: {  	s13 =	smov.u32 s11;
	[sflag:s0] =	ssyncadd.s32 $0xFFFFD800  }
0xb7: {  	[spmem:s2] =	stream.indirect.scatter.add.f32 [tilespmem:s29], [sflag:$0x4], $0x80, s11, s26, $0xb8;
	[tilespmem:$0x1EB78] =	vst v63  }
0xb8: {  	_ = 	snop  }
.LBB2_5:
0xb9: {  	_ =	swait.ge [sflag:s7], $0x2800  }
0xba: {  	[sflag:s7] =	ssyncset.done $0x0  }
0xbb: {  	[sflag:s7] =	ssyncadd.s32 $0xFFFFD800  }
0xbc: {  	[tilespmem:s29], [sflag:$0x2] =	stream.indirect.gather [hbm4b:s17+s26], $0x80, s12, s26, $0xb8;
	[tilespmem:$0x1EB78] =	vst v63  }
.Ltmp8:
0xbd: {  	_ = 	snop;
	(pc) =	sbr.rel @!p2 .LBB2_9-.Ltmp8, $4  }
0xbe: {  	_ =	swait.ge [sflag:s30], $0x2800  }
0xbf: {  	[sflag:s30] =	ssyncset.done $0x0  }
0xc0: {  	[sflag:s30] =	ssyncadd.s32 $0xFFFFD800  }
0xc1: {  	[spmem:s2] =	stream.indirect.scatter.add.f32 [tilespmem:s23], [sflag:$0x3], $0x80, s11, s26, $0xb8;
	[tilespmem:$0x1EB78] =	vst v63  }
.Ltmp9:
0xc2: {  	(pc) =	sbr.rel .LBB2_8-.Ltmp9, $4  }
0xc3: {  	_ = 	snop  }
0xc4: {  	s13 =	sshll.u32 s10, $0x7  }
0xc5: {  	s13 =	sand.u32 $0x3FFFFF80, s13  }
0xc6: {  	s13 =	sadd.s32 $0x2000, s13  }
.LBB2_10:
0xc7: {  	_ =	swait.ge [sflag:s0], $0x2800  }
0xc8: {  	[sflag:s0] =	ssyncset.done $0x0  }
0xc9: {  	s10 =	simm.s32 $0x3F80;
	[sflag:s0] =	ssyncadd.s32 $0xFFFFD800  }
0xca: {  	[spmem:s2] =	stream.indirect.scatter.add.f32 [tilespmem:s29], [sflag:$0x4], $0x80, s10, s26, $0xb8;
	[tilespmem:$0x1EB78] =	vst v63  }
0xcb: {  	s10 =	simm.s32 @p1 $0x3  }
0xcc: {  	_ =	swait.ge @p1 [sflag:s10], $0x2800  }
0xcd: {  	[sflag:s10] =	ssyncset.done @p1 $0x0  }
0xce: {  	[sflag:s10] =	ssyncadd.s32 @p1 $0xFFFFD800;
	s10 =	simm.s32 @p1 $0x4  }
0xcf: {  	_ =	swait.ge @p1 [sflag:s10], $0x2800  }
0xd0: {  	[sflag:s10] =	ssyncset.done @p1 $0x0  }
0xd1: {  	[sflag:s10] =	ssyncadd.s32 @p1 $0xFFFFD800;
	s10 =	simm.s32 @!p1 $0x5  }
0xd2: {  	_ =	swait.ge @!p1 [sflag:s10], $0x50  }
0xd3: {  	s11 =	simm.s32 @!p1 $0x50;
	[sflag:s10] =	ssyncset.done @!p1 $0x0  }
0xd4: {  	s12 =	simm.s32 @!p1 $0x3F80;
	s13 =	simm.s32 @!p1 $0xB000;
	[sflag:s10] =	ssyncadd.s32 @!p1 $0xFFFFFFB0  }
0xd5: {  	[spmem:s3] =	stream.indirect.scatter.add.f32 @!p1 [tilespmem:s13], [sflag:$0x5], $0x1, s12, s11, $0xb8;
	[tilespmem:$0x1EB78] =	vst v63  }
0xd6: {  	s11 =	simm.s32 @!p1 $0x3  }
0xd7: {  	_ =	swait.ge @!p1 [sflag:s11], $0x2800  }
0xd8: {  	[sflag:s11] =	ssyncset.done @!p1 $0x0  }
0xd9: {  	[sflag:s11] =	ssyncadd.s32 @!p1 $0xFFFFD800;
	s11 =	simm.s32 @!p1 $0x4  }
0xda: {  	_ =	swait.ge @!p1 [sflag:s11], $0x2800  }
0xdb: {  	[sflag:s11] =	ssyncset.done @!p1 $0x0  }
0xdc: {  	[sflag:s11] =	ssyncadd.s32 @!p1 $0xFFFFD800  }
0xdd: {  	_ =	swait.ge @!p1 [sflag:s10], $0x50  }
0xde: {  	[sflag:s10] =	ssyncset.done @!p1 $0x0  }
0xdf: {  	[sflag:s10] =	ssyncadd.s32 @!p1 $0xFFFFFFB0  }
0xe0: {  	[tilespmem:s4], [sflag:$0x6] =	stream.linear.gather [hbm4b:s18+s4], $0x1E80, $0x38;
	[tilespmem:$0x1EB78] =	vst v63  }
0xe1: {  	_ =	swait.ge [sflag:s24], $0x1E80  }
0xe2: {  	[sflag:s24] =	ssyncset.done $0x0  }
0xe3: {  	[sflag:s24] =	ssyncadd.s32 $0xFFFFE180  }
0xe4: {  	[tilespmem:s23], [sflag:$0x1] =	stream.indirect.gather [hbm4b:s17+s26], $0x80, s4, s26, $0xb8;
	[tilespmem:$0x1EB78] =	vst v63  }
0xe5: {  	_ = 	snop  }
0xe6: {  	[tilespmem:s29], [sflag:$0x2] =	stream.indirect.gather [hbm4b:s17+s26], $0x80, s28, s26, $0xb8;
	[tilespmem:$0x1EB78] =	vst v63  }
0xe7: {  	_ =	swait.ge [sflag:s30], $0x2800  }
0xe8: {  	[sflag:s30] =	ssyncset.done $0x0  }
.Ltmp10:
0xe9: {  	s13 =	simm.s32 $0x4000;
	[sflag:s30] =	ssyncadd.s32 $0xFFFFD800;
	(pc) =	sbr.rel .LBB2_11-.Ltmp10, $4  }
0xea: {  	[spmem:s2] =	stream.indirect.scatter.add.f32 [tilespmem:s23], [sflag:$0x3], $0x80, s13, s26, $0xb8;
	[tilespmem:$0x1EB78] =	vst v63  }
0xeb: {  	s12 =	simm.s32 @!p2 $0xB000;
	s11 =	simm.s32 @!p2 $0x4000;
	s10 =	simm.s32 @!p2 $0x50  }
0xec: {  	[spmem:s3] =	stream.indirect.scatter.add.f32 @!p2 [tilespmem:s12], [sflag:$0x5], $0x1, s11, s10, $0xb8;
	[tilespmem:$0x1EB78] =	vst v63  }
0xed: {  	s10 =	simm.s32 $0x1;
	s11 =	simm.s32 $0x4080;
	s12 =	simm.s32 $0x100  }
.LBB2_15:
0xee: {  	_ =	swait.ge [sflag:s1], $0x50  }
0xef: {  	[sflag:s1] =	ssyncset.done $0x0  }
0xf0: {  	[sflag:s1] =	ssyncadd.s32 $0xFFFFFFB0  }
0xf1: {  	[spmem:s3] =	stream.indirect.scatter.add.f32 [tilespmem:s5], [sflag:$0x5], $0x1, s13, s26, $0xb8;
	[tilespmem:$0x1EB78] =	vst v63  }
.LBB2_16:
0xf2: {  	s10 =	sadd.s32 $0x1, s10  }
0xf3: {  	p3 =	sne.s32 s10, $0x3C  }
.Ltmp11:
0xf4: {  	_ = 	snop;
	(pc) =	sbr.rel @!p3 .LBB2_17-.Ltmp11, $2  }
0xf5: {  	_ =	sdelay $0x2  }
0xf6: {  	s11 =	sadd.s32 $0x80, s11;
	s12 =	sadd.s32 $0x80, s12  }
.LBB2_11:
0xf7: {  	s13 =	sand.u32 $0x1, s10  }
0xf8: {  	p3 =	seq.s32 s13, $0x1  }
.Ltmp12:
0xf9: {  	_ = 	snop;
	(pc) =	sbr.rel @!p3 .LBB2_12-.Ltmp12, $1  }
0xfa: {  	_ =	sdelay $0x3  }
0xfb: {  	_ =	swait.ge [sflag:s31], $0x2800  }
0xfc: {  	[sflag:s31] =	ssyncset.done $0x0  }
0xfd: {  	[sflag:s31] =	ssyncadd.s32 $0xFFFFD800  }
0xfe: {  	[tilespmem:s23], [sflag:$0x1] =	stream.indirect.gather [hbm4b:s17+s26], $0x80, s12, s26, $0xb8;
	[tilespmem:$0x1EB78] =	vst v63  }
.Ltmp13:
0xff: {  	_ = 	snop;
	(pc) =	sbr.rel @p2 .LBB2_16-.Ltmp13, $4  }
0x100: {  	_ =	swait.ge [sflag:s0], $0x2800  }
0x101: {  	[sflag:s0] =	ssyncset.done $0x0  }
0x102: {  	[sflag:s0] =	ssyncadd.s32 $0xFFFFD800  }
0x103: {  	[spmem:s2] =	stream.indirect.scatter.add.f32 [tilespmem:s29], [sflag:$0x4], $0x80, s11, s26, $0xb8;
	[tilespmem:$0x1EB78] =	vst v63  }
.Ltmp14:
0x104: {  	(pc) =	sbr.rel .LBB2_15-.Ltmp14, $4  }
0x105: {  	_ = 	snop  }
0x106: {  	s13 =	sshll.u32 s10, $0x7  }
0x107: {  	s13 =	sand.u32 $0x3FFFFF80, s13  }
0x108: {  	s13 =	sadd.s32 $0x4000, s13  }
.LBB2_12:
0x109: {  	_ =	swait.ge [sflag:s7], $0x2800  }
0x10a: {  	[sflag:s7] =	ssyncset.done $0x0  }
0x10b: {  	[sflag:s7] =	ssyncadd.s32 $0xFFFFD800  }
0x10c: {  	[tilespmem:s29], [sflag:$0x2] =	stream.indirect.gather [hbm4b:s17+s26], $0x80, s12, s26, $0xb8;
	[tilespmem:$0x1EB78] =	vst v63  }
.Ltmp15:
0x10d: {  	_ = 	snop;
	(pc) =	sbr.rel @p2 .LBB2_16-.Ltmp15, $4  }
.Ltmp16:
0x10e: {  	_ =	swait.ge [sflag:s30], $0x2800;
	(pc) =	sbr.rel @!p2 .LBB2_15-.Ltmp16, $4  }
0x10f: {  	[sflag:s30] =	ssyncset.done $0x0  }
0x110: {  	s13 =	smov.u32 s11;
	[sflag:s30] =	ssyncadd.s32 $0xFFFFD800  }
0x111: {  	[spmem:s2] =	stream.indirect.scatter.add.f32 [tilespmem:s23], [sflag:$0x3], $0x80, s11, s26, $0xb8;
	[tilespmem:$0x1EB78] =	vst v63  }
0x112: {  	_ = 	snop  }
.LBB2_18:
0x113: {  	_ =	sfence.sel $0x180000  }
0x114: {  	[bflag:$0x0] =	sbarrier.arrive $0xFFFF  }
0x115: {  	_ =	strace $0x90000047  }
0x116: {  	[bflag:$0x2] =	sbarrier.arrive $0xFFFF  }
0x117: {  	s0 =	rddreg [dreg:$0x4]  }
0x118: {  	s0 =	sadd.s32 @!p0 $0x100000, s0  }
0x119: {  	[sflag:s0] =	ssyncadd.tile.s32 @!p0 $0x1;
	_ =	shalt  }
.Lfunc_end2:
_tile_overlayer_lowered:
.L_overlay_start_2:
0x11a: {  	(tag) =	ssettag $0x2  }
0x11b: {  	s0 =	rddreg [dreg:$0x0];
	s2 =	stileid.u32  }
0x11c: {  	s1 =	rddreg [dreg:$0x1];
	p0 =	sne.s32 s2, $0x0  }
0x11d: {  	s3 =	rddreg [dreg:$0x2];
	[bflag:$0x3] =	sbarrier.arrive $0xFFFF;
	s2 =	simm.s32 @!p0 $0x1C06  }
0x11e: {  	[timem:s3], [sflag:s2] =	dma.local @!p0 [hbm:s0], s1  }
0x11f: {  	s0 =	simm.s32 @!p0 $0x6  }
0x120: {  	_ =	swait.ge @!p0 [sflag:s0], s1  }
0x121: {  	s1 =	ssub.s32 @!p0 $0x0, s1;
	[sflag:s0] =	ssyncset.done @!p0 $0x0  }
0x122: {  	[sflag:s0] =	ssyncadd.s32 @!p0 s1  }
0x123: {  	[bflag:$0x3] =	sbarrier.arrive $0xFFFF  }
0x124: {  	_ =	shalt  }

</sc_bundles>
